<compile_context>
chip_gen: v7x
topology: tpu7x:2x2x1
jax: 0.10.2.dev20260603
libtpu: 0.0.44.dev20260713+nightly
codegen_flags: <defaults>
</compile_context>

<pallas_src>
import functools

import jax
import jax.numpy as jnp
from jax import lax
from jax.experimental import pallas as pl
from jax.experimental.pallas import tpu as pltpu
from jax.experimental.pallas import tpu_sc as plsc

_N = 10000
_E = 320000
_D_IN = 128
_D_OUT = 128
_D_HID = 256

_NC = 2
_NS = 16
_NP = 10240
_RPT = _NP // _NS

_C = 125
_R = _E // _C
_ESC = _E // _NC
_CH1 = _ESC // _NS // _C
_CH2 = _E // _NS // _C

_mesh = plsc.VectorSubcoreMesh(core_axis_name="c", subcore_axis_name="s")


@functools.partial(
    pl.kernel,
    out_type=jax.ShapeDtypeStruct((_NC * _NP, 16), jnp.float32),
    mesh=_mesh,
    scratch_types=[
        pltpu.VMEM((_CH1, _C), jnp.int32),
        pltpu.VMEM((128, 16), jnp.float32),
        pltpu.SemaphoreType.DMA,
        pltpu.VMEM_SHARED((_NP, 16), jnp.float32),
    ],
)
def _sc_degree(dst_hbm, ones_hbm, out_hbm, dst_v, ones_v, sem, acc):
    c = lax.axis_index("c")
    s = lax.axis_index("s")
    row0 = c * (_ESC // _C) + s * _CH1
    base = s * _RPT
    pltpu.sync_copy(dst_hbm.at[pl.ds(row0, _CH1)], dst_v)
    pltpu.sync_copy(ones_hbm.at[pl.ds(0, 128)], ones_v)
    pltpu.sync_copy(ones_hbm.at[pl.ds(base, _RPT)], acc.at[pl.ds(base, _RPT)])
    plsc.subcore_barrier()

    def issue(k):
        pltpu.async_copy(ones_v.at[pl.ds(0, _C)], acc.at[dst_v.at[k]], sem,
                         add=True)

    def wait_one():
        pltpu.make_async_copy(ones_v.at[pl.ds(0, _C)], acc.at[dst_v.at[0]],
                              sem).wait()

    _OUT = 4
    for k in range(_OUT):
        issue(k)

    def body(k, carry):
        wait_one()
        issue(k + _OUT)
        return carry

    lax.fori_loop(0, _CH1 - _OUT, body, 0)
    for _ in range(_OUT):
        wait_one()
    plsc.subcore_barrier()
    pltpu.sync_copy(acc.at[pl.ds(base, _RPT)],
                    out_hbm.at[pl.ds(c * _NP + base, _RPT)])


_CR = 40
_PAIRS = _CR // 2


def _run_rounds(tables, c, src_hbm, dst_hbm, src_v, dst_v, rowsA, rowsB,
                sga, sgb, ssa, ssb, acc, row0, nrounds):

    def issue_gather(k, buf, sem):
        if len(tables) == 1:
            pltpu.async_copy(tables[0].at[src_v.at[k]], buf, sem)
        else:
            @pl.when(c == 0)
            def _():
                pltpu.async_copy(tables[0].at[src_v.at[k]], buf, sem)

            @pl.when(c == 1)
            def _():
                pltpu.async_copy(tables[1].at[src_v.at[k]], buf, sem)

    def wait_gather(buf, sem):
        pltpu.make_async_copy(tables[0].at[src_v.at[0]], buf, sem).wait()

    def wait_scatter(buf, sem):
        pltpu.make_async_copy(buf, acc.at[dst_v.at[0]], sem).wait()

    for r in range(nrounds):
        base_r = row0 + r * _CR
        pltpu.sync_copy(src_hbm.at[pl.ds(base_r, _CR)], src_v)
        pltpu.sync_copy(dst_hbm.at[pl.ds(base_r, _CR)], dst_v)
        issue_gather(0, rowsA, sga)
        issue_gather(1, rowsB, sgb)

        def pair(j, carry):
            k0 = 2 * j
            wait_gather(rowsA, sga)
            pltpu.async_copy(rowsA, acc.at[dst_v.at[k0]], ssa, add=True)
            wait_gather(rowsB, sgb)
            pltpu.async_copy(rowsB, acc.at[dst_v.at[k0 + 1]], ssb, add=True)

            @pl.when(j < _PAIRS - 1)
            def _():
                wait_scatter(rowsA, ssa)
                issue_gather(k0 + 2, rowsA, sga)
                wait_scatter(rowsB, ssb)
                issue_gather(k0 + 3, rowsB, sgb)
            return carry

        lax.fori_loop(0, _PAIRS, pair, 0)
        wait_scatter(rowsA, ssa)
        wait_scatter(rowsB, ssb)


_PASS_SCRATCH = [
    pltpu.VMEM((_CR, _C), jnp.int32),
    pltpu.VMEM((_CR, _C), jnp.int32),
    pltpu.VMEM((_C, 128), jnp.float32),
    pltpu.VMEM((_C, 128), jnp.float32),
    pltpu.SemaphoreType.DMA,
    pltpu.SemaphoreType.DMA,
    pltpu.SemaphoreType.DMA,
    pltpu.SemaphoreType.DMA,
    pltpu.VMEM_SHARED((_NP, 128), jnp.float32),
]


@functools.partial(
    pl.kernel,
    out_type=jax.ShapeDtypeStruct((_NC * _NP, 128), jnp.float32),
    mesh=_mesh,
    scratch_types=_PASS_SCRATCH,
)
def _sc_pass1(xs_hbm, src_hbm, dst_hbm, out_hbm, src_v, dst_v, rowsA, rowsB,
              sga, sgb, ssa, ssb, acc):
    c = lax.axis_index("c")
    s = lax.axis_index("s")
    row0 = c * (_ESC // _C) + s * _CH1
    base = s * _RPT
    pltpu.sync_copy(xs_hbm.at[pl.ds(base, _RPT)], acc.at[pl.ds(base, _RPT)])
    plsc.subcore_barrier()
    _run_rounds((xs_hbm,), c, src_hbm, dst_hbm, src_v, dst_v, rowsA, rowsB,
                sga, sgb, ssa, ssb, acc, row0, _CH1 // _CR)
    plsc.subcore_barrier()
    pltpu.sync_copy(acc.at[pl.ds(base, _RPT)],
                    out_hbm.at[pl.ds(c * _NP + base, _RPT)])


@functools.partial(
    pl.kernel,
    out_type=jax.ShapeDtypeStruct((_NC * _NP, 128), jnp.float32),
    mesh=_mesh,
    scratch_types=_PASS_SCRATCH,
)
def _sc_pass2(h0_hbm, h1_hbm, src_hbm, dst_hbm, out_hbm, src_v, dst_v,
              rowsA, rowsB, sga, sgb, ssa, ssb, acc):
    c = lax.axis_index("c")
    s = lax.axis_index("s")
    row0 = s * _CH2
    base = s * _RPT

    @pl.when(c == 0)
    def _():
        pltpu.sync_copy(h0_hbm.at[pl.ds(base, _RPT)], acc.at[pl.ds(base, _RPT)])

    @pl.when(c == 1)
    def _():
        pltpu.sync_copy(h1_hbm.at[pl.ds(base, _RPT)], acc.at[pl.ds(base, _RPT)])

    plsc.subcore_barrier()
    _run_rounds((h0_hbm, h1_hbm), c, src_hbm, dst_hbm, src_v, dst_v,
                rowsA, rowsB, sga, sgb, ssa, ssb, acc, row0, _CH2 // _CR)
    plsc.subcore_barrier()
    pltpu.sync_copy(acc.at[pl.ds(base, _RPT)],
                    out_hbm.at[pl.ds(c * _NP + base, _RPT)])


_BN = 1024


def _tc_a(x, d):
    def body(x_ref, d0_ref, d1_ref, xs_ref, dis_ref):
        deg = d0_ref[:, 0:1] + d1_ref[:, 0:1] - 1.0
        dis = 1.0 / jnp.sqrt(deg)
        xs_ref[...] = x_ref[...] * dis
        dis_ref[...] = jnp.broadcast_to(dis, dis_ref.shape)

    nb = _NP // _BN
    return pl.pallas_call(
        body,
        grid=(nb,),
        in_specs=[
            pl.BlockSpec((_BN, _D_IN), lambda i: (i, 0)),
            pl.BlockSpec((_BN, 16), lambda i: (i, 0)),
            pl.BlockSpec((_BN, 16), lambda i: (i + nb, 0)),
        ],
        out_specs=[
            pl.BlockSpec((_BN, _D_IN), lambda i: (i, 0)),
            pl.BlockSpec((_BN, 8), lambda i: (i, 0)),
        ],
        out_shape=[
            jax.ShapeDtypeStruct((_NP, _D_IN), jnp.float32),
            jax.ShapeDtypeStruct((_NP, 8), jnp.float32),
        ],
    )(x, d, d)


def _tc_b(p, xs, dis, W1, b1):
    def body(p0_ref, p1_ref, xs_ref, dis_ref, w_ref, b_ref, h0_ref, h1_ref):
        dis = dis_ref[:, 0:1]
        agg = dis * (p0_ref[...] + p1_ref[...] - xs_ref[...])
        h = jnp.dot(agg, w_ref[...], preferred_element_type=jnp.float32) + b_ref[...]
        h = jnp.where(h >= 0.0, h, 0.01 * h)
        h0_ref[...] = h[:, :128] * dis
        h1_ref[...] = h[:, 128:] * dis

    nb = _NP // _BN
    return pl.pallas_call(
        body,
        grid=(nb,),
        in_specs=[
            pl.BlockSpec((_BN, 128), lambda i: (i, 0)),
            pl.BlockSpec((_BN, 128), lambda i: (i + nb, 0)),
            pl.BlockSpec((_BN, 128), lambda i: (i, 0)),
            pl.BlockSpec((_BN, 8), lambda i: (i, 0)),
            pl.BlockSpec((_D_IN, _D_HID), lambda i: (0, 0)),
            pl.BlockSpec((1, _D_HID), lambda i: (0, 0)),
        ],
        out_specs=[
            pl.BlockSpec((_BN, 128), lambda i: (i, 0)),
            pl.BlockSpec((_BN, 128), lambda i: (i, 0)),
        ],
        out_shape=[
            jax.ShapeDtypeStruct((_NP, 128), jnp.float32),
            jax.ShapeDtypeStruct((_NP, 128), jnp.float32),
        ],
    )(p, p, xs, dis, W1, b1)


def _tc_c(q, dis, Wmu, bmu, Wls, bls):
    def body(q0_ref, q1_ref, dis_ref, wmu_ref, bmu_ref, wls_ref, bls_ref,
             mu_ref, ls_ref):
        a0 = dis_ref[:, 0:1] * q0_ref[...]
        a1 = dis_ref[:, 0:1] * q1_ref[...]
        mu_ref[...] = (
            jnp.dot(a0, wmu_ref[:128, :], preferred_element_type=jnp.float32)
            + jnp.dot(a1, wmu_ref[128:, :], preferred_element_type=jnp.float32)
            + bmu_ref[...])
        ls_ref[...] = (
            jnp.dot(a0, wls_ref[:128, :], preferred_element_type=jnp.float32)
            + jnp.dot(a1, wls_ref[128:, :], preferred_element_type=jnp.float32)
            + bls_ref[...])

    nb = _NP // _BN
    return pl.pallas_call(
        body,
        grid=(nb,),
        in_specs=[
            pl.BlockSpec((_BN, 128), lambda i: (i, 0)),
            pl.BlockSpec((_BN, 128), lambda i: (i + nb, 0)),
            pl.BlockSpec((_BN, 8), lambda i: (i, 0)),
            pl.BlockSpec((_D_HID, _D_OUT), lambda i: (0, 0)),
            pl.BlockSpec((1, _D_OUT), lambda i: (0, 0)),
            pl.BlockSpec((_D_HID, _D_OUT), lambda i: (0, 0)),
            pl.BlockSpec((1, _D_OUT), lambda i: (0, 0)),
        ],
        out_specs=[
            pl.BlockSpec((_BN, _D_OUT), lambda i: (i, 0)),
            pl.BlockSpec((_BN, _D_OUT), lambda i: (i, 0)),
        ],
        out_shape=[
            jax.ShapeDtypeStruct((_N, _D_OUT), jnp.float32),
            jax.ShapeDtypeStruct((_N, _D_OUT), jnp.float32),
        ],
    )(q, q, dis, Wmu, bmu, Wls, bls)


def kernel(x, edge_index, W1, b1, Wmu, bmu, Wls, bls):
    src = edge_index[0].reshape(_R, _C)
    dst = edge_index[1].reshape(_R, _C)
    ones = jnp.ones((_NP, 16), jnp.float32)

    d = _sc_degree(dst, ones)
    xs, dis = _tc_a(x, d)
    p = _sc_pass1(xs, src, dst)
    h0, h1 = _tc_b(p, xs, dis, W1, b1.reshape(1, _D_HID))
    q = _sc_pass2(h0, h1, src, dst)
    mu, ls = _tc_c(q, dis, Wmu, bmu.reshape(1, _D_OUT),
                   Wls, bls.reshape(1, _D_OUT))
    return (mu, ls)

# --- scband reference (transcript-rebuilt; emitter-appended) ---
"""Pipeline reference for scband-variational-gcnencoder-46583215292646 (READ-ONLY COPY).

The authoritative reference and input builder live on the scoring server;
editing this copy changes nothing except your own understanding.
"""

import jax, jax.numpy as jnp
import numpy as np

N = 10000
E = 320000
D_IN = 128
D_OUT = 128
D_HID = 2 * D_OUT


def gcn_conv(x, edge_index, W, b):
    # Faithful PyG GCNConv: add self-loops, symmetric normalization,
    # linear transform, scatter-add aggregation, bias.
    n = x.shape[0]
    src = edge_index[0]
    dst = edge_index[1]
    loop = jnp.arange(n, dtype=src.dtype)
    src = jnp.concatenate([src, loop])
    dst = jnp.concatenate([dst, loop])
    ones = jnp.ones(src.shape[0], dtype=x.dtype)
    deg = jax.ops.segment_sum(ones, dst, num_segments=n)
    deg_inv_sqrt = jnp.where(deg > 0, 1.0 / jnp.sqrt(deg), 0.0)
    norm = deg_inv_sqrt[src] * deg_inv_sqrt[dst]
    h = x @ W
    msg = h[src] * norm[:, None]
    out = jax.ops.segment_sum(msg, dst, num_segments=n)
    return out + b


def setup_inputs(seed: int = 0) -> dict:
    key = jax.random.key(seed)
    ks = jax.random.split(key, 8)
    x = jax.random.normal(ks[0], (N, D_IN), dtype=jnp.float32)
    edge_index = jax.random.randint(ks[1], (2, E), 0, N, dtype=jnp.int32)
    W1 = jax.random.normal(ks[2], (D_IN, D_HID), dtype=jnp.float32) * 0.05
    b1 = jnp.zeros((D_HID,), dtype=jnp.float32)
    Wmu = jax.random.normal(ks[3], (D_HID, D_OUT), dtype=jnp.float32) * 0.05
    bmu = jnp.zeros((D_OUT,), dtype=jnp.float32)
    Wls = jax.random.normal(ks[4], (D_HID, D_OUT), dtype=jnp.float32) * 0.05
    bls = jnp.zeros((D_OUT,), dtype=jnp.float32)
    return {"x": x, "edge_index": edge_index, "W1": W1, "b1": b1,
            "Wmu": Wmu, "bmu": bmu, "Wls": Wls, "bls": bls}


def reference(x, edge_index, W1, b1, Wmu, bmu, Wls, bls):
    h = gcn_conv(x, edge_index, W1, b1)
    # dropout is identity in eval mode
    h = jax.nn.leaky_relu(h, negative_slope=0.01)
    mu = gcn_conv(h, edge_index, Wmu, bmu)
    logstd = gcn_conv(h, edge_index, Wls, bls)
    return (mu, logstd)

if __name__ == "__main__":
    import jax
    _d = setup_inputs()
    print(jax.jit(kernel)(*tuple(_d.values())))

</pallas_src>

<mosaic_0001>
#map = affine_map<(d0, d1) -> (0, 0)>
module attributes {stable_mosaic.version = 14 : i64} {
  func.func @_sc_pass1(%arg0: i32, %arg1: i32, %arg2: memref<10240x128xf32, #tpu.memory_space<hbm>>, %arg3: memref<2560x125xi32, #tpu.memory_space<hbm>>, %arg4: memref<2560x125xi32, #tpu.memory_space<hbm>>, %arg5: memref<20480x128xf32, #tpu.memory_space<hbm>>, %arg6: memref<40x125xi32, #tpu.memory_space<vmem>>, %arg7: memref<40x125xi32, #tpu.memory_space<vmem>>, %arg8: memref<125x128xf32, #tpu.memory_space<vmem>>, %arg9: memref<125x128xf32, #tpu.memory_space<vmem>>, %arg10: memref<!tpu.dma_semaphore, #tpu.memory_space<semaphore_mem>>, %arg11: memref<!tpu.dma_semaphore, #tpu.memory_space<semaphore_mem>>, %arg12: memref<!tpu.dma_semaphore, #tpu.memory_space<semaphore_mem>>, %arg13: memref<!tpu.dma_semaphore, #tpu.memory_space<semaphore_mem>>, %arg14: memref<10240x128xf32, #tpu.memory_space<vmem_shared>>) attributes {dimension_semantics = [#tpu.dimension_semantics<core_parallel>, #tpu.dimension_semantics<subcore_parallel>], iteration_bounds = array<i64: 2, 16>, scalar_prefetch = 0 : i64, scratch_operands = 9 : i64, tpu.core_type = #tpu.core_type<sc_vector_subcore>, window_params = [{transform_indices = #map}, {transform_indices = #map}, {transform_indices = #map}, {transform_indices = #map}]} {
    %mul3A = arith.constant 1280 : i32
    %mul3A_0 = arith.muli %arg0, %mul3A : i32
    %mul3A_1 = arith.constant 80 : i32
    %mul3A_2 = arith.muli %arg1, %mul3A_1 : i32
    %add3A = arith.addi %mul3A_0, %mul3A_2 : i32
    %mul3A_3 = arith.constant 640 : i32
    %mul3A_4 = arith.muli %arg1, %mul3A_3 : i32
    "tpu.region"() ({
      %run_scoped3A = tpu.sem_alloc : memref<!tpu.dma_semaphore, #tpu.memory_space<semaphore_mem>>
      %dma_start3A_78 = arith.constant 0 : i32
      %dma_start3A_79 = tpu.memref_slice %arg14[%mul3A_4, %dma_start3A_78] : memref<10240x128xf32, #tpu.memory_space<vmem_shared>> -> memref<640x128xf32, #tpu.memory_space<vmem_shared>>
      %dma_start3A_80 = arith.constant 0 : i32
      %dma_start3A_81 = tpu.memref_slice %arg2[%mul3A_4, %dma_start3A_80] : memref<10240x128xf32, #tpu.memory_space<hbm>> -> memref<640x128xf32, #tpu.memory_space<hbm>>
      tpu.enqueue_dma source(%dma_start3A_81 : memref<640x128xf32, #tpu.memory_space<hbm>>) target(%dma_start3A_79 : memref<640x128xf32, #tpu.memory_space<vmem_shared>>) target_semaphore(%run_scoped3A : memref<!tpu.dma_semaphore, #tpu.memory_space<semaphore_mem>>)
      %dma_wait3A_82 = arith.constant 0 : i32
      %dma_wait3A_83 = tpu.memref_slice %arg14[%mul3A_4, %dma_wait3A_82] : memref<10240x128xf32, #tpu.memory_space<vmem_shared>> -> memref<640x128xf32, #tpu.memory_space<vmem_shared>>
      %dma_wait3A_84 = arith.constant 0 : i32
      %dma_wait3A_85 = tpu.memref_slice %arg2[%mul3A_4, %dma_wait3A_84] : memref<10240x128xf32, #tpu.memory_space<hbm>> -> memref<640x128xf32, #tpu.memory_space<hbm>>
      tpu.wait_dma2 semaphore(%run_scoped3A : memref<!tpu.dma_semaphore, #tpu.memory_space<semaphore_mem>>) src(%dma_wait3A_85 : memref<640x128xf32, #tpu.memory_space<hbm>>) dst(%dma_wait3A_83 : memref<640x128xf32, #tpu.memory_space<vmem_shared>>)
      tpu.yield
    }) : () -> ()
    %barrier3A = arith.constant 0 : index
    tpu.barrier barrier_id(%barrier3A)
    %add3A_5 = arith.constant 0 : i32
    %add3A_6 = arith.addi %add3A, %add3A_5 : i32
    "tpu.region"() ({
      %run_scoped3A = tpu.sem_alloc : memref<!tpu.dma_semaphore, #tpu.memory_space<semaphore_mem>>
      %dma_start3A_78 = arith.constant 0 : i32
      %dma_start3A_79 = tpu.memref_slice %arg3[%add3A_6, %dma_start3A_78] : memref<2560x125xi32, #tpu.memory_space<hbm>> -> memref<40x125xi32, #tpu.memory_space<hbm>>
      %dma_start3A_80 = arith.constant 0 : i32
      %dma_start3A_81 = tpu.memref_slice %arg3[%add3A_6, %dma_start3A_80] : memref<2560x125xi32, #tpu.memory_space<hbm>> -> memref<40x125xi32, #tpu.memory_space<hbm>>
      tpu.enqueue_dma source(%dma_start3A_81 : memref<40x125xi32, #tpu.memory_space<hbm>>) target(%arg6 : memref<40x125xi32, #tpu.memory_space<vmem>>) target_semaphore(%run_scoped3A : memref<!tpu.dma_semaphore, #tpu.memory_space<semaphore_mem>>)
      %dma_wait3A_82 = arith.constant 0 : i32
      %dma_wait3A_83 = tpu.memref_slice %arg3[%add3A_6, %dma_wait3A_82] : memref<2560x125xi32, #tpu.memory_space<hbm>> -> memref<40x125xi32, #tpu.memory_space<hbm>>
      %dma_wait3A_84 = arith.constant 0 : i32
      %dma_wait3A_85 = tpu.memref_slice %arg3[%add3A_6, %dma_wait3A_84] : memref<2560x125xi32, #tpu.memory_space<hbm>> -> memref<40x125xi32, #tpu.memory_space<hbm>>
      tpu.wait_dma2 semaphore(%run_scoped3A : memref<!tpu.dma_semaphore, #tpu.memory_space<semaphore_mem>>) src(%dma_wait3A_85 : memref<40x125xi32, #tpu.memory_space<hbm>>) dst(%arg6 : memref<40x125xi32, #tpu.memory_space<vmem>>)
      tpu.yield
    }) : () -> ()
    "tpu.region"() ({
      %run_scoped3A = tpu.sem_alloc : memref<!tpu.dma_semaphore, #tpu.memory_space<semaphore_mem>>
      %dma_start3A_78 = arith.constant 0 : i32
      %dma_start3A_79 = tpu.memref_slice %arg4[%add3A_6, %dma_start3A_78] : memref<2560x125xi32, #tpu.memory_space<hbm>> -> memref<40x125xi32, #tpu.memory_space<hbm>>
      %dma_start3A_80 = arith.constant 0 : i32
      %dma_start3A_81 = tpu.memref_slice %arg4[%add3A_6, %dma_start3A_80] : memref<2560x125xi32, #tpu.memory_space<hbm>> -> memref<40x125xi32, #tpu.memory_space<hbm>>
      tpu.enqueue_dma source(%dma_start3A_81 : memref<40x125xi32, #tpu.memory_space<hbm>>) target(%arg7 : memref<40x125xi32, #tpu.memory_space<vmem>>) target_semaphore(%run_scoped3A : memref<!tpu.dma_semaphore, #tpu.memory_space<semaphore_mem>>)
      %dma_wait3A_82 = arith.constant 0 : i32
      %dma_wait3A_83 = tpu.memref_slice %arg4[%add3A_6, %dma_wait3A_82] : memref<2560x125xi32, #tpu.memory_space<hbm>> -> memref<40x125xi32, #tpu.memory_space<hbm>>
      %dma_wait3A_84 = arith.constant 0 : i32
      %dma_wait3A_85 = tpu.memref_slice %arg4[%add3A_6, %dma_wait3A_84] : memref<2560x125xi32, #tpu.memory_space<hbm>> -> memref<40x125xi32, #tpu.memory_space<hbm>>
      tpu.wait_dma2 semaphore(%run_scoped3A : memref<!tpu.dma_semaphore, #tpu.memory_space<semaphore_mem>>) src(%dma_wait3A_85 : memref<40x125xi32, #tpu.memory_space<hbm>>) dst(%arg7 : memref<40x125xi32, #tpu.memory_space<vmem>>)
      tpu.yield
    }) : () -> ()
    %dma_start3A = arith.constant 0 : i32
    %dma_start3A_7 = arith.constant 0 : i32
    %dma_start3A_8 = tpu.memref_slice %arg6[%dma_start3A, %dma_start3A_7] : memref<40x125xi32, #tpu.memory_space<vmem>> -> memref<1x125xi32, #tpu.memory_space<vmem>>
    %dma_start3A_9 = tpu.memref_squeeze %dma_start3A_8 : memref<1x125xi32, #tpu.memory_space<vmem>> -> memref<125xi32, #tpu.memory_space<vmem>>
    %dma_start3A_10 = arith.constant 0 : i32
    %dma_start3A_11 = arith.constant 0 : i32
    %dma_start3A_12 = tpu.memref_slice %arg2[%dma_start3A_10, %dma_start3A_11] : memref<10240x128xf32, #tpu.memory_space<hbm>> -> memref<10240x128xf32, #tpu.memory_space<hbm>>
    tpu.enqueue_indirect_dma source(%dma_start3A_12 : memref<10240x128xf32, #tpu.memory_space<hbm>>) target(%arg8 : memref<125x128xf32, #tpu.memory_space<vmem>>) offsets(%dma_start3A_9 : memref<125xi32, #tpu.memory_space<vmem>>) semaphore(%arg10 : memref<!tpu.dma_semaphore, #tpu.memory_space<semaphore_mem>>)
    %dma_start3A_13 = arith.constant 1 : i32
    %dma_start3A_14 = arith.constant 0 : i32
    %dma_start3A_15 = tpu.memref_slice %arg6[%dma_start3A_13, %dma_start3A_14] : memref<40x125xi32, #tpu.memory_space<vmem>> -> memref<1x125xi32, #tpu.memory_space<vmem>>
    %dma_start3A_16 = tpu.memref_squeeze %dma_start3A_15 : memref<1x125xi32, #tpu.memory_space<vmem>> -> memref<125xi32, #tpu.memory_space<vmem>>
    %dma_start3A_17 = arith.constant 0 : i32
    %dma_start3A_18 = arith.constant 0 : i32
    %dma_start3A_19 = tpu.memref_slice %arg2[%dma_start3A_17, %dma_start3A_18] : memref<10240x128xf32, #tpu.memory_space<hbm>> -> memref<10240x128xf32, #tpu.memory_space<hbm>>
    tpu.enqueue_indirect_dma source(%dma_start3A_19 : memref<10240x128xf32, #tpu.memory_space<hbm>>) target(%arg9 : memref<125x128xf32, #tpu.memory_space<vmem>>) offsets(%dma_start3A_16 : memref<125xi32, #tpu.memory_space<vmem>>) semaphore(%arg11 : memref<!tpu.dma_semaphore, #tpu.memory_space<semaphore_mem>>)
    %scan3A = arith.constant 0 : i32
    %scan3A_20 = arith.constant 0 : i32
    %scan3A_21 = arith.constant 20 : i32
    %scan3A_22 = arith.addi %scan3A_20, %scan3A_21 : i32
    %scan3A_23 = arith.constant 1 : i32
    scf.for %scan3A_78 = %scan3A_20 to %scan3A_22 step %scan3A_23  : i32 {
      %mul3A_79 = arith.constant 2 : i32
      %mul3A_80 = arith.muli %mul3A_79, %scan3A_78 : i32
      %dma_wait3A_81 = arith.constant 0 : i32
      %dma_wait3A_82 = arith.constant 0 : i32
      %dma_wait3A_83 = tpu.memref_slice %arg6[%dma_wait3A_81, %dma_wait3A_82] : memref<40x125xi32, #tpu.memory_space<vmem>> -> memref<1x125xi32, #tpu.memory_space<vmem>>
      %dma_wait3A_84 = tpu.memref_squeeze %dma_wait3A_83 : memref<1x125xi32, #tpu.memory_space<vmem>> -> memref<125xi32, #tpu.memory_space<vmem>>
      %dma_wait3A_85 = arith.constant 0 : i32
      %dma_wait3A_86 = arith.constant 0 : i32
      %dma_wait3A_87 = tpu.memref_slice %arg2[%dma_wait3A_85, %dma_wait3A_86] : memref<10240x128xf32, #tpu.memory_space<hbm>> -> memref<10240x128xf32, #tpu.memory_space<hbm>>
      tpu.wait_indirect_dma semaphore(%arg10 : memref<!tpu.dma_semaphore, #tpu.memory_space<semaphore_mem>>) src(%dma_wait3A_87 : memref<10240x128xf32, #tpu.memory_space<hbm>>) dst(%arg8 : memref<125x128xf32, #tpu.memory_space<vmem>>)
      %dma_start3A_88 = arith.constant 0 : i32
      %dma_start3A_89 = tpu.memref_slice %arg7[%mul3A_80, %dma_start3A_88] : memref<40x125xi32, #tpu.memory_space<vmem>> -> memref<1x125xi32, #tpu.memory_space<vmem>>
      %dma_start3A_90 = tpu.memref_squeeze %dma_start3A_89 : memref<1x125xi32, #tpu.memory_space<vmem>> -> memref<125xi32, #tpu.memory_space<vmem>>
      %dma_start3A_91 = arith.constant 0 : i32
      %dma_start3A_92 = arith.constant 0 : i32
      %dma_start3A_93 = tpu.memref_slice %arg14[%dma_start3A_91, %dma_start3A_92] : memref<10240x128xf32, #tpu.memory_space<vmem_shared>> -> memref<10240x128xf32, #tpu.memory_space<vmem_shared>>
      tpu.enqueue_indirect_dma source(%arg8 : memref<125x128xf32, #tpu.memory_space<vmem>>) target(%dma_start3A_93 : memref<10240x128xf32, #tpu.memory_space<vmem_shared>>) offsets(%dma_start3A_90 : memref<125xi32, #tpu.memory_space<vmem>>) semaphore(%arg12 : memref<!tpu.dma_semaphore, #tpu.memory_space<semaphore_mem>>) {add = true}
      %dma_wait3A_94 = arith.constant 0 : i32
      %dma_wait3A_95 = arith.constant 0 : i32
      %dma_wait3A_96 = tpu.memref_slice %arg6[%dma_wait3A_94, %dma_wait3A_95] : memref<40x125xi32, #tpu.memory_space<vmem>> -> memref<1x125xi32, #tpu.memory_space<vmem>>
      %dma_wait3A_97 = tpu.memref_squeeze %dma_wait3A_96 : memref<1x125xi32, #tpu.memory_space<vmem>> -> memref<125xi32, #tpu.memory_space<vmem>>
      %dma_wait3A_98 = arith.constant 0 : i32
      %dma_wait3A_99 = arith.constant 0 : i32
      %dma_wait3A_100 = tpu.memref_slice %arg2[%dma_wait3A_98, %dma_wait3A_99] : memref<10240x128xf32, #tpu.memory_space<hbm>> -> memref<10240x128xf32, #tpu.memory_space<hbm>>
      tpu.wait_indirect_dma semaphore(%arg11 : memref<!tpu.dma_semaphore, #tpu.memory_space<semaphore_mem>>) src(%dma_wait3A_100 : memref<10240x128xf32, #tpu.memory_space<hbm>>) dst(%arg9 : memref<125x128xf32, #tpu.memory_space<vmem>>)
      %add3A_101 = arith.constant 1 : i32
      %add3A_102 = arith.addi %mul3A_80, %add3A_101 : i32
      %dma_start3A_103 = arith.constant 0 : i32
      %dma_start3A_104 = tpu.memref_slice %arg7[%add3A_102, %dma_start3A_103] : memref<40x125xi32, #tpu.memory_space<vmem>> -> memref<1x125xi32, #tpu.memory_space<vmem>>
      %dma_start3A_105 = tpu.memref_squeeze %dma_start3A_104 : memref<1x125xi32, #tpu.memory_space<vmem>> -> memref<125xi32, #tpu.memory_space<vmem>>
      %dma_start3A_106 = arith.constant 0 : i32
      %dma_start3A_107 = arith.constant 0 : i32
      %dma_start3A_108 = tpu.memref_slice %arg14[%dma_start3A_106, %dma_start3A_107] : memref<10240x128xf32, #tpu.memory_space<vmem_shared>> -> memref<10240x128xf32, #tpu.memory_space<vmem_shared>>
      tpu.enqueue_indirect_dma source(%arg9 : memref<125x128xf32, #tpu.memory_space<vmem>>) target(%dma_start3A_108 : memref<10240x128xf32, #tpu.memory_space<vmem_shared>>) offsets(%dma_start3A_105 : memref<125xi32, #tpu.memory_space<vmem>>) semaphore(%arg13 : memref<!tpu.dma_semaphore, #tpu.memory_space<semaphore_mem>>) {add = true}
      %lt3A = arith.constant 19 : i32
      %lt3A_109 = arith.cmpi slt, %scan3A_78, %lt3A : i32
      %convert_element_type3A = arith.extui %lt3A_109 : i1 to i32
      %cond3A = arith.constant 0 : i32
      %cond3A_110 = arith.cmpi ne, %convert_element_type3A, %cond3A : i32
      scf.if %cond3A_110 {
        %dma_wait3A_111 = arith.constant 0 : i32
        %dma_wait3A_112 = arith.constant 0 : i32
        %dma_wait3A_113 = tpu.memref_slice %arg7[%dma_wait3A_111, %dma_wait3A_112] : memref<40x125xi32, #tpu.memory_space<vmem>> -> memref<1x125xi32, #tpu.memory_space<vmem>>
        %dma_wait3A_114 = tpu.memref_squeeze %dma_wait3A_113 : memref<1x125xi32, #tpu.memory_space<vmem>> -> memref<125xi32, #tpu.memory_space<vmem>>
        %dma_wait3A_115 = arith.constant 0 : i32
        %dma_wait3A_116 = arith.constant 0 : i32
        %dma_wait3A_117 = tpu.memref_slice %arg14[%dma_wait3A_115, %dma_wait3A_116] : memref<10240x128xf32, #tpu.memory_space<vmem_shared>> -> memref<10240x128xf32, #tpu.memory_space<vmem_shared>>
        tpu.wait_indirect_dma semaphore(%arg12 : memref<!tpu.dma_semaphore, #tpu.memory_space<semaphore_mem>>) src(%arg8 : memref<125x128xf32, #tpu.memory_space<vmem>>) dst(%dma_wait3A_117 : memref<10240x128xf32, #tpu.memory_space<vmem_shared>>)
        %add3A_118 = arith.constant 2 : i32
        %add3A_119 = arith.addi %mul3A_80, %add3A_118 : i32
        %dma_start3A_120 = arith.constant 0 : i32
        %dma_start3A_121 = tpu.memref_slice %arg6[%add3A_119, %dma_start3A_120] : memref<40x125xi32, #tpu.memory_space<vmem>> -> memref<1x125xi32, #tpu.memory_space<vmem>>
        %dma_start3A_122 = tpu.memref_squeeze %dma_start3A_121 : memref<1x125xi32, #tpu.memory_space<vmem>> -> memref<125xi32, #tpu.memory_space<vmem>>
        %dma_start3A_123 = arith.constant 0 : i32
        %dma_start3A_124 = arith.constant 0 : i32
        %dma_start3A_125 = tpu.memref_slice %arg2[%dma_start3A_123, %dma_start3A_124] : memref<10240x128xf32, #tpu.memory_space<hbm>> -> memref<10240x128xf32, #tpu.memory_space<hbm>>
        tpu.enqueue_indirect_dma source(%dma_start3A_125 : memref<10240x128xf32, #tpu.memory_space<hbm>>) target(%arg8 : memref<125x128xf32, #tpu.memory_space<vmem>>) offsets(%dma_start3A_122 : memref<125xi32, #tpu.memory_space<vmem>>) semaphore(%arg10 : memref<!tpu.dma_semaphore, #tpu.memory_space<semaphore_mem>>)
        %dma_wait3A_126 = arith.constant 0 : i32
        %dma_wait3A_127 = arith.constant 0 : i32
        %dma_wait3A_128 = tpu.memref_slice %arg7[%dma_wait3A_126, %dma_wait3A_127] : memref<40x125xi32, #tpu.memory_space<vmem>> -> memref<1x125xi32, #tpu.memory_space<vmem>>
        %dma_wait3A_129 = tpu.memref_squeeze %dma_wait3A_128 : memref<1x125xi32, #tpu.memory_space<vmem>> -> memref<125xi32, #tpu.memory_space<vmem>>
        %dma_wait3A_130 = arith.constant 0 : i32
        %dma_wait3A_131 = arith.constant 0 : i32
        %dma_wait3A_132 = tpu.memref_slice %arg14[%dma_wait3A_130, %dma_wait3A_131] : memref<10240x128xf32, #tpu.memory_space<vmem_shared>> -> memref<10240x128xf32, #tpu.memory_space<vmem_shared>>
        tpu.wait_indirect_dma semaphore(%arg13 : memref<!tpu.dma_semaphore, #tpu.memory_space<semaphore_mem>>) src(%arg9 : memref<125x128xf32, #tpu.memory_space<vmem>>) dst(%dma_wait3A_132 : memref<10240x128xf32, #tpu.memory_space<vmem_shared>>)
        %add3A_133 = arith.constant 3 : i32
        %add3A_134 = arith.addi %mul3A_80, %add3A_133 : i32
        %dma_start3A_135 = arith.constant 0 : i32
        %dma_start3A_136 = tpu.memref_slice %arg6[%add3A_134, %dma_start3A_135] : memref<40x125xi32, #tpu.memory_space<vmem>> -> memref<1x125xi32, #tpu.memory_space<vmem>>
        %dma_start3A_137 = tpu.memref_squeeze %dma_start3A_136 : memref<1x125xi32, #tpu.memory_space<vmem>> -> memref<125xi32, #tpu.memory_space<vmem>>
        %dma_start3A_138 = arith.constant 0 : i32
        %dma_start3A_139 = arith.constant 0 : i32
        %dma_start3A_140 = tpu.memref_slice %arg2[%dma_start3A_138, %dma_start3A_139] : memref<10240x128xf32, #tpu.memory_space<hbm>> -> memref<10240x128xf32, #tpu.memory_space<hbm>>
        tpu.enqueue_indirect_dma source(%dma_start3A_140 : memref<10240x128xf32, #tpu.memory_space<hbm>>) target(%arg9 : memref<125x128xf32, #tpu.memory_space<vmem>>) offsets(%dma_start3A_137 : memref<125xi32, #tpu.memory_space<vmem>>) semaphore(%arg11 : memref<!tpu.dma_semaphore, #tpu.memory_space<semaphore_mem>>)
      } else {
      }
    }
    %scan3A_24 = arith.constant 20 : i32
    %dma_wait3A = arith.constant 0 : i32
    %dma_wait3A_25 = arith.constant 0 : i32
    %dma_wait3A_26 = tpu.memref_slice %arg7[%dma_wait3A, %dma_wait3A_25] : memref<40x125xi32, #tpu.memory_space<vmem>> -> memref<1x125xi32, #tpu.memory_space<vmem>>
    %dma_wait3A_27 = tpu.memref_squeeze %dma_wait3A_26 : memref<1x125xi32, #tpu.memory_space<vmem>> -> memref<125xi32, #tpu.memory_space<vmem>>
    %dma_wait3A_28 = arith.constant 0 : i32
    %dma_wait3A_29 = arith.constant 0 : i32
    %dma_wait3A_30 = tpu.memref_slice %arg14[%dma_wait3A_28, %dma_wait3A_29] : memref<10240x128xf32, #tpu.memory_space<vmem_shared>> -> memref<10240x128xf32, #tpu.memory_space<vmem_shared>>
    tpu.wait_indirect_dma semaphore(%arg12 : memref<!tpu.dma_semaphore, #tpu.memory_space<semaphore_mem>>) src(%arg8 : memref<125x128xf32, #tpu.memory_space<vmem>>) dst(%dma_wait3A_30 : memref<10240x128xf32, #tpu.memory_space<vmem_shared>>)
    %dma_wait3A_31 = arith.constant 0 : i32
    %dma_wait3A_32 = arith.constant 0 : i32
    %dma_wait3A_33 = tpu.memref_slice %arg7[%dma_wait3A_31, %dma_wait3A_32] : memref<40x125xi32, #tpu.memory_space<vmem>> -> memref<1x125xi32, #tpu.memory_space<vmem>>
    %dma_wait3A_34 = tpu.memref_squeeze %dma_wait3A_33 : memref<1x125xi32, #tpu.memory_space<vmem>> -> memref<125xi32, #tpu.memory_space<vmem>>
    %dma_wait3A_35 = arith.constant 0 : i32
    %dma_wait3A_36 = arith.constant 0 : i32
    %dma_wait3A_37 = tpu.memref_slice %arg14[%dma_wait3A_35, %dma_wait3A_36] : memref<10240x128xf32, #tpu.memory_space<vmem_shared>> -> memref<10240x128xf32, #tpu.memory_space<vmem_shared>>
    tpu.wait_indirect_dma semaphore(%arg13 : memref<!tpu.dma_semaphore, #tpu.memory_space<semaphore_mem>>) src(%arg9 : memref<125x128xf32, #tpu.memory_space<vmem>>) dst(%dma_wait3A_37 : memref<10240x128xf32, #tpu.memory_space<vmem_shared>>)
    %add3A_38 = arith.constant 40 : i32
    %add3A_39 = arith.addi %add3A, %add3A_38 : i32
    "tpu.region"() ({
      %run_scoped3A = tpu.sem_alloc : memref<!tpu.dma_semaphore, #tpu.memory_space<semaphore_mem>>
      %dma_start3A_78 = arith.constant 0 : i32
      %dma_start3A_79 = tpu.memref_slice %arg3[%add3A_39, %dma_start3A_78] : memref<2560x125xi32, #tpu.memory_space<hbm>> -> memref<40x125xi32, #tpu.memory_space<hbm>>
      %dma_start3A_80 = arith.constant 0 : i32
      %dma_start3A_81 = tpu.memref_slice %arg3[%add3A_39, %dma_start3A_80] : memref<2560x125xi32, #tpu.memory_space<hbm>> -> memref<40x125xi32, #tpu.memory_space<hbm>>
      tpu.enqueue_dma source(%dma_start3A_81 : memref<40x125xi32, #tpu.memory_space<hbm>>) target(%arg6 : memref<40x125xi32, #tpu.memory_space<vmem>>) target_semaphore(%run_scoped3A : memref<!tpu.dma_semaphore, #tpu.memory_space<semaphore_mem>>)
      %dma_wait3A_82 = arith.constant 0 : i32
      %dma_wait3A_83 = tpu.memref_slice %arg3[%add3A_39, %dma_wait3A_82] : memref<2560x125xi32, #tpu.memory_space<hbm>> -> memref<40x125xi32, #tpu.memory_space<hbm>>
      %dma_wait3A_84 = arith.constant 0 : i32
      %dma_wait3A_85 = tpu.memref_slice %arg3[%add3A_39, %dma_wait3A_84] : memref<2560x125xi32, #tpu.memory_space<hbm>> -> memref<40x125xi32, #tpu.memory_space<hbm>>
      tpu.wait_dma2 semaphore(%run_scoped3A : memref<!tpu.dma_semaphore, #tpu.memory_space<semaphore_mem>>) src(%dma_wait3A_85 : memref<40x125xi32, #tpu.memory_space<hbm>>) dst(%arg6 : memref<40x125xi32, #tpu.memory_space<vmem>>)
      tpu.yield
    }) : () -> ()
    "tpu.region"() ({
      %run_scoped3A = tpu.sem_alloc : memref<!tpu.dma_semaphore, #tpu.memory_space<semaphore_mem>>
      %dma_start3A_78 = arith.constant 0 : i32
      %dma_start3A_79 = tpu.memref_slice %arg4[%add3A_39, %dma_start3A_78] : memref<2560x125xi32, #tpu.memory_space<hbm>> -> memref<40x125xi32, #tpu.memory_space<hbm>>
      %dma_start3A_80 = arith.constant 0 : i32
      %dma_start3A_81 = tpu.memref_slice %arg4[%add3A_39, %dma_start3A_80] : memref<2560x125xi32, #tpu.memory_space<hbm>> -> memref<40x125xi32, #tpu.memory_space<hbm>>
      tpu.enqueue_dma source(%dma_start3A_81 : memref<40x125xi32, #tpu.memory_space<hbm>>) target(%arg7 : memref<40x125xi32, #tpu.memory_space<vmem>>) target_semaphore(%run_scoped3A : memref<!tpu.dma_semaphore, #tpu.memory_space<semaphore_mem>>)
      %dma_wait3A_82 = arith.constant 0 : i32
      %dma_wait3A_83 = tpu.memref_slice %arg4[%add3A_39, %dma_wait3A_82] : memref<2560x125xi32, #tpu.memory_space<hbm>> -> memref<40x125xi32, #tpu.memory_space<hbm>>
      %dma_wait3A_84 = arith.constant 0 : i32
      %dma_wait3A_85 = tpu.memref_slice %arg4[%add3A_39, %dma_wait3A_84] : memref<2560x125xi32, #tpu.memory_space<hbm>> -> memref<40x125xi32, #tpu.memory_space<hbm>>
      tpu.wait_dma2 semaphore(%run_scoped3A : memref<!tpu.dma_semaphore, #tpu.memory_space<semaphore_mem>>) src(%dma_wait3A_85 : memref<40x125xi32, #tpu.memory_space<hbm>>) dst(%arg7 : memref<40x125xi32, #tpu.memory_space<vmem>>)
      tpu.yield
    }) : () -> ()
    %dma_start3A_40 = arith.constant 0 : i32
    %dma_start3A_41 = arith.constant 0 : i32
    %dma_start3A_42 = tpu.memref_slice %arg6[%dma_start3A_40, %dma_start3A_41] : memref<40x125xi32, #tpu.memory_space<vmem>> -> memref<1x125xi32, #tpu.memory_space<vmem>>
    %dma_start3A_43 = tpu.memref_squeeze %dma_start3A_42 : memref<1x125xi32, #tpu.memory_space<vmem>> -> memref<125xi32, #tpu.memory_space<vmem>>
    %dma_start3A_44 = arith.constant 0 : i32
    %dma_start3A_45 = arith.constant 0 : i32
    %dma_start3A_46 = tpu.memref_slice %arg2[%dma_start3A_44, %dma_start3A_45] : memref<10240x128xf32, #tpu.memory_space<hbm>> -> memref<10240x128xf32, #tpu.memory_space<hbm>>
    tpu.enqueue_indirect_dma source(%dma_start3A_46 : memref<10240x128xf32, #tpu.memory_space<hbm>>) target(%arg8 : memref<125x128xf32, #tpu.memory_space<vmem>>) offsets(%dma_start3A_43 : memref<125xi32, #tpu.memory_space<vmem>>) semaphore(%arg10 : memref<!tpu.dma_semaphore, #tpu.memory_space<semaphore_mem>>)
    %dma_start3A_47 = arith.constant 1 : i32
    %dma_start3A_48 = arith.constant 0 : i32
    %dma_start3A_49 = tpu.memref_slice %arg6[%dma_start3A_47, %dma_start3A_48] : memref<40x125xi32, #tpu.memory_space<vmem>> -> memref<1x125xi32, #tpu.memory_space<vmem>>
    %dma_start3A_50 = tpu.memref_squeeze %dma_start3A_49 : memref<1x125xi32, #tpu.memory_space<vmem>> -> memref<125xi32, #tpu.memory_space<vmem>>
    %dma_start3A_51 = arith.constant 0 : i32
    %dma_start3A_52 = arith.constant 0 : i32
    %dma_start3A_53 = tpu.memref_slice %arg2[%dma_start3A_51, %dma_start3A_52] : memref<10240x128xf32, #tpu.memory_space<hbm>> -> memref<10240x128xf32, #tpu.memory_space<hbm>>
    tpu.enqueue_indirect_dma source(%dma_start3A_53 : memref<10240x128xf32, #tpu.memory_space<hbm>>) target(%arg9 : memref<125x128xf32, #tpu.memory_space<vmem>>) offsets(%dma_start3A_50 : memref<125xi32, #tpu.memory_space<vmem>>) semaphore(%arg11 : memref<!tpu.dma_semaphore, #tpu.memory_space<semaphore_mem>>)
    %scan3A_54 = arith.constant 0 : i32
    %scan3A_55 = arith.constant 0 : i32
    %scan3A_56 = arith.constant 20 : i32
    %scan3A_57 = arith.addi %scan3A_55, %scan3A_56 : i32
    %scan3A_58 = arith.constant 1 : i32
    scf.for %scan3A_78 = %scan3A_55 to %scan3A_57 step %scan3A_58  : i32 {
      %mul3A_79 = arith.constant 2 : i32
      %mul3A_80 = arith.muli %mul3A_79, %scan3A_78 : i32
      %dma_wait3A_81 = arith.constant 0 : i32
      %dma_wait3A_82 = arith.constant 0 : i32
      %dma_wait3A_83 = tpu.memref_slice %arg6[%dma_wait3A_81, %dma_wait3A_82] : memref<40x125xi32, #tpu.memory_space<vmem>> -> memref<1x125xi32, #tpu.memory_space<vmem>>
      %dma_wait3A_84 = tpu.memref_squeeze %dma_wait3A_83 : memref<1x125xi32, #tpu.memory_space<vmem>> -> memref<125xi32, #tpu.memory_space<vmem>>
      %dma_wait3A_85 = arith.constant 0 : i32
      %dma_wait3A_86 = arith.constant 0 : i32
      %dma_wait3A_87 = tpu.memref_slice %arg2[%dma_wait3A_85, %dma_wait3A_86] : memref<10240x128xf32, #tpu.memory_space<hbm>> -> memref<10240x128xf32, #tpu.memory_space<hbm>>
      tpu.wait_indirect_dma semaphore(%arg10 : memref<!tpu.dma_semaphore, #tpu.memory_space<semaphore_mem>>) src(%dma_wait3A_87 : memref<10240x128xf32, #tpu.memory_space<hbm>>) dst(%arg8 : memref<125x128xf32, #tpu.memory_space<vmem>>)
      %dma_start3A_88 = arith.constant 0 : i32
      %dma_start3A_89 = tpu.memref_slice %arg7[%mul3A_80, %dma_start3A_88] : memref<40x125xi32, #tpu.memory_space<vmem>> -> memref<1x125xi32, #tpu.memory_space<vmem>>
      %dma_start3A_90 = tpu.memref_squeeze %dma_start3A_89 : memref<1x125xi32, #tpu.memory_space<vmem>> -> memref<125xi32, #tpu.memory_space<vmem>>
      %dma_start3A_91 = arith.constant 0 : i32
      %dma_start3A_92 = arith.constant 0 : i32
      %dma_start3A_93 = tpu.memref_slice %arg14[%dma_start3A_91, %dma_start3A_92] : memref<10240x128xf32, #tpu.memory_space<vmem_shared>> -> memref<10240x128xf32, #tpu.memory_space<vmem_shared>>
      tpu.enqueue_indirect_dma source(%arg8 : memref<125x128xf32, #tpu.memory_space<vmem>>) target(%dma_start3A_93 : memref<10240x128xf32, #tpu.memory_space<vmem_shared>>) offsets(%dma_start3A_90 : memref<125xi32, #tpu.memory_space<vmem>>) semaphore(%arg12 : memref<!tpu.dma_semaphore, #tpu.memory_space<semaphore_mem>>) {add = true}
      %dma_wait3A_94 = arith.constant 0 : i32
      %dma_wait3A_95 = arith.constant 0 : i32
      %dma_wait3A_96 = tpu.memref_slice %arg6[%dma_wait3A_94, %dma_wait3A_95] : memref<40x125xi32, #tpu.memory_space<vmem>> -> memref<1x125xi32, #tpu.memory_space<vmem>>
      %dma_wait3A_97 = tpu.memref_squeeze %dma_wait3A_96 : memref<1x125xi32, #tpu.memory_space<vmem>> -> memref<125xi32, #tpu.memory_space<vmem>>
      %dma_wait3A_98 = arith.constant 0 : i32
      %dma_wait3A_99 = arith.constant 0 : i32
      %dma_wait3A_100 = tpu.memref_slice %arg2[%dma_wait3A_98, %dma_wait3A_99] : memref<10240x128xf32, #tpu.memory_space<hbm>> -> memref<10240x128xf32, #tpu.memory_space<hbm>>
      tpu.wait_indirect_dma semaphore(%arg11 : memref<!tpu.dma_semaphore, #tpu.memory_space<semaphore_mem>>) src(%dma_wait3A_100 : memref<10240x128xf32, #tpu.memory_space<hbm>>) dst(%arg9 : memref<125x128xf32, #tpu.memory_space<vmem>>)
      %add3A_101 = arith.constant 1 : i32
      %add3A_102 = arith.addi %mul3A_80, %add3A_101 : i32
      %dma_start3A_103 = arith.constant 0 : i32
      %dma_start3A_104 = tpu.memref_slice %arg7[%add3A_102, %dma_start3A_103] : memref<40x125xi32, #tpu.memory_space<vmem>> -> memref<1x125xi32, #tpu.memory_space<vmem>>
      %dma_start3A_105 = tpu.memref_squeeze %dma_start3A_104 : memref<1x125xi32, #tpu.memory_space<vmem>> -> memref<125xi32, #tpu.memory_space<vmem>>
      %dma_start3A_106 = arith.constant 0 : i32
      %dma_start3A_107 = arith.constant 0 : i32
      %dma_start3A_108 = tpu.memref_slice %arg14[%dma_start3A_106, %dma_start3A_107] : memref<10240x128xf32, #tpu.memory_space<vmem_shared>> -> memref<10240x128xf32, #tpu.memory_space<vmem_shared>>
      tpu.enqueue_indirect_dma source(%arg9 : memref<125x128xf32, #tpu.memory_space<vmem>>) target(%dma_start3A_108 : memref<10240x128xf32, #tpu.memory_space<vmem_shared>>) offsets(%dma_start3A_105 : memref<125xi32, #tpu.memory_space<vmem>>) semaphore(%arg13 : memref<!tpu.dma_semaphore, #tpu.memory_space<semaphore_mem>>) {add = true}
      %lt3A = arith.constant 19 : i32
      %lt3A_109 = arith.cmpi slt, %scan3A_78, %lt3A : i32
      %convert_element_type3A = arith.extui %lt3A_109 : i1 to i32
      %cond3A = arith.constant 0 : i32
      %cond3A_110 = arith.cmpi ne, %convert_element_type3A, %cond3A : i32
      scf.if %cond3A_110 {
        %dma_wait3A_111 = arith.constant 0 : i32
        %dma_wait3A_112 = arith.constant 0 : i32
        %dma_wait3A_113 = tpu.memref_slice %arg7[%dma_wait3A_111, %dma_wait3A_112] : memref<40x125xi32, #tpu.memory_space<vmem>> -> memref<1x125xi32, #tpu.memory_space<vmem>>
        %dma_wait3A_114 = tpu.memref_squeeze %dma_wait3A_113 : memref<1x125xi32, #tpu.memory_space<vmem>> -> memref<125xi32, #tpu.memory_space<vmem>>
        %dma_wait3A_115 = arith.constant 0 : i32
        %dma_wait3A_116 = arith.constant 0 : i32
        %dma_wait3A_117 = tpu.memref_slice %arg14[%dma_wait3A_115, %dma_wait3A_116] : memref<10240x128xf32, #tpu.memory_space<vmem_shared>> -> memref<10240x128xf32, #tpu.memory_space<vmem_shared>>
        tpu.wait_indirect_dma semaphore(%arg12 : memref<!tpu.dma_semaphore, #tpu.memory_space<semaphore_mem>>) src(%arg8 : memref<125x128xf32, #tpu.memory_space<vmem>>) dst(%dma_wait3A_117 : memref<10240x128xf32, #tpu.memory_space<vmem_shared>>)
        %add3A_118 = arith.constant 2 : i32
        %add3A_119 = arith.addi %mul3A_80, %add3A_118 : i32
        %dma_start3A_120 = arith.constant 0 : i32
        %dma_start3A_121 = tpu.memref_slice %arg6[%add3A_119, %dma_start3A_120] : memref<40x125xi32, #tpu.memory_space<vmem>> -> memref<1x125xi32, #tpu.memory_space<vmem>>
        %dma_start3A_122 = tpu.memref_squeeze %dma_start3A_121 : memref<1x125xi32, #tpu.memory_space<vmem>> -> memref<125xi32, #tpu.memory_space<vmem>>
        %dma_start3A_123 = arith.constant 0 : i32
        %dma_start3A_124 = arith.constant 0 : i32
        %dma_start3A_125 = tpu.memref_slice %arg2[%dma_start3A_123, %dma_start3A_124] : memref<10240x128xf32, #tpu.memory_space<hbm>> -> memref<10240x128xf32, #tpu.memory_space<hbm>>
        tpu.enqueue_indirect_dma source(%dma_start3A_125 : memref<10240x128xf32, #tpu.memory_space<hbm>>) target(%arg8 : memref<125x128xf32, #tpu.memory_space<vmem>>) offsets(%dma_start3A_122 : memref<125xi32, #tpu.memory_space<vmem>>) semaphore(%arg10 : memref<!tpu.dma_semaphore, #tpu.memory_space<semaphore_mem>>)
        %dma_wait3A_126 = arith.constant 0 : i32
        %dma_wait3A_127 = arith.constant 0 : i32
        %dma_wait3A_128 = tpu.memref_slice %arg7[%dma_wait3A_126, %dma_wait3A_127] : memref<40x125xi32, #tpu.memory_space<vmem>> -> memref<1x125xi32, #tpu.memory_space<vmem>>
        %dma_wait3A_129 = tpu.memref_squeeze %dma_wait3A_128 : memref<1x125xi32, #tpu.memory_space<vmem>> -> memref<125xi32, #tpu.memory_space<vmem>>
        %dma_wait3A_130 = arith.constant 0 : i32
        %dma_wait3A_131 = arith.constant 0 : i32
        %dma_wait3A_132 = tpu.memref_slice %arg14[%dma_wait3A_130, %dma_wait3A_131] : memref<10240x128xf32, #tpu.memory_space<vmem_shared>> -> memref<10240x128xf32, #tpu.memory_space<vmem_shared>>
        tpu.wait_indirect_dma semaphore(%arg13 : memref<!tpu.dma_semaphore, #tpu.memory_space<semaphore_mem>>) src(%arg9 : memref<125x128xf32, #tpu.memory_space<vmem>>) dst(%dma_wait3A_132 : memref<10240x128xf32, #tpu.memory_space<vmem_shared>>)
        %add3A_133 = arith.constant 3 : i32
        %add3A_134 = arith.addi %mul3A_80, %add3A_133 : i32
        %dma_start3A_135 = arith.constant 0 : i32
        %dma_start3A_136 = tpu.memref_slice %arg6[%add3A_134, %dma_start3A_135] : memref<40x125xi32, #tpu.memory_space<vmem>> -> memref<1x125xi32, #tpu.memory_space<vmem>>
        %dma_start3A_137 = tpu.memref_squeeze %dma_start3A_136 : memref<1x125xi32, #tpu.memory_space<vmem>> -> memref<125xi32, #tpu.memory_space<vmem>>
        %dma_start3A_138 = arith.constant 0 : i32
        %dma_start3A_139 = arith.constant 0 : i32
        %dma_start3A_140 = tpu.memref_slice %arg2[%dma_start3A_138, %dma_start3A_139] : memref<10240x128xf32, #tpu.memory_space<hbm>> -> memref<10240x128xf32, #tpu.memory_space<hbm>>
        tpu.enqueue_indirect_dma source(%dma_start3A_140 : memref<10240x128xf32, #tpu.memory_space<hbm>>) target(%arg9 : memref<125x128xf32, #tpu.memory_space<vmem>>) offsets(%dma_start3A_137 : memref<125xi32, #tpu.memory_space<vmem>>) semaphore(%arg11 : memref<!tpu.dma_semaphore, #tpu.memory_space<semaphore_mem>>)
      } else {
      }
    }
    %scan3A_59 = arith.constant 20 : i32
    %dma_wait3A_60 = arith.constant 0 : i32
    %dma_wait3A_61 = arith.constant 0 : i32
    %dma_wait3A_62 = tpu.memref_slice %arg7[%dma_wait3A_60, %dma_wait3A_61] : memref<40x125xi32, #tpu.memory_space<vmem>> -> memref<1x125xi32, #tpu.memory_space<vmem>>
    %dma_wait3A_63 = tpu.memref_squeeze %dma_wait3A_62 : memref<1x125xi32, #tpu.memory_space<vmem>> -> memref<125xi32, #tpu.memory_space<vmem>>
    %dma_wait3A_64 = arith.constant 0 : i32
    %dma_wait3A_65 = arith.constant 0 : i32
    %dma_wait3A_66 = tpu.memref_slice %arg14[%dma_wait3A_64, %dma_wait3A_65] : memref<10240x128xf32, #tpu.memory_space<vmem_shared>> -> memref<10240x128xf32, #tpu.memory_space<vmem_shared>>
    tpu.wait_indirect_dma semaphore(%arg12 : memref<!tpu.dma_semaphore, #tpu.memory_space<semaphore_mem>>) src(%arg8 : memref<125x128xf32, #tpu.memory_space<vmem>>) dst(%dma_wait3A_66 : memref<10240x128xf32, #tpu.memory_space<vmem_shared>>)
    %dma_wait3A_67 = arith.constant 0 : i32
    %dma_wait3A_68 = arith.constant 0 : i32
    %dma_wait3A_69 = tpu.memref_slice %arg7[%dma_wait3A_67, %dma_wait3A_68] : memref<40x125xi32, #tpu.memory_space<vmem>> -> memref<1x125xi32, #tpu.memory_space<vmem>>
    %dma_wait3A_70 = tpu.memref_squeeze %dma_wait3A_69 : memref<1x125xi32, #tpu.memory_space<vmem>> -> memref<125xi32, #tpu.memory_space<vmem>>
    %dma_wait3A_71 = arith.constant 0 : i32
    %dma_wait3A_72 = arith.constant 0 : i32
    %dma_wait3A_73 = tpu.memref_slice %arg14[%dma_wait3A_71, %dma_wait3A_72] : memref<10240x128xf32, #tpu.memory_space<vmem_shared>> -> memref<10240x128xf32, #tpu.memory_space<vmem_shared>>
    tpu.wait_indirect_dma semaphore(%arg13 : memref<!tpu.dma_semaphore, #tpu.memory_space<semaphore_mem>>) src(%arg9 : memref<125x128xf32, #tpu.memory_space<vmem>>) dst(%dma_wait3A_73 : memref<10240x128xf32, #tpu.memory_space<vmem_shared>>)
    %barrier3A_74 = arith.constant 0 : index
    tpu.barrier barrier_id(%barrier3A_74)
    %mul3A_75 = arith.constant 10240 : i32
    %mul3A_76 = arith.muli %arg0, %mul3A_75 : i32
    %add3A_77 = arith.addi %mul3A_76, %mul3A_4 : i32
    "tpu.region"() ({
      %run_scoped3A = tpu.sem_alloc : memref<!tpu.dma_semaphore, #tpu.memory_space<semaphore_mem>>
      %dma_start3A_78 = arith.constant 0 : i32
      %dma_start3A_79 = tpu.memref_slice %arg5[%add3A_77, %dma_start3A_78] : memref<20480x128xf32, #tpu.memory_space<hbm>> -> memref<640x128xf32, #tpu.memory_space<hbm>>
      %dma_start3A_80 = arith.constant 0 : i32
      %dma_start3A_81 = tpu.memref_slice %arg14[%mul3A_4, %dma_start3A_80] : memref<10240x128xf32, #tpu.memory_space<vmem_shared>> -> memref<640x128xf32, #tpu.memory_space<vmem_shared>>
      tpu.enqueue_dma source(%dma_start3A_81 : memref<640x128xf32, #tpu.memory_space<vmem_shared>>) target(%dma_start3A_79 : memref<640x128xf32, #tpu.memory_space<hbm>>) target_semaphore(%run_scoped3A : memref<!tpu.dma_semaphore, #tpu.memory_space<semaphore_mem>>)
      %dma_wait3A_82 = arith.constant 0 : i32
      %dma_wait3A_83 = tpu.memref_slice %arg5[%add3A_77, %dma_wait3A_82] : memref<20480x128xf32, #tpu.memory_space<hbm>> -> memref<640x128xf32, #tpu.memory_space<hbm>>
      %dma_wait3A_84 = arith.constant 0 : i32
      %dma_wait3A_85 = tpu.memref_slice %arg14[%mul3A_4, %dma_wait3A_84] : memref<10240x128xf32, #tpu.memory_space<vmem_shared>> -> memref<640x128xf32, #tpu.memory_space<vmem_shared>>
      tpu.wait_dma2 semaphore(%run_scoped3A : memref<!tpu.dma_semaphore, #tpu.memory_space<semaphore_mem>>) src(%dma_wait3A_85 : memref<640x128xf32, #tpu.memory_space<vmem_shared>>) dst(%dma_wait3A_83 : memref<640x128xf32, #tpu.memory_space<hbm>>)
      tpu.yield
    }) : () -> ()
    return
  }
}

#map = affine_map<(d0, d1) -> (0, 0)>
module attributes {stable_mosaic.version = 14 : i64} {
  func.func @_sc_degree(%arg0: i32, %arg1: i32, %arg2: memref<2560x125xi32, #tpu.memory_space<hbm>>, %arg3: memref<10240x16xf32, #tpu.memory_space<hbm>>, %arg4: memref<20480x16xf32, #tpu.memory_space<hbm>>, %arg5: memref<80x125xi32, #tpu.memory_space<vmem>>, %arg6: memref<128x16xf32, #tpu.memory_space<vmem>>, %arg7: memref<!tpu.dma_semaphore, #tpu.memory_space<semaphore_mem>>, %arg8: memref<10240x16xf32, #tpu.memory_space<vmem_shared>>) attributes {dimension_semantics = [#tpu.dimension_semantics<core_parallel>, #tpu.dimension_semantics<subcore_parallel>], iteration_bounds = array<i64: 2, 16>, scalar_prefetch = 0 : i64, scratch_operands = 4 : i64, tpu.core_type = #tpu.core_type<sc_vector_subcore>, window_params = [{transform_indices = #map}, {transform_indices = #map}, {transform_indices = #map}]} {
    %mul3A = arith.constant 1280 : i32
    %mul3A_0 = arith.muli %arg0, %mul3A : i32
    %mul3A_1 = arith.constant 80 : i32
    %mul3A_2 = arith.muli %arg1, %mul3A_1 : i32
    %add3A = arith.addi %mul3A_0, %mul3A_2 : i32
    %mul3A_3 = arith.constant 640 : i32
    %mul3A_4 = arith.muli %arg1, %mul3A_3 : i32
    "tpu.region"() ({
      %run_scoped3A = tpu.sem_alloc : memref<!tpu.dma_semaphore, #tpu.memory_space<semaphore_mem>>
      %dma_start3A_92 = arith.constant 0 : i32
      %dma_start3A_93 = tpu.memref_slice %arg2[%add3A, %dma_start3A_92] : memref<2560x125xi32, #tpu.memory_space<hbm>> -> memref<80x125xi32, #tpu.memory_space<hbm>>
      %dma_start3A_94 = arith.constant 0 : i32
      %dma_start3A_95 = tpu.memref_slice %arg2[%add3A, %dma_start3A_94] : memref<2560x125xi32, #tpu.memory_space<hbm>> -> memref<80x125xi32, #tpu.memory_space<hbm>>
      tpu.enqueue_dma source(%dma_start3A_95 : memref<80x125xi32, #tpu.memory_space<hbm>>) target(%arg5 : memref<80x125xi32, #tpu.memory_space<vmem>>) target_semaphore(%run_scoped3A : memref<!tpu.dma_semaphore, #tpu.memory_space<semaphore_mem>>)
      %dma_wait3A_96 = arith.constant 0 : i32
      %dma_wait3A_97 = tpu.memref_slice %arg2[%add3A, %dma_wait3A_96] : memref<2560x125xi32, #tpu.memory_space<hbm>> -> memref<80x125xi32, #tpu.memory_space<hbm>>
      %dma_wait3A_98 = arith.constant 0 : i32
      %dma_wait3A_99 = tpu.memref_slice %arg2[%add3A, %dma_wait3A_98] : memref<2560x125xi32, #tpu.memory_space<hbm>> -> memref<80x125xi32, #tpu.memory_space<hbm>>
      tpu.wait_dma2 semaphore(%run_scoped3A : memref<!tpu.dma_semaphore, #tpu.memory_space<semaphore_mem>>) src(%dma_wait3A_99 : memref<80x125xi32, #tpu.memory_space<hbm>>) dst(%arg5 : memref<80x125xi32, #tpu.memory_space<vmem>>)
      tpu.yield
    }) : () -> ()
    "tpu.region"() ({
      %run_scoped3A = tpu.sem_alloc : memref<!tpu.dma_semaphore, #tpu.memory_space<semaphore_mem>>
      %dma_start3A_92 = arith.constant 0 : i32
      %dma_start3A_93 = arith.constant 0 : i32
      %dma_start3A_94 = tpu.memref_slice %arg3[%dma_start3A_92, %dma_start3A_93] : memref<10240x16xf32, #tpu.memory_space<hbm>> -> memref<128x16xf32, #tpu.memory_space<hbm>>
      %dma_start3A_95 = arith.constant 0 : i32
      %dma_start3A_96 = arith.constant 0 : i32
      %dma_start3A_97 = tpu.memref_slice %arg3[%dma_start3A_95, %dma_start3A_96] : memref<10240x16xf32, #tpu.memory_space<hbm>> -> memref<128x16xf32, #tpu.memory_space<hbm>>
      tpu.enqueue_dma source(%dma_start3A_97 : memref<128x16xf32, #tpu.memory_space<hbm>>) target(%arg6 : memref<128x16xf32, #tpu.memory_space<vmem>>) target_semaphore(%run_scoped3A : memref<!tpu.dma_semaphore, #tpu.memory_space<semaphore_mem>>)
      %dma_wait3A_98 = arith.constant 0 : i32
      %dma_wait3A_99 = arith.constant 0 : i32
      %dma_wait3A_100 = tpu.memref_slice %arg3[%dma_wait3A_98, %dma_wait3A_99] : memref<10240x16xf32, #tpu.memory_space<hbm>> -> memref<128x16xf32, #tpu.memory_space<hbm>>
      %dma_wait3A_101 = arith.constant 0 : i32
      %dma_wait3A_102 = arith.constant 0 : i32
      %dma_wait3A_103 = tpu.memref_slice %arg3[%dma_wait3A_101, %dma_wait3A_102] : memref<10240x16xf32, #tpu.memory_space<hbm>> -> memref<128x16xf32, #tpu.memory_space<hbm>>
      tpu.wait_dma2 semaphore(%run_scoped3A : memref<!tpu.dma_semaphore, #tpu.memory_space<semaphore_mem>>) src(%dma_wait3A_103 : memref<128x16xf32, #tpu.memory_space<hbm>>) dst(%arg6 : memref<128x16xf32, #tpu.memory_space<vmem>>)
      tpu.yield
    }) : () -> ()
    "tpu.region"() ({
      %run_scoped3A = tpu.sem_alloc : memref<!tpu.dma_semaphore, #tpu.memory_space<semaphore_mem>>
      %dma_start3A_92 = arith.constant 0 : i32
      %dma_start3A_93 = tpu.memref_slice %arg8[%mul3A_4, %dma_start3A_92] : memref<10240x16xf32, #tpu.memory_space<vmem_shared>> -> memref<640x16xf32, #tpu.memory_space<vmem_shared>>
      %dma_start3A_94 = arith.constant 0 : i32
      %dma_start3A_95 = tpu.memref_slice %arg3[%mul3A_4, %dma_start3A_94] : memref<10240x16xf32, #tpu.memory_space<hbm>> -> memref<640x16xf32, #tpu.memory_space<hbm>>
      tpu.enqueue_dma source(%dma_start3A_95 : memref<640x16xf32, #tpu.memory_space<hbm>>) target(%dma_start3A_93 : memref<640x16xf32, #tpu.memory_space<vmem_shared>>) target_semaphore(%run_scoped3A : memref<!tpu.dma_semaphore, #tpu.memory_space<semaphore_mem>>)
      %dma_wait3A_96 = arith.constant 0 : i32
      %dma_wait3A_97 = tpu.memref_slice %arg8[%mul3A_4, %dma_wait3A_96] : memref<10240x16xf32, #tpu.memory_space<vmem_shared>> -> memref<640x16xf32, #tpu.memory_space<vmem_shared>>
      %dma_wait3A_98 = arith.constant 0 : i32
      %dma_wait3A_99 = tpu.memref_slice %arg3[%mul3A_4, %dma_wait3A_98] : memref<10240x16xf32, #tpu.memory_space<hbm>> -> memref<640x16xf32, #tpu.memory_space<hbm>>
      tpu.wait_dma2 semaphore(%run_scoped3A : memref<!tpu.dma_semaphore, #tpu.memory_space<semaphore_mem>>) src(%dma_wait3A_99 : memref<640x16xf32, #tpu.memory_space<hbm>>) dst(%dma_wait3A_97 : memref<640x16xf32, #tpu.memory_space<vmem_shared>>)
      tpu.yield
    }) : () -> ()
    %barrier3A = arith.constant 0 : index
    tpu.barrier barrier_id(%barrier3A)
    %dma_start3A = arith.constant 0 : i32
    %dma_start3A_5 = arith.constant 0 : i32
    %dma_start3A_6 = arith.constant 0 : i32
    %dma_start3A_7 = tpu.memref_slice %arg6[%dma_start3A_5, %dma_start3A_6] : memref<128x16xf32, #tpu.memory_space<vmem>> -> memref<125x16xf32, #tpu.memory_space<vmem>>
    %dma_start3A_8 = arith.constant 0 : i32
    %dma_start3A_9 = tpu.memref_slice %arg5[%dma_start3A, %dma_start3A_8] : memref<80x125xi32, #tpu.memory_space<vmem>> -> memref<1x125xi32, #tpu.memory_space<vmem>>
    %dma_start3A_10 = tpu.memref_squeeze %dma_start3A_9 : memref<1x125xi32, #tpu.memory_space<vmem>> -> memref<125xi32, #tpu.memory_space<vmem>>
    %dma_start3A_11 = arith.constant 0 : i32
    %dma_start3A_12 = arith.constant 0 : i32
    %dma_start3A_13 = tpu.memref_slice %arg8[%dma_start3A_11, %dma_start3A_12] : memref<10240x16xf32, #tpu.memory_space<vmem_shared>> -> memref<10240x16xf32, #tpu.memory_space<vmem_shared>>
    tpu.enqueue_indirect_dma source(%dma_start3A_7 : memref<125x16xf32, #tpu.memory_space<vmem>>) target(%dma_start3A_13 : memref<10240x16xf32, #tpu.memory_space<vmem_shared>>) offsets(%dma_start3A_10 : memref<125xi32, #tpu.memory_space<vmem>>) semaphore(%arg7 : memref<!tpu.dma_semaphore, #tpu.memory_space<semaphore_mem>>) {add = true}
    %dma_start3A_14 = arith.constant 1 : i32
    %dma_start3A_15 = arith.constant 0 : i32
    %dma_start3A_16 = arith.constant 0 : i32
    %dma_start3A_17 = tpu.memref_slice %arg6[%dma_start3A_15, %dma_start3A_16] : memref<128x16xf32, #tpu.memory_space<vmem>> -> memref<125x16xf32, #tpu.memory_space<vmem>>
    %dma_start3A_18 = arith.constant 0 : i32
    %dma_start3A_19 = tpu.memref_slice %arg5[%dma_start3A_14, %dma_start3A_18] : memref<80x125xi32, #tpu.memory_space<vmem>> -> memref<1x125xi32, #tpu.memory_space<vmem>>
    %dma_start3A_20 = tpu.memref_squeeze %dma_start3A_19 : memref<1x125xi32, #tpu.memory_space<vmem>> -> memref<125xi32, #tpu.memory_space<vmem>>
    %dma_start3A_21 = arith.constant 0 : i32
    %dma_start3A_22 = arith.constant 0 : i32
    %dma_start3A_23 = tpu.memref_slice %arg8[%dma_start3A_21, %dma_start3A_22] : memref<10240x16xf32, #tpu.memory_space<vmem_shared>> -> memref<10240x16xf32, #tpu.memory_space<vmem_shared>>
    tpu.enqueue_indirect_dma source(%dma_start3A_17 : memref<125x16xf32, #tpu.memory_space<vmem>>) target(%dma_start3A_23 : memref<10240x16xf32, #tpu.memory_space<vmem_shared>>) offsets(%dma_start3A_20 : memref<125xi32, #tpu.memory_space<vmem>>) semaphore(%arg7 : memref<!tpu.dma_semaphore, #tpu.memory_space<semaphore_mem>>) {add = true}
    %dma_start3A_24 = arith.constant 2 : i32
    %dma_start3A_25 = arith.constant 0 : i32
    %dma_start3A_26 = arith.constant 0 : i32
    %dma_start3A_27 = tpu.memref_slice %arg6[%dma_start3A_25, %dma_start3A_26] : memref<128x16xf32, #tpu.memory_space<vmem>> -> memref<125x16xf32, #tpu.memory_space<vmem>>
    %dma_start3A_28 = arith.constant 0 : i32
    %dma_start3A_29 = tpu.memref_slice %arg5[%dma_start3A_24, %dma_start3A_28] : memref<80x125xi32, #tpu.memory_space<vmem>> -> memref<1x125xi32, #tpu.memory_space<vmem>>
    %dma_start3A_30 = tpu.memref_squeeze %dma_start3A_29 : memref<1x125xi32, #tpu.memory_space<vmem>> -> memref<125xi32, #tpu.memory_space<vmem>>
    %dma_start3A_31 = arith.constant 0 : i32
    %dma_start3A_32 = arith.constant 0 : i32
    %dma_start3A_33 = tpu.memref_slice %arg8[%dma_start3A_31, %dma_start3A_32] : memref<10240x16xf32, #tpu.memory_space<vmem_shared>> -> memref<10240x16xf32, #tpu.memory_space<vmem_shared>>
    tpu.enqueue_indirect_dma source(%dma_start3A_27 : memref<125x16xf32, #tpu.memory_space<vmem>>) target(%dma_start3A_33 : memref<10240x16xf32, #tpu.memory_space<vmem_shared>>) offsets(%dma_start3A_30 : memref<125xi32, #tpu.memory_space<vmem>>) semaphore(%arg7 : memref<!tpu.dma_semaphore, #tpu.memory_space<semaphore_mem>>) {add = true}
    %dma_start3A_34 = arith.constant 3 : i32
    %dma_start3A_35 = arith.constant 0 : i32
    %dma_start3A_36 = arith.constant 0 : i32
    %dma_start3A_37 = tpu.memref_slice %arg6[%dma_start3A_35, %dma_start3A_36] : memref<128x16xf32, #tpu.memory_space<vmem>> -> memref<125x16xf32, #tpu.memory_space<vmem>>
    %dma_start3A_38 = arith.constant 0 : i32
    %dma_start3A_39 = tpu.memref_slice %arg5[%dma_start3A_34, %dma_start3A_38] : memref<80x125xi32, #tpu.memory_space<vmem>> -> memref<1x125xi32, #tpu.memory_space<vmem>>
    %dma_start3A_40 = tpu.memref_squeeze %dma_start3A_39 : memref<1x125xi32, #tpu.memory_space<vmem>> -> memref<125xi32, #tpu.memory_space<vmem>>
    %dma_start3A_41 = arith.constant 0 : i32
    %dma_start3A_42 = arith.constant 0 : i32
    %dma_start3A_43 = tpu.memref_slice %arg8[%dma_start3A_41, %dma_start3A_42] : memref<10240x16xf32, #tpu.memory_space<vmem_shared>> -> memref<10240x16xf32, #tpu.memory_space<vmem_shared>>
    tpu.enqueue_indirect_dma source(%dma_start3A_37 : memref<125x16xf32, #tpu.memory_space<vmem>>) target(%dma_start3A_43 : memref<10240x16xf32, #tpu.memory_space<vmem_shared>>) offsets(%dma_start3A_40 : memref<125xi32, #tpu.memory_space<vmem>>) semaphore(%arg7 : memref<!tpu.dma_semaphore, #tpu.memory_space<semaphore_mem>>) {add = true}
    %scan3A = arith.constant 0 : i32
    %scan3A_44 = arith.constant 0 : i32
    %scan3A_45 = arith.constant 76 : i32
    %scan3A_46 = arith.addi %scan3A_44, %scan3A_45 : i32
    %scan3A_47 = arith.constant 1 : i32
    scf.for %scan3A_92 = %scan3A_44 to %scan3A_46 step %scan3A_47  : i32 {
      %dma_wait3A_93 = arith.constant 0 : i32
      %dma_wait3A_94 = arith.constant 0 : i32
      %dma_wait3A_95 = arith.constant 0 : i32
      %dma_wait3A_96 = tpu.memref_slice %arg6[%dma_wait3A_94, %dma_wait3A_95] : memref<128x16xf32, #tpu.memory_space<vmem>> -> memref<125x16xf32, #tpu.memory_space<vmem>>
      %dma_wait3A_97 = arith.constant 0 : i32
      %dma_wait3A_98 = tpu.memref_slice %arg5[%dma_wait3A_93, %dma_wait3A_97] : memref<80x125xi32, #tpu.memory_space<vmem>> -> memref<1x125xi32, #tpu.memory_space<vmem>>
      %dma_wait3A_99 = tpu.memref_squeeze %dma_wait3A_98 : memref<1x125xi32, #tpu.memory_space<vmem>> -> memref<125xi32, #tpu.memory_space<vmem>>
      %dma_wait3A_100 = arith.constant 0 : i32
      %dma_wait3A_101 = arith.constant 0 : i32
      %dma_wait3A_102 = tpu.memref_slice %arg8[%dma_wait3A_100, %dma_wait3A_101] : memref<10240x16xf32, #tpu.memory_space<vmem_shared>> -> memref<10240x16xf32, #tpu.memory_space<vmem_shared>>
      tpu.wait_indirect_dma semaphore(%arg7 : memref<!tpu.dma_semaphore, #tpu.memory_space<semaphore_mem>>) src(%dma_wait3A_96 : memref<125x16xf32, #tpu.memory_space<vmem>>) dst(%dma_wait3A_102 : memref<10240x16xf32, #tpu.memory_space<vmem_shared>>)
      %add3A_103 = arith.constant 4 : i32
      %add3A_104 = arith.addi %scan3A_92, %add3A_103 : i32
      %dma_start3A_105 = arith.constant 0 : i32
      %dma_start3A_106 = arith.constant 0 : i32
      %dma_start3A_107 = tpu.memref_slice %arg6[%dma_start3A_105, %dma_start3A_106] : memref<128x16xf32, #tpu.memory_space<vmem>> -> memref<125x16xf32, #tpu.memory_space<vmem>>
      %dma_start3A_108 = arith.constant 0 : i32
      %dma_start3A_109 = tpu.memref_slice %arg5[%add3A_104, %dma_start3A_108] : memref<80x125xi32, #tpu.memory_space<vmem>> -> memref<1x125xi32, #tpu.memory_space<vmem>>
      %dma_start3A_110 = tpu.memref_squeeze %dma_start3A_109 : memref<1x125xi32, #tpu.memory_space<vmem>> -> memref<125xi32, #tpu.memory_space<vmem>>
      %dma_start3A_111 = arith.constant 0 : i32
      %dma_start3A_112 = arith.constant 0 : i32
      %dma_start3A_113 = tpu.memref_slice %arg8[%dma_start3A_111, %dma_start3A_112] : memref<10240x16xf32, #tpu.memory_space<vmem_shared>> -> memref<10240x16xf32, #tpu.memory_space<vmem_shared>>
      tpu.enqueue_indirect_dma source(%dma_start3A_107 : memref<125x16xf32, #tpu.memory_space<vmem>>) target(%dma_start3A_113 : memref<10240x16xf32, #tpu.memory_space<vmem_shared>>) offsets(%dma_start3A_110 : memref<125xi32, #tpu.memory_space<vmem>>) semaphore(%arg7 : memref<!tpu.dma_semaphore, #tpu.memory_space<semaphore_mem>>) {add = true}
    }
    %scan3A_48 = arith.constant 76 : i32
    %dma_wait3A = arith.constant 0 : i32
    %dma_wait3A_49 = arith.constant 0 : i32
    %dma_wait3A_50 = arith.constant 0 : i32
    %dma_wait3A_51 = tpu.memref_slice %arg6[%dma_wait3A_49, %dma_wait3A_50] : memref<128x16xf32, #tpu.memory_space<vmem>> -> memref<125x16xf32, #tpu.memory_space<vmem>>
    %dma_wait3A_52 = arith.constant 0 : i32
    %dma_wait3A_53 = tpu.memref_slice %arg5[%dma_wait3A, %dma_wait3A_52] : memref<80x125xi32, #tpu.memory_space<vmem>> -> memref<1x125xi32, #tpu.memory_space<vmem>>
    %dma_wait3A_54 = tpu.memref_squeeze %dma_wait3A_53 : memref<1x125xi32, #tpu.memory_space<vmem>> -> memref<125xi32, #tpu.memory_space<vmem>>
    %dma_wait3A_55 = arith.constant 0 : i32
    %dma_wait3A_56 = arith.constant 0 : i32
    %dma_wait3A_57 = tpu.memref_slice %arg8[%dma_wait3A_55, %dma_wait3A_56] : memref<10240x16xf32, #tpu.memory_space<vmem_shared>> -> memref<10240x16xf32, #tpu.memory_space<vmem_shared>>
    tpu.wait_indirect_dma semaphore(%arg7 : memref<!tpu.dma_semaphore, #tpu.memory_space<semaphore_mem>>) src(%dma_wait3A_51 : memref<125x16xf32, #tpu.memory_space<vmem>>) dst(%dma_wait3A_57 : memref<10240x16xf32, #tpu.memory_space<vmem_shared>>)
    %dma_wait3A_58 = arith.constant 0 : i32
    %dma_wait3A_59 = arith.constant 0 : i32
    %dma_wait3A_60 = arith.constant 0 : i32
    %dma_wait3A_61 = tpu.memref_slice %arg6[%dma_wait3A_59, %dma_wait3A_60] : memref<128x16xf32, #tpu.memory_space<vmem>> -> memref<125x16xf32, #tpu.memory_space<vmem>>
    %dma_wait3A_62 = arith.constant 0 : i32
    %dma_wait3A_63 = tpu.memref_slice %arg5[%dma_wait3A_58, %dma_wait3A_62] : memref<80x125xi32, #tpu.memory_space<vmem>> -> memref<1x125xi32, #tpu.memory_space<vmem>>
    %dma_wait3A_64 = tpu.memref_squeeze %dma_wait3A_63 : memref<1x125xi32, #tpu.memory_space<vmem>> -> memref<125xi32, #tpu.memory_space<vmem>>
    %dma_wait3A_65 = arith.constant 0 : i32
    %dma_wait3A_66 = arith.constant 0 : i32
    %dma_wait3A_67 = tpu.memref_slice %arg8[%dma_wait3A_65, %dma_wait3A_66] : memref<10240x16xf32, #tpu.memory_space<vmem_shared>> -> memref<10240x16xf32, #tpu.memory_space<vmem_shared>>
    tpu.wait_indirect_dma semaphore(%arg7 : memref<!tpu.dma_semaphore, #tpu.memory_space<semaphore_mem>>) src(%dma_wait3A_61 : memref<125x16xf32, #tpu.memory_space<vmem>>) dst(%dma_wait3A_67 : memref<10240x16xf32, #tpu.memory_space<vmem_shared>>)
    %dma_wait3A_68 = arith.constant 0 : i32
    %dma_wait3A_69 = arith.constant 0 : i32
    %dma_wait3A_70 = arith.constant 0 : i32
    %dma_wait3A_71 = tpu.memref_slice %arg6[%dma_wait3A_69, %dma_wait3A_70] : memref<128x16xf32, #tpu.memory_space<vmem>> -> memref<125x16xf32, #tpu.memory_space<vmem>>
    %dma_wait3A_72 = arith.constant 0 : i32
    %dma_wait3A_73 = tpu.memref_slice %arg5[%dma_wait3A_68, %dma_wait3A_72] : memref<80x125xi32, #tpu.memory_space<vmem>> -> memref<1x125xi32, #tpu.memory_space<vmem>>
    %dma_wait3A_74 = tpu.memref_squeeze %dma_wait3A_73 : memref<1x125xi32, #tpu.memory_space<vmem>> -> memref<125xi32, #tpu.memory_space<vmem>>
    %dma_wait3A_75 = arith.constant 0 : i32
    %dma_wait3A_76 = arith.constant 0 : i32
    %dma_wait3A_77 = tpu.memref_slice %arg8[%dma_wait3A_75, %dma_wait3A_76] : memref<10240x16xf32, #tpu.memory_space<vmem_shared>> -> memref<10240x16xf32, #tpu.memory_space<vmem_shared>>
    tpu.wait_indirect_dma semaphore(%arg7 : memref<!tpu.dma_semaphore, #tpu.memory_space<semaphore_mem>>) src(%dma_wait3A_71 : memref<125x16xf32, #tpu.memory_space<vmem>>) dst(%dma_wait3A_77 : memref<10240x16xf32, #tpu.memory_space<vmem_shared>>)
    %dma_wait3A_78 = arith.constant 0 : i32
    %dma_wait3A_79 = arith.constant 0 : i32
    %dma_wait3A_80 = arith.constant 0 : i32
    %dma_wait3A_81 = tpu.memref_slice %arg6[%dma_wait3A_79, %dma_wait3A_80] : memref<128x16xf32, #tpu.memory_space<vmem>> -> memref<125x16xf32, #tpu.memory_space<vmem>>
    %dma_wait3A_82 = arith.constant 0 : i32
    %dma_wait3A_83 = tpu.memref_slice %arg5[%dma_wait3A_78, %dma_wait3A_82] : memref<80x125xi32, #tpu.memory_space<vmem>> -> memref<1x125xi32, #tpu.memory_space<vmem>>
    %dma_wait3A_84 = tpu.memref_squeeze %dma_wait3A_83 : memref<1x125xi32, #tpu.memory_space<vmem>> -> memref<125xi32, #tpu.memory_space<vmem>>
    %dma_wait3A_85 = arith.constant 0 : i32
    %dma_wait3A_86 = arith.constant 0 : i32
    %dma_wait3A_87 = tpu.memref_slice %arg8[%dma_wait3A_85, %dma_wait3A_86] : memref<10240x16xf32, #tpu.memory_space<vmem_shared>> -> memref<10240x16xf32, #tpu.memory_space<vmem_shared>>
    tpu.wait_indirect_dma semaphore(%arg7 : memref<!tpu.dma_semaphore, #tpu.memory_space<semaphore_mem>>) src(%dma_wait3A_81 : memref<125x16xf32, #tpu.memory_space<vmem>>) dst(%dma_wait3A_87 : memref<10240x16xf32, #tpu.memory_space<vmem_shared>>)
    %barrier3A_88 = arith.constant 0 : index
    tpu.barrier barrier_id(%barrier3A_88)
    %mul3A_89 = arith.constant 10240 : i32
    %mul3A_90 = arith.muli %arg0, %mul3A_89 : i32
    %add3A_91 = arith.addi %mul3A_90, %mul3A_4 : i32
    "tpu.region"() ({
      %run_scoped3A = tpu.sem_alloc : memref<!tpu.dma_semaphore, #tpu.memory_space<semaphore_mem>>
      %dma_start3A_92 = arith.constant 0 : i32
      %dma_start3A_93 = tpu.memref_slice %arg4[%add3A_91, %dma_start3A_92] : memref<20480x16xf32, #tpu.memory_space<hbm>> -> memref<640x16xf32, #tpu.memory_space<hbm>>
      %dma_start3A_94 = arith.constant 0 : i32
      %dma_start3A_95 = tpu.memref_slice %arg8[%mul3A_4, %dma_start3A_94] : memref<10240x16xf32, #tpu.memory_space<vmem_shared>> -> memref<640x16xf32, #tpu.memory_space<vmem_shared>>
      tpu.enqueue_dma source(%dma_start3A_95 : memref<640x16xf32, #tpu.memory_space<vmem_shared>>) target(%dma_start3A_93 : memref<640x16xf32, #tpu.memory_space<hbm>>) target_semaphore(%run_scoped3A : memref<!tpu.dma_semaphore, #tpu.memory_space<semaphore_mem>>)
      %dma_wait3A_96 = arith.constant 0 : i32
      %dma_wait3A_97 = tpu.memref_slice %arg4[%add3A_91, %dma_wait3A_96] : memref<20480x16xf32, #tpu.memory_space<hbm>> -> memref<640x16xf32, #tpu.memory_space<hbm>>
      %dma_wait3A_98 = arith.constant 0 : i32
      %dma_wait3A_99 = tpu.memref_slice %arg8[%mul3A_4, %dma_wait3A_98] : memref<10240x16xf32, #tpu.memory_space<vmem_shared>> -> memref<640x16xf32, #tpu.memory_space<vmem_shared>>
      tpu.wait_dma2 semaphore(%run_scoped3A : memref<!tpu.dma_semaphore, #tpu.memory_space<semaphore_mem>>) src(%dma_wait3A_99 : memref<640x16xf32, #tpu.memory_space<vmem_shared>>) dst(%dma_wait3A_97 : memref<640x16xf32, #tpu.memory_space<hbm>>)
      tpu.yield
    }) : () -> ()
    return
  }
}

#map = affine_map<(d0, d1) -> (0, 0)>
module attributes {stable_mosaic.version = 14 : i64} {
  func.func @_sc_pass2(%arg0: i32, %arg1: i32, %arg2: memref<10240x128xf32, #tpu.memory_space<hbm>>, %arg3: memref<10240x128xf32, #tpu.memory_space<hbm>>, %arg4: memref<2560x125xi32, #tpu.memory_space<hbm>>, %arg5: memref<2560x125xi32, #tpu.memory_space<hbm>>, %arg6: memref<20480x128xf32, #tpu.memory_space<hbm>>, %arg7: memref<40x125xi32, #tpu.memory_space<vmem>>, %arg8: memref<40x125xi32, #tpu.memory_space<vmem>>, %arg9: memref<125x128xf32, #tpu.memory_space<vmem>>, %arg10: memref<125x128xf32, #tpu.memory_space<vmem>>, %arg11: memref<!tpu.dma_semaphore, #tpu.memory_space<semaphore_mem>>, %arg12: memref<!tpu.dma_semaphore, #tpu.memory_space<semaphore_mem>>, %arg13: memref<!tpu.dma_semaphore, #tpu.memory_space<semaphore_mem>>, %arg14: memref<!tpu.dma_semaphore, #tpu.memory_space<semaphore_mem>>, %arg15: memref<10240x128xf32, #tpu.memory_space<vmem_shared>>) attributes {dimension_semantics = [#tpu.dimension_semantics<core_parallel>, #tpu.dimension_semantics<subcore_parallel>], iteration_bounds = array<i64: 2, 16>, scalar_prefetch = 0 : i64, scratch_operands = 9 : i64, tpu.core_type = #tpu.core_type<sc_vector_subcore>, window_params = [{transform_indices = #map}, {transform_indices = #map}, {transform_indices = #map}, {transform_indices = #map}, {transform_indices = #map}]} {
    %mul3A = arith.constant 160 : i32
    %mul3A_0 = arith.muli %arg1, %mul3A : i32
    %mul3A_1 = arith.constant 640 : i32
    %mul3A_2 = arith.muli %arg1, %mul3A_1 : i32
    %eq3A = arith.constant 0 : i32
    %eq3A_3 = arith.cmpi eq, %arg0, %eq3A : i32
    %convert_element_type3A = arith.extui %eq3A_3 : i1 to i32
    %cond3A = arith.constant 0 : i32
    %cond3A_4 = arith.cmpi ne, %convert_element_type3A, %cond3A : i32
    scf.if %cond3A_4 {
      "tpu.region"() ({
        %run_scoped3A = tpu.sem_alloc : memref<!tpu.dma_semaphore, #tpu.memory_space<semaphore_mem>>
        %dma_start3A = arith.constant 0 : i32
        %dma_start3A_179 = tpu.memref_slice %arg15[%mul3A_2, %dma_start3A] : memref<10240x128xf32, #tpu.memory_space<vmem_shared>> -> memref<640x128xf32, #tpu.memory_space<vmem_shared>>
        %dma_start3A_180 = arith.constant 0 : i32
        %dma_start3A_181 = tpu.memref_slice %arg2[%mul3A_2, %dma_start3A_180] : memref<10240x128xf32, #tpu.memory_space<hbm>> -> memref<640x128xf32, #tpu.memory_space<hbm>>
        tpu.enqueue_dma source(%dma_start3A_181 : memref<640x128xf32, #tpu.memory_space<hbm>>) target(%dma_start3A_179 : memref<640x128xf32, #tpu.memory_space<vmem_shared>>) target_semaphore(%run_scoped3A : memref<!tpu.dma_semaphore, #tpu.memory_space<semaphore_mem>>)
        %dma_wait3A_182 = arith.constant 0 : i32
        %dma_wait3A_183 = tpu.memref_slice %arg15[%mul3A_2, %dma_wait3A_182] : memref<10240x128xf32, #tpu.memory_space<vmem_shared>> -> memref<640x128xf32, #tpu.memory_space<vmem_shared>>
        %dma_wait3A_184 = arith.constant 0 : i32
        %dma_wait3A_185 = tpu.memref_slice %arg2[%mul3A_2, %dma_wait3A_184] : memref<10240x128xf32, #tpu.memory_space<hbm>> -> memref<640x128xf32, #tpu.memory_space<hbm>>
        tpu.wait_dma2 semaphore(%run_scoped3A : memref<!tpu.dma_semaphore, #tpu.memory_space<semaphore_mem>>) src(%dma_wait3A_185 : memref<640x128xf32, #tpu.memory_space<hbm>>) dst(%dma_wait3A_183 : memref<640x128xf32, #tpu.memory_space<vmem_shared>>)
        tpu.yield
      }) : () -> ()
    } else {
    }
    %eq3A_5 = arith.constant 1 : i32
    %eq3A_6 = arith.cmpi eq, %arg0, %eq3A_5 : i32
    %convert_element_type3A_7 = arith.extui %eq3A_6 : i1 to i32
    %cond3A_8 = arith.constant 0 : i32
    %cond3A_9 = arith.cmpi ne, %convert_element_type3A_7, %cond3A_8 : i32
    scf.if %cond3A_9 {
      "tpu.region"() ({
        %run_scoped3A = tpu.sem_alloc : memref<!tpu.dma_semaphore, #tpu.memory_space<semaphore_mem>>
        %dma_start3A = arith.constant 0 : i32
        %dma_start3A_179 = tpu.memref_slice %arg15[%mul3A_2, %dma_start3A] : memref<10240x128xf32, #tpu.memory_space<vmem_shared>> -> memref<640x128xf32, #tpu.memory_space<vmem_shared>>
        %dma_start3A_180 = arith.constant 0 : i32
        %dma_start3A_181 = tpu.memref_slice %arg3[%mul3A_2, %dma_start3A_180] : memref<10240x128xf32, #tpu.memory_space<hbm>> -> memref<640x128xf32, #tpu.memory_space<hbm>>
        tpu.enqueue_dma source(%dma_start3A_181 : memref<640x128xf32, #tpu.memory_space<hbm>>) target(%dma_start3A_179 : memref<640x128xf32, #tpu.memory_space<vmem_shared>>) target_semaphore(%run_scoped3A : memref<!tpu.dma_semaphore, #tpu.memory_space<semaphore_mem>>)
        %dma_wait3A_182 = arith.constant 0 : i32
        %dma_wait3A_183 = tpu.memref_slice %arg15[%mul3A_2, %dma_wait3A_182] : memref<10240x128xf32, #tpu.memory_space<vmem_shared>> -> memref<640x128xf32, #tpu.memory_space<vmem_shared>>
        %dma_wait3A_184 = arith.constant 0 : i32
        %dma_wait3A_185 = tpu.memref_slice %arg3[%mul3A_2, %dma_wait3A_184] : memref<10240x128xf32, #tpu.memory_space<hbm>> -> memref<640x128xf32, #tpu.memory_space<hbm>>
        tpu.wait_dma2 semaphore(%run_scoped3A : memref<!tpu.dma_semaphore, #tpu.memory_space<semaphore_mem>>) src(%dma_wait3A_185 : memref<640x128xf32, #tpu.memory_space<hbm>>) dst(%dma_wait3A_183 : memref<640x128xf32, #tpu.memory_space<vmem_shared>>)
        tpu.yield
      }) : () -> ()
    } else {
    }
    %barrier3A = arith.constant 0 : index
    tpu.barrier barrier_id(%barrier3A)
    %add3A = arith.constant 0 : i32
    %add3A_10 = arith.addi %mul3A_0, %add3A : i32
    "tpu.region"() ({
      %run_scoped3A = tpu.sem_alloc : memref<!tpu.dma_semaphore, #tpu.memory_space<semaphore_mem>>
      %dma_start3A = arith.constant 0 : i32
      %dma_start3A_179 = tpu.memref_slice %arg4[%add3A_10, %dma_start3A] : memref<2560x125xi32, #tpu.memory_space<hbm>> -> memref<40x125xi32, #tpu.memory_space<hbm>>
      %dma_start3A_180 = arith.constant 0 : i32
      %dma_start3A_181 = tpu.memref_slice %arg4[%add3A_10, %dma_start3A_180] : memref<2560x125xi32, #tpu.memory_space<hbm>> -> memref<40x125xi32, #tpu.memory_space<hbm>>
      tpu.enqueue_dma source(%dma_start3A_181 : memref<40x125xi32, #tpu.memory_space<hbm>>) target(%arg7 : memref<40x125xi32, #tpu.memory_space<vmem>>) target_semaphore(%run_scoped3A : memref<!tpu.dma_semaphore, #tpu.memory_space<semaphore_mem>>)
      %dma_wait3A_182 = arith.constant 0 : i32
      %dma_wait3A_183 = tpu.memref_slice %arg4[%add3A_10, %dma_wait3A_182] : memref<2560x125xi32, #tpu.memory_space<hbm>> -> memref<40x125xi32, #tpu.memory_space<hbm>>
      %dma_wait3A_184 = arith.constant 0 : i32
      %dma_wait3A_185 = tpu.memref_slice %arg4[%add3A_10, %dma_wait3A_184] : memref<2560x125xi32, #tpu.memory_space<hbm>> -> memref<40x125xi32, #tpu.memory_space<hbm>>
      tpu.wait_dma2 semaphore(%run_scoped3A : memref<!tpu.dma_semaphore, #tpu.memory_space<semaphore_mem>>) src(%dma_wait3A_185 : memref<40x125xi32, #tpu.memory_space<hbm>>) dst(%arg7 : memref<40x125xi32, #tpu.memory_space<vmem>>)
      tpu.yield
    }) : () -> ()
    "tpu.region"() ({
      %run_scoped3A = tpu.sem_alloc : memref<!tpu.dma_semaphore, #tpu.memory_space<semaphore_mem>>
      %dma_start3A = arith.constant 0 : i32
      %dma_start3A_179 = tpu.memref_slice %arg5[%add3A_10, %dma_start3A] : memref<2560x125xi32, #tpu.memory_space<hbm>> -> memref<40x125xi32, #tpu.memory_space<hbm>>
      %dma_start3A_180 = arith.constant 0 : i32
      %dma_start3A_181 = tpu.memref_slice %arg5[%add3A_10, %dma_start3A_180] : memref<2560x125xi32, #tpu.memory_space<hbm>> -> memref<40x125xi32, #tpu.memory_space<hbm>>
      tpu.enqueue_dma source(%dma_start3A_181 : memref<40x125xi32, #tpu.memory_space<hbm>>) target(%arg8 : memref<40x125xi32, #tpu.memory_space<vmem>>) target_semaphore(%run_scoped3A : memref<!tpu.dma_semaphore, #tpu.memory_space<semaphore_mem>>)
      %dma_wait3A_182 = arith.constant 0 : i32
      %dma_wait3A_183 = tpu.memref_slice %arg5[%add3A_10, %dma_wait3A_182] : memref<2560x125xi32, #tpu.memory_space<hbm>> -> memref<40x125xi32, #tpu.memory_space<hbm>>
      %dma_wait3A_184 = arith.constant 0 : i32
      %dma_wait3A_185 = tpu.memref_slice %arg5[%add3A_10, %dma_wait3A_184] : memref<2560x125xi32, #tpu.memory_space<hbm>> -> memref<40x125xi32, #tpu.memory_space<hbm>>
      tpu.wait_dma2 semaphore(%run_scoped3A : memref<!tpu.dma_semaphore, #tpu.memory_space<semaphore_mem>>) src(%dma_wait3A_185 : memref<40x125xi32, #tpu.memory_space<hbm>>) dst(%arg8 : memref<40x125xi32, #tpu.memory_space<vmem>>)
      tpu.yield
    }) : () -> ()
    %eq3A_11 = arith.constant 0 : i32
    %eq3A_12 = arith.cmpi eq, %arg0, %eq3A_11 : i32
    %convert_element_type3A_13 = arith.extui %eq3A_12 : i1 to i32
    %cond3A_14 = arith.constant 0 : i32
    %cond3A_15 = arith.cmpi ne, %convert_element_type3A_13, %cond3A_14 : i32
    scf.if %cond3A_15 {
      %dma_start3A = arith.constant 0 : i32
      %dma_start3A_179 = arith.constant 0 : i32
      %dma_start3A_180 = tpu.memref_slice %arg7[%dma_start3A, %dma_start3A_179] : memref<40x125xi32, #tpu.memory_space<vmem>> -> memref<1x125xi32, #tpu.memory_space<vmem>>
      %dma_start3A_181 = tpu.memref_squeeze %dma_start3A_180 : memref<1x125xi32, #tpu.memory_space<vmem>> -> memref<125xi32, #tpu.memory_space<vmem>>
      %dma_start3A_182 = arith.constant 0 : i32
      %dma_start3A_183 = arith.constant 0 : i32
      %dma_start3A_184 = tpu.memref_slice %arg2[%dma_start3A_182, %dma_start3A_183] : memref<10240x128xf32, #tpu.memory_space<hbm>> -> memref<10240x128xf32, #tpu.memory_space<hbm>>
      tpu.enqueue_indirect_dma source(%dma_start3A_184 : memref<10240x128xf32, #tpu.memory_space<hbm>>) target(%arg9 : memref<125x128xf32, #tpu.memory_space<vmem>>) offsets(%dma_start3A_181 : memref<125xi32, #tpu.memory_space<vmem>>) semaphore(%arg11 : memref<!tpu.dma_semaphore, #tpu.memory_space<semaphore_mem>>)
    } else {
    }
    %eq3A_16 = arith.constant 1 : i32
    %eq3A_17 = arith.cmpi eq, %arg0, %eq3A_16 : i32
    %convert_element_type3A_18 = arith.extui %eq3A_17 : i1 to i32
    %cond3A_19 = arith.constant 0 : i32
    %cond3A_20 = arith.cmpi ne, %convert_element_type3A_18, %cond3A_19 : i32
    scf.if %cond3A_20 {
      %dma_start3A = arith.constant 0 : i32
      %dma_start3A_179 = arith.constant 0 : i32
      %dma_start3A_180 = tpu.memref_slice %arg7[%dma_start3A, %dma_start3A_179] : memref<40x125xi32, #tpu.memory_space<vmem>> -> memref<1x125xi32, #tpu.memory_space<vmem>>
      %dma_start3A_181 = tpu.memref_squeeze %dma_start3A_180 : memref<1x125xi32, #tpu.memory_space<vmem>> -> memref<125xi32, #tpu.memory_space<vmem>>
      %dma_start3A_182 = arith.constant 0 : i32
      %dma_start3A_183 = arith.constant 0 : i32
      %dma_start3A_184 = tpu.memref_slice %arg3[%dma_start3A_182, %dma_start3A_183] : memref<10240x128xf32, #tpu.memory_space<hbm>> -> memref<10240x128xf32, #tpu.memory_space<hbm>>
      tpu.enqueue_indirect_dma source(%dma_start3A_184 : memref<10240x128xf32, #tpu.memory_space<hbm>>) target(%arg9 : memref<125x128xf32, #tpu.memory_space<vmem>>) offsets(%dma_start3A_181 : memref<125xi32, #tpu.memory_space<vmem>>) semaphore(%arg11 : memref<!tpu.dma_semaphore, #tpu.memory_space<semaphore_mem>>)
    } else {
    }
    %eq3A_21 = arith.constant 0 : i32
    %eq3A_22 = arith.cmpi eq, %arg0, %eq3A_21 : i32
    %convert_element_type3A_23 = arith.extui %eq3A_22 : i1 to i32
    %cond3A_24 = arith.constant 0 : i32
    %cond3A_25 = arith.cmpi ne, %convert_element_type3A_23, %cond3A_24 : i32
    scf.if %cond3A_25 {
      %dma_start3A = arith.constant 1 : i32
      %dma_start3A_179 = arith.constant 0 : i32
      %dma_start3A_180 = tpu.memref_slice %arg7[%dma_start3A, %dma_start3A_179] : memref<40x125xi32, #tpu.memory_space<vmem>> -> memref<1x125xi32, #tpu.memory_space<vmem>>
      %dma_start3A_181 = tpu.memref_squeeze %dma_start3A_180 : memref<1x125xi32, #tpu.memory_space<vmem>> -> memref<125xi32, #tpu.memory_space<vmem>>
      %dma_start3A_182 = arith.constant 0 : i32
      %dma_start3A_183 = arith.constant 0 : i32
      %dma_start3A_184 = tpu.memref_slice %arg2[%dma_start3A_182, %dma_start3A_183] : memref<10240x128xf32, #tpu.memory_space<hbm>> -> memref<10240x128xf32, #tpu.memory_space<hbm>>
      tpu.enqueue_indirect_dma source(%dma_start3A_184 : memref<10240x128xf32, #tpu.memory_space<hbm>>) target(%arg10 : memref<125x128xf32, #tpu.memory_space<vmem>>) offsets(%dma_start3A_181 : memref<125xi32, #tpu.memory_space<vmem>>) semaphore(%arg12 : memref<!tpu.dma_semaphore, #tpu.memory_space<semaphore_mem>>)
    } else {
    }
    %eq3A_26 = arith.constant 1 : i32
    %eq3A_27 = arith.cmpi eq, %arg0, %eq3A_26 : i32
    %convert_element_type3A_28 = arith.extui %eq3A_27 : i1 to i32
    %cond3A_29 = arith.constant 0 : i32
    %cond3A_30 = arith.cmpi ne, %convert_element_type3A_28, %cond3A_29 : i32
    scf.if %cond3A_30 {
      %dma_start3A = arith.constant 1 : i32
      %dma_start3A_179 = arith.constant 0 : i32
      %dma_start3A_180 = tpu.memref_slice %arg7[%dma_start3A, %dma_start3A_179] : memref<40x125xi32, #tpu.memory_space<vmem>> -> memref<1x125xi32, #tpu.memory_space<vmem>>
      %dma_start3A_181 = tpu.memref_squeeze %dma_start3A_180 : memref<1x125xi32, #tpu.memory_space<vmem>> -> memref<125xi32, #tpu.memory_space<vmem>>
      %dma_start3A_182 = arith.constant 0 : i32
      %dma_start3A_183 = arith.constant 0 : i32
      %dma_start3A_184 = tpu.memref_slice %arg3[%dma_start3A_182, %dma_start3A_183] : memref<10240x128xf32, #tpu.memory_space<hbm>> -> memref<10240x128xf32, #tpu.memory_space<hbm>>
      tpu.enqueue_indirect_dma source(%dma_start3A_184 : memref<10240x128xf32, #tpu.memory_space<hbm>>) target(%arg10 : memref<125x128xf32, #tpu.memory_space<vmem>>) offsets(%dma_start3A_181 : memref<125xi32, #tpu.memory_space<vmem>>) semaphore(%arg12 : memref<!tpu.dma_semaphore, #tpu.memory_space<semaphore_mem>>)
    } else {
    }
    %scan3A = arith.constant 0 : i32
    %scan3A_31 = arith.constant 0 : i32
    %scan3A_32 = arith.constant 20 : i32
    %scan3A_33 = arith.addi %scan3A_31, %scan3A_32 : i32
    %scan3A_34 = arith.constant 1 : i32
    scf.for %scan3A_179 = %scan3A_31 to %scan3A_33 step %scan3A_34  : i32 {
      %mul3A_180 = arith.constant 2 : i32
      %mul3A_181 = arith.muli %mul3A_180, %scan3A_179 : i32
      %dma_wait3A_182 = arith.constant 0 : i32
      %dma_wait3A_183 = arith.constant 0 : i32
      %dma_wait3A_184 = tpu.memref_slice %arg7[%dma_wait3A_182, %dma_wait3A_183] : memref<40x125xi32, #tpu.memory_space<vmem>> -> memref<1x125xi32, #tpu.memory_space<vmem>>
      %dma_wait3A_185 = tpu.memref_squeeze %dma_wait3A_184 : memref<1x125xi32, #tpu.memory_space<vmem>> -> memref<125xi32, #tpu.memory_space<vmem>>
      %dma_wait3A_186 = arith.constant 0 : i32
      %dma_wait3A_187 = arith.constant 0 : i32
      %dma_wait3A_188 = tpu.memref_slice %arg2[%dma_wait3A_186, %dma_wait3A_187] : memref<10240x128xf32, #tpu.memory_space<hbm>> -> memref<10240x128xf32, #tpu.memory_space<hbm>>
      tpu.wait_indirect_dma semaphore(%arg11 : memref<!tpu.dma_semaphore, #tpu.memory_space<semaphore_mem>>) src(%dma_wait3A_188 : memref<10240x128xf32, #tpu.memory_space<hbm>>) dst(%arg9 : memref<125x128xf32, #tpu.memory_space<vmem>>)
      %dma_start3A = arith.constant 0 : i32
      %dma_start3A_189 = tpu.memref_slice %arg8[%mul3A_181, %dma_start3A] : memref<40x125xi32, #tpu.memory_space<vmem>> -> memref<1x125xi32, #tpu.memory_space<vmem>>
      %dma_start3A_190 = tpu.memref_squeeze %dma_start3A_189 : memref<1x125xi32, #tpu.memory_space<vmem>> -> memref<125xi32, #tpu.memory_space<vmem>>
      %dma_start3A_191 = arith.constant 0 : i32
      %dma_start3A_192 = arith.constant 0 : i32
      %dma_start3A_193 = tpu.memref_slice %arg15[%dma_start3A_191, %dma_start3A_192] : memref<10240x128xf32, #tpu.memory_space<vmem_shared>> -> memref<10240x128xf32, #tpu.memory_space<vmem_shared>>
      tpu.enqueue_indirect_dma source(%arg9 : memref<125x128xf32, #tpu.memory_space<vmem>>) target(%dma_start3A_193 : memref<10240x128xf32, #tpu.memory_space<vmem_shared>>) offsets(%dma_start3A_190 : memref<125xi32, #tpu.memory_space<vmem>>) semaphore(%arg13 : memref<!tpu.dma_semaphore, #tpu.memory_space<semaphore_mem>>) {add = true}
      %dma_wait3A_194 = arith.constant 0 : i32
      %dma_wait3A_195 = arith.constant 0 : i32
      %dma_wait3A_196 = tpu.memref_slice %arg7[%dma_wait3A_194, %dma_wait3A_195] : memref<40x125xi32, #tpu.memory_space<vmem>> -> memref<1x125xi32, #tpu.memory_space<vmem>>
      %dma_wait3A_197 = tpu.memref_squeeze %dma_wait3A_196 : memref<1x125xi32, #tpu.memory_space<vmem>> -> memref<125xi32, #tpu.memory_space<vmem>>
      %dma_wait3A_198 = arith.constant 0 : i32
      %dma_wait3A_199 = arith.constant 0 : i32
      %dma_wait3A_200 = tpu.memref_slice %arg2[%dma_wait3A_198, %dma_wait3A_199] : memref<10240x128xf32, #tpu.memory_space<hbm>> -> memref<10240x128xf32, #tpu.memory_space<hbm>>
      tpu.wait_indirect_dma semaphore(%arg12 : memref<!tpu.dma_semaphore, #tpu.memory_space<semaphore_mem>>) src(%dma_wait3A_200 : memref<10240x128xf32, #tpu.memory_space<hbm>>) dst(%arg10 : memref<125x128xf32, #tpu.memory_space<vmem>>)
      %add3A_201 = arith.constant 1 : i32
      %add3A_202 = arith.addi %mul3A_181, %add3A_201 : i32
      %dma_start3A_203 = arith.constant 0 : i32
      %dma_start3A_204 = tpu.memref_slice %arg8[%add3A_202, %dma_start3A_203] : memref<40x125xi32, #tpu.memory_space<vmem>> -> memref<1x125xi32, #tpu.memory_space<vmem>>
      %dma_start3A_205 = tpu.memref_squeeze %dma_start3A_204 : memref<1x125xi32, #tpu.memory_space<vmem>> -> memref<125xi32, #tpu.memory_space<vmem>>
      %dma_start3A_206 = arith.constant 0 : i32
      %dma_start3A_207 = arith.constant 0 : i32
      %dma_start3A_208 = tpu.memref_slice %arg15[%dma_start3A_206, %dma_start3A_207] : memref<10240x128xf32, #tpu.memory_space<vmem_shared>> -> memref<10240x128xf32, #tpu.memory_space<vmem_shared>>
      tpu.enqueue_indirect_dma source(%arg10 : memref<125x128xf32, #tpu.memory_space<vmem>>) target(%dma_start3A_208 : memref<10240x128xf32, #tpu.memory_space<vmem_shared>>) offsets(%dma_start3A_205 : memref<125xi32, #tpu.memory_space<vmem>>) semaphore(%arg14 : memref<!tpu.dma_semaphore, #tpu.memory_space<semaphore_mem>>) {add = true}
      %lt3A = arith.constant 19 : i32
      %lt3A_209 = arith.cmpi slt, %scan3A_179, %lt3A : i32
      %convert_element_type3A_210 = arith.extui %lt3A_209 : i1 to i32
      %cond3A_211 = arith.constant 0 : i32
      %cond3A_212 = arith.cmpi ne, %convert_element_type3A_210, %cond3A_211 : i32
      scf.if %cond3A_212 {
        %dma_wait3A_213 = arith.constant 0 : i32
        %dma_wait3A_214 = arith.constant 0 : i32
        %dma_wait3A_215 = tpu.memref_slice %arg8[%dma_wait3A_213, %dma_wait3A_214] : memref<40x125xi32, #tpu.memory_space<vmem>> -> memref<1x125xi32, #tpu.memory_space<vmem>>
        %dma_wait3A_216 = tpu.memref_squeeze %dma_wait3A_215 : memref<1x125xi32, #tpu.memory_space<vmem>> -> memref<125xi32, #tpu.memory_space<vmem>>
        %dma_wait3A_217 = arith.constant 0 : i32
        %dma_wait3A_218 = arith.constant 0 : i32
        %dma_wait3A_219 = tpu.memref_slice %arg15[%dma_wait3A_217, %dma_wait3A_218] : memref<10240x128xf32, #tpu.memory_space<vmem_shared>> -> memref<10240x128xf32, #tpu.memory_space<vmem_shared>>
        tpu.wait_indirect_dma semaphore(%arg13 : memref<!tpu.dma_semaphore, #tpu.memory_space<semaphore_mem>>) src(%arg9 : memref<125x128xf32, #tpu.memory_space<vmem>>) dst(%dma_wait3A_219 : memref<10240x128xf32, #tpu.memory_space<vmem_shared>>)
        %add3A_220 = arith.constant 2 : i32
        %add3A_221 = arith.addi %mul3A_181, %add3A_220 : i32
        %eq3A_222 = arith.constant 0 : i32
        %eq3A_223 = arith.cmpi eq, %arg0, %eq3A_222 : i32
        %convert_element_type3A_224 = arith.extui %eq3A_223 : i1 to i32
        %cond3A_225 = arith.constant 0 : i32
        %cond3A_226 = arith.cmpi ne, %convert_element_type3A_224, %cond3A_225 : i32
        scf.if %cond3A_226 {
          %dma_start3A_251 = arith.constant 0 : i32
          %dma_start3A_252 = tpu.memref_slice %arg7[%add3A_221, %dma_start3A_251] : memref<40x125xi32, #tpu.memory_space<vmem>> -> memref<1x125xi32, #tpu.memory_space<vmem>>
          %dma_start3A_253 = tpu.memref_squeeze %dma_start3A_252 : memref<1x125xi32, #tpu.memory_space<vmem>> -> memref<125xi32, #tpu.memory_space<vmem>>
          %dma_start3A_254 = arith.constant 0 : i32
          %dma_start3A_255 = arith.constant 0 : i32
          %dma_start3A_256 = tpu.memref_slice %arg2[%dma_start3A_254, %dma_start3A_255] : memref<10240x128xf32, #tpu.memory_space<hbm>> -> memref<10240x128xf32, #tpu.memory_space<hbm>>
          tpu.enqueue_indirect_dma source(%dma_start3A_256 : memref<10240x128xf32, #tpu.memory_space<hbm>>) target(%arg9 : memref<125x128xf32, #tpu.memory_space<vmem>>) offsets(%dma_start3A_253 : memref<125xi32, #tpu.memory_space<vmem>>) semaphore(%arg11 : memref<!tpu.dma_semaphore, #tpu.memory_space<semaphore_mem>>)
        } else {
        }
        %eq3A_227 = arith.constant 1 : i32
        %eq3A_228 = arith.cmpi eq, %arg0, %eq3A_227 : i32
        %convert_element_type3A_229 = arith.extui %eq3A_228 : i1 to i32
        %cond3A_230 = arith.constant 0 : i32
        %cond3A_231 = arith.cmpi ne, %convert_element_type3A_229, %cond3A_230 : i32
        scf.if %cond3A_231 {
          %dma_start3A_251 = arith.constant 0 : i32
          %dma_start3A_252 = tpu.memref_slice %arg7[%add3A_221, %dma_start3A_251] : memref<40x125xi32, #tpu.memory_space<vmem>> -> memref<1x125xi32, #tpu.memory_space<vmem>>
          %dma_start3A_253 = tpu.memref_squeeze %dma_start3A_252 : memref<1x125xi32, #tpu.memory_space<vmem>> -> memref<125xi32, #tpu.memory_space<vmem>>
          %dma_start3A_254 = arith.constant 0 : i32
          %dma_start3A_255 = arith.constant 0 : i32
          %dma_start3A_256 = tpu.memref_slice %arg3[%dma_start3A_254, %dma_start3A_255] : memref<10240x128xf32, #tpu.memory_space<hbm>> -> memref<10240x128xf32, #tpu.memory_space<hbm>>
          tpu.enqueue_indirect_dma source(%dma_start3A_256 : memref<10240x128xf32, #tpu.memory_space<hbm>>) target(%arg9 : memref<125x128xf32, #tpu.memory_space<vmem>>) offsets(%dma_start3A_253 : memref<125xi32, #tpu.memory_space<vmem>>) semaphore(%arg11 : memref<!tpu.dma_semaphore, #tpu.memory_space<semaphore_mem>>)
        } else {
        }
        %dma_wait3A_232 = arith.constant 0 : i32
        %dma_wait3A_233 = arith.constant 0 : i32
        %dma_wait3A_234 = tpu.memref_slice %arg8[%dma_wait3A_232, %dma_wait3A_233] : memref<40x125xi32, #tpu.memory_space<vmem>> -> memref<1x125xi32, #tpu.memory_space<vmem>>
        %dma_wait3A_235 = tpu.memref_squeeze %dma_wait3A_234 : memref<1x125xi32, #tpu.memory_space<vmem>> -> memref<125xi32, #tpu.memory_space<vmem>>
        %dma_wait3A_236 = arith.constant 0 : i32
        %dma_wait3A_237 = arith.constant 0 : i32
        %dma_wait3A_238 = tpu.memref_slice %arg15[%dma_wait3A_236, %dma_wait3A_237] : memref<10240x128xf32, #tpu.memory_space<vmem_shared>> -> memref<10240x128xf32, #tpu.memory_space<vmem_shared>>
        tpu.wait_indirect_dma semaphore(%arg14 : memref<!tpu.dma_semaphore, #tpu.memory_space<semaphore_mem>>) src(%arg10 : memref<125x128xf32, #tpu.memory_space<vmem>>) dst(%dma_wait3A_238 : memref<10240x128xf32, #tpu.memory_space<vmem_shared>>)
        %add3A_239 = arith.constant 3 : i32
        %add3A_240 = arith.addi %mul3A_181, %add3A_239 : i32
        %eq3A_241 = arith.constant 0 : i32
        %eq3A_242 = arith.cmpi eq, %arg0, %eq3A_241 : i32
        %convert_element_type3A_243 = arith.extui %eq3A_242 : i1 to i32
        %cond3A_244 = arith.constant 0 : i32
        %cond3A_245 = arith.cmpi ne, %convert_element_type3A_243, %cond3A_244 : i32
        scf.if %cond3A_245 {
          %dma_start3A_251 = arith.constant 0 : i32
          %dma_start3A_252 = tpu.memref_slice %arg7[%add3A_240, %dma_start3A_251] : memref<40x125xi32, #tpu.memory_space<vmem>> -> memref<1x125xi32, #tpu.memory_space<vmem>>
          %dma_start3A_253 = tpu.memref_squeeze %dma_start3A_252 : memref<1x125xi32, #tpu.memory_space<vmem>> -> memref<125xi32, #tpu.memory_space<vmem>>
          %dma_start3A_254 = arith.constant 0 : i32
          %dma_start3A_255 = arith.constant 0 : i32
          %dma_start3A_256 = tpu.memref_slice %arg2[%dma_start3A_254, %dma_start3A_255] : memref<10240x128xf32, #tpu.memory_space<hbm>> -> memref<10240x128xf32, #tpu.memory_space<hbm>>
          tpu.enqueue_indirect_dma source(%dma_start3A_256 : memref<10240x128xf32, #tpu.memory_space<hbm>>) target(%arg10 : memref<125x128xf32, #tpu.memory_space<vmem>>) offsets(%dma_start3A_253 : memref<125xi32, #tpu.memory_space<vmem>>) semaphore(%arg12 : memref<!tpu.dma_semaphore, #tpu.memory_space<semaphore_mem>>)
        } else {
        }
        %eq3A_246 = arith.constant 1 : i32
        %eq3A_247 = arith.cmpi eq, %arg0, %eq3A_246 : i32
        %convert_element_type3A_248 = arith.extui %eq3A_247 : i1 to i32
        %cond3A_249 = arith.constant 0 : i32
        %cond3A_250 = arith.cmpi ne, %convert_element_type3A_248, %cond3A_249 : i32
        scf.if %cond3A_250 {
          %dma_start3A_251 = arith.constant 0 : i32
          %dma_start3A_252 = tpu.memref_slice %arg7[%add3A_240, %dma_start3A_251] : memref<40x125xi32, #tpu.memory_space<vmem>> -> memref<1x125xi32, #tpu.memory_space<vmem>>
          %dma_start3A_253 = tpu.memref_squeeze %dma_start3A_252 : memref<1x125xi32, #tpu.memory_space<vmem>> -> memref<125xi32, #tpu.memory_space<vmem>>
          %dma_start3A_254 = arith.constant 0 : i32
          %dma_start3A_255 = arith.constant 0 : i32
          %dma_start3A_256 = tpu.memref_slice %arg3[%dma_start3A_254, %dma_start3A_255] : memref<10240x128xf32, #tpu.memory_space<hbm>> -> memref<10240x128xf32, #tpu.memory_space<hbm>>
          tpu.enqueue_indirect_dma source(%dma_start3A_256 : memref<10240x128xf32, #tpu.memory_space<hbm>>) target(%arg10 : memref<125x128xf32, #tpu.memory_space<vmem>>) offsets(%dma_start3A_253 : memref<125xi32, #tpu.memory_space<vmem>>) semaphore(%arg12 : memref<!tpu.dma_semaphore, #tpu.memory_space<semaphore_mem>>)
        } else {
        }
      } else {
      }
    }
    %scan3A_35 = arith.constant 20 : i32
    %dma_wait3A = arith.constant 0 : i32
    %dma_wait3A_36 = arith.constant 0 : i32
    %dma_wait3A_37 = tpu.memref_slice %arg8[%dma_wait3A, %dma_wait3A_36] : memref<40x125xi32, #tpu.memory_space<vmem>> -> memref<1x125xi32, #tpu.memory_space<vmem>>
    %dma_wait3A_38 = tpu.memref_squeeze %dma_wait3A_37 : memref<1x125xi32, #tpu.memory_space<vmem>> -> memref<125xi32, #tpu.memory_space<vmem>>
    %dma_wait3A_39 = arith.constant 0 : i32
    %dma_wait3A_40 = arith.constant 0 : i32
    %dma_wait3A_41 = tpu.memref_slice %arg15[%dma_wait3A_39, %dma_wait3A_40] : memref<10240x128xf32, #tpu.memory_space<vmem_shared>> -> memref<10240x128xf32, #tpu.memory_space<vmem_shared>>
    tpu.wait_indirect_dma semaphore(%arg13 : memref<!tpu.dma_semaphore, #tpu.memory_space<semaphore_mem>>) src(%arg9 : memref<125x128xf32, #tpu.memory_space<vmem>>) dst(%dma_wait3A_41 : memref<10240x128xf32, #tpu.memory_space<vmem_shared>>)
    %dma_wait3A_42 = arith.constant 0 : i32
    %dma_wait3A_43 = arith.constant 0 : i32
    %dma_wait3A_44 = tpu.memref_slice %arg8[%dma_wait3A_42, %dma_wait3A_43] : memref<40x125xi32, #tpu.memory_space<vmem>> -> memref<1x125xi32, #tpu.memory_space<vmem>>
    %dma_wait3A_45 = tpu.memref_squeeze %dma_wait3A_44 : memref<1x125xi32, #tpu.memory_space<vmem>> -> memref<125xi32, #tpu.memory_space<vmem>>
    %dma_wait3A_46 = arith.constant 0 : i32
    %dma_wait3A_47 = arith.constant 0 : i32
    %dma_wait3A_48 = tpu.memref_slice %arg15[%dma_wait3A_46, %dma_wait3A_47] : memref<10240x128xf32, #tpu.memory_space<vmem_shared>> -> memref<10240x128xf32, #tpu.memory_space<vmem_shared>>
    tpu.wait_indirect_dma semaphore(%arg14 : memref<!tpu.dma_semaphore, #tpu.memory_space<semaphore_mem>>) src(%arg10 : memref<125x128xf32, #tpu.memory_space<vmem>>) dst(%dma_wait3A_48 : memref<10240x128xf32, #tpu.memory_space<vmem_shared>>)
    %add3A_49 = arith.constant 40 : i32
    %add3A_50 = arith.addi %mul3A_0, %add3A_49 : i32
    "tpu.region"() ({
      %run_scoped3A = tpu.sem_alloc : memref<!tpu.dma_semaphore, #tpu.memory_space<semaphore_mem>>
      %dma_start3A = arith.constant 0 : i32
      %dma_start3A_179 = tpu.memref_slice %arg4[%add3A_50, %dma_start3A] : memref<2560x125xi32, #tpu.memory_space<hbm>> -> memref<40x125xi32, #tpu.memory_space<hbm>>
      %dma_start3A_180 = arith.constant 0 : i32
      %dma_start3A_181 = tpu.memref_slice %arg4[%add3A_50, %dma_start3A_180] : memref<2560x125xi32, #tpu.memory_space<hbm>> -> memref<40x125xi32, #tpu.memory_space<hbm>>
      tpu.enqueue_dma source(%dma_start3A_181 : memref<40x125xi32, #tpu.memory_space<hbm>>) target(%arg7 : memref<40x125xi32, #tpu.memory_space<vmem>>) target_semaphore(%run_scoped3A : memref<!tpu.dma_semaphore, #tpu.memory_space<semaphore_mem>>)
      %dma_wait3A_182 = arith.constant 0 : i32
      %dma_wait3A_183 = tpu.memref_slice %arg4[%add3A_50, %dma_wait3A_182] : memref<2560x125xi32, #tpu.memory_space<hbm>> -> memref<40x125xi32, #tpu.memory_space<hbm>>
      %dma_wait3A_184 = arith.constant 0 : i32
      %dma_wait3A_185 = tpu.memref_slice %arg4[%add3A_50, %dma_wait3A_184] : memref<2560x125xi32, #tpu.memory_space<hbm>> -> memref<40x125xi32, #tpu.memory_space<hbm>>
      tpu.wait_dma2 semaphore(%run_scoped3A : memref<!tpu.dma_semaphore, #tpu.memory_space<semaphore_mem>>) src(%dma_wait3A_185 : memref<40x125xi32, #tpu.memory_space<hbm>>) dst(%arg7 : memref<40x125xi32, #tpu.memory_space<vmem>>)
      tpu.yield
    }) : () -> ()
    "tpu.region"() ({
      %run_scoped3A = tpu.sem_alloc : memref<!tpu.dma_semaphore, #tpu.memory_space<semaphore_mem>>
      %dma_start3A = arith.constant 0 : i32
      %dma_start3A_179 = tpu.memref_slice %arg5[%add3A_50, %dma_start3A] : memref<2560x125xi32, #tpu.memory_space<hbm>> -> memref<40x125xi32, #tpu.memory_space<hbm>>
      %dma_start3A_180 = arith.constant 0 : i32
      %dma_start3A_181 = tpu.memref_slice %arg5[%add3A_50, %dma_start3A_180] : memref<2560x125xi32, #tpu.memory_space<hbm>> -> memref<40x125xi32, #tpu.memory_space<hbm>>
      tpu.enqueue_dma source(%dma_start3A_181 : memref<40x125xi32, #tpu.memory_space<hbm>>) target(%arg8 : memref<40x125xi32, #tpu.memory_space<vmem>>) target_semaphore(%run_scoped3A : memref<!tpu.dma_semaphore, #tpu.memory_space<semaphore_mem>>)
      %dma_wait3A_182 = arith.constant 0 : i32
      %dma_wait3A_183 = tpu.memref_slice %arg5[%add3A_50, %dma_wait3A_182] : memref<2560x125xi32, #tpu.memory_space<hbm>> -> memref<40x125xi32, #tpu.memory_space<hbm>>
      %dma_wait3A_184 = arith.constant 0 : i32
      %dma_wait3A_185 = tpu.memref_slice %arg5[%add3A_50, %dma_wait3A_184] : memref<2560x125xi32, #tpu.memory_space<hbm>> -> memref<40x125xi32, #tpu.memory_space<hbm>>
      tpu.wait_dma2 semaphore(%run_scoped3A : memref<!tpu.dma_semaphore, #tpu.memory_space<semaphore_mem>>) src(%dma_wait3A_185 : memref<40x125xi32, #tpu.memory_space<hbm>>) dst(%arg8 : memref<40x125xi32, #tpu.memory_space<vmem>>)
      tpu.yield
    }) : () -> ()
    %eq3A_51 = arith.constant 0 : i32
    %eq3A_52 = arith.cmpi eq, %arg0, %eq3A_51 : i32
    %convert_element_type3A_53 = arith.extui %eq3A_52 : i1 to i32
    %cond3A_54 = arith.constant 0 : i32
    %cond3A_55 = arith.cmpi ne, %convert_element_type3A_53, %cond3A_54 : i32
    scf.if %cond3A_55 {
      %dma_start3A = arith.constant 0 : i32
      %dma_start3A_179 = arith.constant 0 : i32
      %dma_start3A_180 = tpu.memref_slice %arg7[%dma_start3A, %dma_start3A_179] : memref<40x125xi32, #tpu.memory_space<vmem>> -> memref<1x125xi32, #tpu.memory_space<vmem>>
      %dma_start3A_181 = tpu.memref_squeeze %dma_start3A_180 : memref<1x125xi32, #tpu.memory_space<vmem>> -> memref<125xi32, #tpu.memory_space<vmem>>
      %dma_start3A_182 = arith.constant 0 : i32
      %dma_start3A_183 = arith.constant 0 : i32
      %dma_start3A_184 = tpu.memref_slice %arg2[%dma_start3A_182, %dma_start3A_183] : memref<10240x128xf32, #tpu.memory_space<hbm>> -> memref<10240x128xf32, #tpu.memory_space<hbm>>
      tpu.enqueue_indirect_dma source(%dma_start3A_184 : memref<10240x128xf32, #tpu.memory_space<hbm>>) target(%arg9 : memref<125x128xf32, #tpu.memory_space<vmem>>) offsets(%dma_start3A_181 : memref<125xi32, #tpu.memory_space<vmem>>) semaphore(%arg11 : memref<!tpu.dma_semaphore, #tpu.memory_space<semaphore_mem>>)
    } else {
    }
    %eq3A_56 = arith.constant 1 : i32
    %eq3A_57 = arith.cmpi eq, %arg0, %eq3A_56 : i32
    %convert_element_type3A_58 = arith.extui %eq3A_57 : i1 to i32
    %cond3A_59 = arith.constant 0 : i32
    %cond3A_60 = arith.cmpi ne, %convert_element_type3A_58, %cond3A_59 : i32
    scf.if %cond3A_60 {
      %dma_start3A = arith.constant 0 : i32
      %dma_start3A_179 = arith.constant 0 : i32
      %dma_start3A_180 = tpu.memref_slice %arg7[%dma_start3A, %dma_start3A_179] : memref<40x125xi32, #tpu.memory_space<vmem>> -> memref<1x125xi32, #tpu.memory_space<vmem>>
      %dma_start3A_181 = tpu.memref_squeeze %dma_start3A_180 : memref<1x125xi32, #tpu.memory_space<vmem>> -> memref<125xi32, #tpu.memory_space<vmem>>
      %dma_start3A_182 = arith.constant 0 : i32
      %dma_start3A_183 = arith.constant 0 : i32
      %dma_start3A_184 = tpu.memref_slice %arg3[%dma_start3A_182, %dma_start3A_183] : memref<10240x128xf32, #tpu.memory_space<hbm>> -> memref<10240x128xf32, #tpu.memory_space<hbm>>
      tpu.enqueue_indirect_dma source(%dma_start3A_184 : memref<10240x128xf32, #tpu.memory_space<hbm>>) target(%arg9 : memref<125x128xf32, #tpu.memory_space<vmem>>) offsets(%dma_start3A_181 : memref<125xi32, #tpu.memory_space<vmem>>) semaphore(%arg11 : memref<!tpu.dma_semaphore, #tpu.memory_space<semaphore_mem>>)
    } else {
    }
    %eq3A_61 = arith.constant 0 : i32
    %eq3A_62 = arith.cmpi eq, %arg0, %eq3A_61 : i32
    %convert_element_type3A_63 = arith.extui %eq3A_62 : i1 to i32
    %cond3A_64 = arith.constant 0 : i32
    %cond3A_65 = arith.cmpi ne, %convert_element_type3A_63, %cond3A_64 : i32
    scf.if %cond3A_65 {
      %dma_start3A = arith.constant 1 : i32
      %dma_start3A_179 = arith.constant 0 : i32
      %dma_start3A_180 = tpu.memref_slice %arg7[%dma_start3A, %dma_start3A_179] : memref<40x125xi32, #tpu.memory_space<vmem>> -> memref<1x125xi32, #tpu.memory_space<vmem>>
      %dma_start3A_181 = tpu.memref_squeeze %dma_start3A_180 : memref<1x125xi32, #tpu.memory_space<vmem>> -> memref<125xi32, #tpu.memory_space<vmem>>
      %dma_start3A_182 = arith.constant 0 : i32
      %dma_start3A_183 = arith.constant 0 : i32
      %dma_start3A_184 = tpu.memref_slice %arg2[%dma_start3A_182, %dma_start3A_183] : memref<10240x128xf32, #tpu.memory_space<hbm>> -> memref<10240x128xf32, #tpu.memory_space<hbm>>
      tpu.enqueue_indirect_dma source(%dma_start3A_184 : memref<10240x128xf32, #tpu.memory_space<hbm>>) target(%arg10 : memref<125x128xf32, #tpu.memory_space<vmem>>) offsets(%dma_start3A_181 : memref<125xi32, #tpu.memory_space<vmem>>) semaphore(%arg12 : memref<!tpu.dma_semaphore, #tpu.memory_space<semaphore_mem>>)
    } else {
    }
    %eq3A_66 = arith.constant 1 : i32
    %eq3A_67 = arith.cmpi eq, %arg0, %eq3A_66 : i32
    %convert_element_type3A_68 = arith.extui %eq3A_67 : i1 to i32
    %cond3A_69 = arith.constant 0 : i32
    %cond3A_70 = arith.cmpi ne, %convert_element_type3A_68, %cond3A_69 : i32
    scf.if %cond3A_70 {
      %dma_start3A = arith.constant 1 : i32
      %dma_start3A_179 = arith.constant 0 : i32
      %dma_start3A_180 = tpu.memref_slice %arg7[%dma_start3A, %dma_start3A_179] : memref<40x125xi32, #tpu.memory_space<vmem>> -> memref<1x125xi32, #tpu.memory_space<vmem>>
      %dma_start3A_181 = tpu.memref_squeeze %dma_start3A_180 : memref<1x125xi32, #tpu.memory_space<vmem>> -> memref<125xi32, #tpu.memory_space<vmem>>
      %dma_start3A_182 = arith.constant 0 : i32
      %dma_start3A_183 = arith.constant 0 : i32
      %dma_start3A_184 = tpu.memref_slice %arg3[%dma_start3A_182, %dma_start3A_183] : memref<10240x128xf32, #tpu.memory_space<hbm>> -> memref<10240x128xf32, #tpu.memory_space<hbm>>
      tpu.enqueue_indirect_dma source(%dma_start3A_184 : memref<10240x128xf32, #tpu.memory_space<hbm>>) target(%arg10 : memref<125x128xf32, #tpu.memory_space<vmem>>) offsets(%dma_start3A_181 : memref<125xi32, #tpu.memory_space<vmem>>) semaphore(%arg12 : memref<!tpu.dma_semaphore, #tpu.memory_space<semaphore_mem>>)
    } else {
    }
    %scan3A_71 = arith.constant 0 : i32
    %scan3A_72 = arith.constant 0 : i32
    %scan3A_73 = arith.constant 20 : i32
    %scan3A_74 = arith.addi %scan3A_72, %scan3A_73 : i32
    %scan3A_75 = arith.constant 1 : i32
    scf.for %scan3A_179 = %scan3A_72 to %scan3A_74 step %scan3A_75  : i32 {
      %mul3A_180 = arith.constant 2 : i32
      %mul3A_181 = arith.muli %mul3A_180, %scan3A_179 : i32
      %dma_wait3A_182 = arith.constant 0 : i32
      %dma_wait3A_183 = arith.constant 0 : i32
      %dma_wait3A_184 = tpu.memref_slice %arg7[%dma_wait3A_182, %dma_wait3A_183] : memref<40x125xi32, #tpu.memory_space<vmem>> -> memref<1x125xi32, #tpu.memory_space<vmem>>
      %dma_wait3A_185 = tpu.memref_squeeze %dma_wait3A_184 : memref<1x125xi32, #tpu.memory_space<vmem>> -> memref<125xi32, #tpu.memory_space<vmem>>
      %dma_wait3A_186 = arith.constant 0 : i32
      %dma_wait3A_187 = arith.constant 0 : i32
      %dma_wait3A_188 = tpu.memref_slice %arg2[%dma_wait3A_186, %dma_wait3A_187] : memref<10240x128xf32, #tpu.memory_space<hbm>> -> memref<10240x128xf32, #tpu.memory_space<hbm>>
      tpu.wait_indirect_dma semaphore(%arg11 : memref<!tpu.dma_semaphore, #tpu.memory_space<semaphore_mem>>) src(%dma_wait3A_188 : memref<10240x128xf32, #tpu.memory_space<hbm>>) dst(%arg9 : memref<125x128xf32, #tpu.memory_space<vmem>>)
      %dma_start3A = arith.constant 0 : i32
      %dma_start3A_189 = tpu.memref_slice %arg8[%mul3A_181, %dma_start3A] : memref<40x125xi32, #tpu.memory_space<vmem>> -> memref<1x125xi32, #tpu.memory_space<vmem>>
      %dma_start3A_190 = tpu.memref_squeeze %dma_start3A_189 : memref<1x125xi32, #tpu.memory_space<vmem>> -> memref<125xi32, #tpu.memory_space<vmem>>
      %dma_start3A_191 = arith.constant 0 : i32
      %dma_start3A_192 = arith.constant 0 : i32
      %dma_start3A_193 = tpu.memref_slice %arg15[%dma_start3A_191, %dma_start3A_192] : memref<10240x128xf32, #tpu.memory_space<vmem_shared>> -> memref<10240x128xf32, #tpu.memory_space<vmem_shared>>
      tpu.enqueue_indirect_dma source(%arg9 : memref<125x128xf32, #tpu.memory_space<vmem>>) target(%dma_start3A_193 : memref<10240x128xf32, #tpu.memory_space<vmem_shared>>) offsets(%dma_start3A_190 : memref<125xi32, #tpu.memory_space<vmem>>) semaphore(%arg13 : memref<!tpu.dma_semaphore, #tpu.memory_space<semaphore_mem>>) {add = true}
      %dma_wait3A_194 = arith.constant 0 : i32
      %dma_wait3A_195 = arith.constant 0 : i32
      %dma_wait3A_196 = tpu.memref_slice %arg7[%dma_wait3A_194, %dma_wait3A_195] : memref<40x125xi32, #tpu.memory_space<vmem>> -> memref<1x125xi32, #tpu.memory_space<vmem>>
      %dma_wait3A_197 = tpu.memref_squeeze %dma_wait3A_196 : memref<1x125xi32, #tpu.memory_space<vmem>> -> memref<125xi32, #tpu.memory_space<vmem>>
      %dma_wait3A_198 = arith.constant 0 : i32
      %dma_wait3A_199 = arith.constant 0 : i32
      %dma_wait3A_200 = tpu.memref_slice %arg2[%dma_wait3A_198, %dma_wait3A_199] : memref<10240x128xf32, #tpu.memory_space<hbm>> -> memref<10240x128xf32, #tpu.memory_space<hbm>>
      tpu.wait_indirect_dma semaphore(%arg12 : memref<!tpu.dma_semaphore, #tpu.memory_space<semaphore_mem>>) src(%dma_wait3A_200 : memref<10240x128xf32, #tpu.memory_space<hbm>>) dst(%arg10 : memref<125x128xf32, #tpu.memory_space<vmem>>)
      %add3A_201 = arith.constant 1 : i32
      %add3A_202 = arith.addi %mul3A_181, %add3A_201 : i32
      %dma_start3A_203 = arith.constant 0 : i32
      %dma_start3A_204 = tpu.memref_slice %arg8[%add3A_202, %dma_start3A_203] : memref<40x125xi32, #tpu.memory_space<vmem>> -> memref<1x125xi32, #tpu.memory_space<vmem>>
      %dma_start3A_205 = tpu.memref_squeeze %dma_start3A_204 : memref<1x125xi32, #tpu.memory_space<vmem>> -> memref<125xi32, #tpu.memory_space<vmem>>
      %dma_start3A_206 = arith.constant 0 : i32
      %dma_start3A_207 = arith.constant 0 : i32
      %dma_start3A_208 = tpu.memref_slice %arg15[%dma_start3A_206, %dma_start3A_207] : memref<10240x128xf32, #tpu.memory_space<vmem_shared>> -> memref<10240x128xf32, #tpu.memory_space<vmem_shared>>
      tpu.enqueue_indirect_dma source(%arg10 : memref<125x128xf32, #tpu.memory_space<vmem>>) target(%dma_start3A_208 : memref<10240x128xf32, #tpu.memory_space<vmem_shared>>) offsets(%dma_start3A_205 : memref<125xi32, #tpu.memory_space<vmem>>) semaphore(%arg14 : memref<!tpu.dma_semaphore, #tpu.memory_space<semaphore_mem>>) {add = true}
      %lt3A = arith.constant 19 : i32
      %lt3A_209 = arith.cmpi slt, %scan3A_179, %lt3A : i32
      %convert_element_type3A_210 = arith.extui %lt3A_209 : i1 to i32
      %cond3A_211 = arith.constant 0 : i32
      %cond3A_212 = arith.cmpi ne, %convert_element_type3A_210, %cond3A_211 : i32
      scf.if %cond3A_212 {
        %dma_wait3A_213 = arith.constant 0 : i32
        %dma_wait3A_214 = arith.constant 0 : i32
        %dma_wait3A_215 = tpu.memref_slice %arg8[%dma_wait3A_213, %dma_wait3A_214] : memref<40x125xi32, #tpu.memory_space<vmem>> -> memref<1x125xi32, #tpu.memory_space<vmem>>
        %dma_wait3A_216 = tpu.memref_squeeze %dma_wait3A_215 : memref<1x125xi32, #tpu.memory_space<vmem>> -> memref<125xi32, #tpu.memory_space<vmem>>
        %dma_wait3A_217 = arith.constant 0 : i32
        %dma_wait3A_218 = arith.constant 0 : i32
        %dma_wait3A_219 = tpu.memref_slice %arg15[%dma_wait3A_217, %dma_wait3A_218] : memref<10240x128xf32, #tpu.memory_space<vmem_shared>> -> memref<10240x128xf32, #tpu.memory_space<vmem_shared>>
        tpu.wait_indirect_dma semaphore(%arg13 : memref<!tpu.dma_semaphore, #tpu.memory_space<semaphore_mem>>) src(%arg9 : memref<125x128xf32, #tpu.memory_space<vmem>>) dst(%dma_wait3A_219 : memref<10240x128xf32, #tpu.memory_space<vmem_shared>>)
        %add3A_220 = arith.constant 2 : i32
        %add3A_221 = arith.addi %mul3A_181, %add3A_220 : i32
        %eq3A_222 = arith.constant 0 : i32
        %eq3A_223 = arith.cmpi eq, %arg0, %eq3A_222 : i32
        %convert_element_type3A_224 = arith.extui %eq3A_223 : i1 to i32
        %cond3A_225 = arith.constant 0 : i32
        %cond3A_226 = arith.cmpi ne, %convert_element_type3A_224, %cond3A_225 : i32
        scf.if %cond3A_226 {
          %dma_start3A_251 = arith.constant 0 : i32
          %dma_start3A_252 = tpu.memref_slice %arg7[%add3A_221, %dma_start3A_251] : memref<40x125xi32, #tpu.memory_space<vmem>> -> memref<1x125xi32, #tpu.memory_space<vmem>>
          %dma_start3A_253 = tpu.memref_squeeze %dma_start3A_252 : memref<1x125xi32, #tpu.memory_space<vmem>> -> memref<125xi32, #tpu.memory_space<vmem>>
          %dma_start3A_254 = arith.constant 0 : i32
          %dma_start3A_255 = arith.constant 0 : i32
          %dma_start3A_256 = tpu.memref_slice %arg2[%dma_start3A_254, %dma_start3A_255] : memref<10240x128xf32, #tpu.memory_space<hbm>> -> memref<10240x128xf32, #tpu.memory_space<hbm>>
          tpu.enqueue_indirect_dma source(%dma_start3A_256 : memref<10240x128xf32, #tpu.memory_space<hbm>>) target(%arg9 : memref<125x128xf32, #tpu.memory_space<vmem>>) offsets(%dma_start3A_253 : memref<125xi32, #tpu.memory_space<vmem>>) semaphore(%arg11 : memref<!tpu.dma_semaphore, #tpu.memory_space<semaphore_mem>>)
        } else {
        }
        %eq3A_227 = arith.constant 1 : i32
        %eq3A_228 = arith.cmpi eq, %arg0, %eq3A_227 : i32
        %convert_element_type3A_229 = arith.extui %eq3A_228 : i1 to i32
        %cond3A_230 = arith.constant 0 : i32
        %cond3A_231 = arith.cmpi ne, %convert_element_type3A_229, %cond3A_230 : i32
        scf.if %cond3A_231 {
          %dma_start3A_251 = arith.constant 0 : i32
          %dma_start3A_252 = tpu.memref_slice %arg7[%add3A_221, %dma_start3A_251] : memref<40x125xi32, #tpu.memory_space<vmem>> -> memref<1x125xi32, #tpu.memory_space<vmem>>
          %dma_start3A_253 = tpu.memref_squeeze %dma_start3A_252 : memref<1x125xi32, #tpu.memory_space<vmem>> -> memref<125xi32, #tpu.memory_space<vmem>>
          %dma_start3A_254 = arith.constant 0 : i32
          %dma_start3A_255 = arith.constant 0 : i32
          %dma_start3A_256 = tpu.memref_slice %arg3[%dma_start3A_254, %dma_start3A_255] : memref<10240x128xf32, #tpu.memory_space<hbm>> -> memref<10240x128xf32, #tpu.memory_space<hbm>>
          tpu.enqueue_indirect_dma source(%dma_start3A_256 : memref<10240x128xf32, #tpu.memory_space<hbm>>) target(%arg9 : memref<125x128xf32, #tpu.memory_space<vmem>>) offsets(%dma_start3A_253 : memref<125xi32, #tpu.memory_space<vmem>>) semaphore(%arg11 : memref<!tpu.dma_semaphore, #tpu.memory_space<semaphore_mem>>)
        } else {
        }
        %dma_wait3A_232 = arith.constant 0 : i32
        %dma_wait3A_233 = arith.constant 0 : i32
        %dma_wait3A_234 = tpu.memref_slice %arg8[%dma_wait3A_232, %dma_wait3A_233] : memref<40x125xi32, #tpu.memory_space<vmem>> -> memref<1x125xi32, #tpu.memory_space<vmem>>
        %dma_wait3A_235 = tpu.memref_squeeze %dma_wait3A_234 : memref<1x125xi32, #tpu.memory_space<vmem>> -> memref<125xi32, #tpu.memory_space<vmem>>
        %dma_wait3A_236 = arith.constant 0 : i32
        %dma_wait3A_237 = arith.constant 0 : i32
        %dma_wait3A_238 = tpu.memref_slice %arg15[%dma_wait3A_236, %dma_wait3A_237] : memref<10240x128xf32, #tpu.memory_space<vmem_shared>> -> memref<10240x128xf32, #tpu.memory_space<vmem_shared>>
        tpu.wait_indirect_dma semaphore(%arg14 : memref<!tpu.dma_semaphore, #tpu.memory_space<semaphore_mem>>) src(%arg10 : memref<125x128xf32, #tpu.memory_space<vmem>>) dst(%dma_wait3A_238 : memref<10240x128xf32, #tpu.memory_space<vmem_shared>>)
        %add3A_239 = arith.constant 3 : i32
        %add3A_240 = arith.addi %mul3A_181, %add3A_239 : i32
        %eq3A_241 = arith.constant 0 : i32
        %eq3A_242 = arith.cmpi eq, %arg0, %eq3A_241 : i32
        %convert_element_type3A_243 = arith.extui %eq3A_242 : i1 to i32
        %cond3A_244 = arith.constant 0 : i32
        %cond3A_245 = arith.cmpi ne, %convert_element_type3A_243, %cond3A_244 : i32
        scf.if %cond3A_245 {
          %dma_start3A_251 = arith.constant 0 : i32
          %dma_start3A_252 = tpu.memref_slice %arg7[%add3A_240, %dma_start3A_251] : memref<40x125xi32, #tpu.memory_space<vmem>> -> memref<1x125xi32, #tpu.memory_space<vmem>>
          %dma_start3A_253 = tpu.memref_squeeze %dma_start3A_252 : memref<1x125xi32, #tpu.memory_space<vmem>> -> memref<125xi32, #tpu.memory_space<vmem>>
          %dma_start3A_254 = arith.constant 0 : i32
          %dma_start3A_255 = arith.constant 0 : i32
          %dma_start3A_256 = tpu.memref_slice %arg2[%dma_start3A_254, %dma_start3A_255] : memref<10240x128xf32, #tpu.memory_space<hbm>> -> memref<10240x128xf32, #tpu.memory_space<hbm>>
          tpu.enqueue_indirect_dma source(%dma_start3A_256 : memref<10240x128xf32, #tpu.memory_space<hbm>>) target(%arg10 : memref<125x128xf32, #tpu.memory_space<vmem>>) offsets(%dma_start3A_253 : memref<125xi32, #tpu.memory_space<vmem>>) semaphore(%arg12 : memref<!tpu.dma_semaphore, #tpu.memory_space<semaphore_mem>>)
        } else {
        }
        %eq3A_246 = arith.constant 1 : i32
        %eq3A_247 = arith.cmpi eq, %arg0, %eq3A_246 : i32
        %convert_element_type3A_248 = arith.extui %eq3A_247 : i1 to i32
        %cond3A_249 = arith.constant 0 : i32
        %cond3A_250 = arith.cmpi ne, %convert_element_type3A_248, %cond3A_249 : i32
        scf.if %cond3A_250 {
          %dma_start3A_251 = arith.constant 0 : i32
          %dma_start3A_252 = tpu.memref_slice %arg7[%add3A_240, %dma_start3A_251] : memref<40x125xi32, #tpu.memory_space<vmem>> -> memref<1x125xi32, #tpu.memory_space<vmem>>
          %dma_start3A_253 = tpu.memref_squeeze %dma_start3A_252 : memref<1x125xi32, #tpu.memory_space<vmem>> -> memref<125xi32, #tpu.memory_space<vmem>>
          %dma_start3A_254 = arith.constant 0 : i32
          %dma_start3A_255 = arith.constant 0 : i32
          %dma_start3A_256 = tpu.memref_slice %arg3[%dma_start3A_254, %dma_start3A_255] : memref<10240x128xf32, #tpu.memory_space<hbm>> -> memref<10240x128xf32, #tpu.memory_space<hbm>>
          tpu.enqueue_indirect_dma source(%dma_start3A_256 : memref<10240x128xf32, #tpu.memory_space<hbm>>) target(%arg10 : memref<125x128xf32, #tpu.memory_space<vmem>>) offsets(%dma_start3A_253 : memref<125xi32, #tpu.memory_space<vmem>>) semaphore(%arg12 : memref<!tpu.dma_semaphore, #tpu.memory_space<semaphore_mem>>)
        } else {
        }
      } else {
      }
    }
    %scan3A_76 = arith.constant 20 : i32
    %dma_wait3A_77 = arith.constant 0 : i32
    %dma_wait3A_78 = arith.constant 0 : i32
    %dma_wait3A_79 = tpu.memref_slice %arg8[%dma_wait3A_77, %dma_wait3A_78] : memref<40x125xi32, #tpu.memory_space<vmem>> -> memref<1x125xi32, #tpu.memory_space<vmem>>
    %dma_wait3A_80 = tpu.memref_squeeze %dma_wait3A_79 : memref<1x125xi32, #tpu.memory_space<vmem>> -> memref<125xi32, #tpu.memory_space<vmem>>
    %dma_wait3A_81 = arith.constant 0 : i32
    %dma_wait3A_82 = arith.constant 0 : i32
    %dma_wait3A_83 = tpu.memref_slice %arg15[%dma_wait3A_81, %dma_wait3A_82] : memref<10240x128xf32, #tpu.memory_space<vmem_shared>> -> memref<10240x128xf32, #tpu.memory_space<vmem_shared>>
    tpu.wait_indirect_dma semaphore(%arg13 : memref<!tpu.dma_semaphore, #tpu.memory_space<semaphore_mem>>) src(%arg9 : memref<125x128xf32, #tpu.memory_space<vmem>>) dst(%dma_wait3A_83 : memref<10240x128xf32, #tpu.memory_space<vmem_shared>>)
    %dma_wait3A_84 = arith.constant 0 : i32
    %dma_wait3A_85 = arith.constant 0 : i32
    %dma_wait3A_86 = tpu.memref_slice %arg8[%dma_wait3A_84, %dma_wait3A_85] : memref<40x125xi32, #tpu.memory_space<vmem>> -> memref<1x125xi32, #tpu.memory_space<vmem>>
    %dma_wait3A_87 = tpu.memref_squeeze %dma_wait3A_86 : memref<1x125xi32, #tpu.memory_space<vmem>> -> memref<125xi32, #tpu.memory_space<vmem>>
    %dma_wait3A_88 = arith.constant 0 : i32
    %dma_wait3A_89 = arith.constant 0 : i32
    %dma_wait3A_90 = tpu.memref_slice %arg15[%dma_wait3A_88, %dma_wait3A_89] : memref<10240x128xf32, #tpu.memory_space<vmem_shared>> -> memref<10240x128xf32, #tpu.memory_space<vmem_shared>>
    tpu.wait_indirect_dma semaphore(%arg14 : memref<!tpu.dma_semaphore, #tpu.memory_space<semaphore_mem>>) src(%arg10 : memref<125x128xf32, #tpu.memory_space<vmem>>) dst(%dma_wait3A_90 : memref<10240x128xf32, #tpu.memory_space<vmem_shared>>)
    %add3A_91 = arith.constant 80 : i32
    %add3A_92 = arith.addi %mul3A_0, %add3A_91 : i32
    "tpu.region"() ({
      %run_scoped3A = tpu.sem_alloc : memref<!tpu.dma_semaphore, #tpu.memory_space<semaphore_mem>>
      %dma_start3A = arith.constant 0 : i32
      %dma_start3A_179 = tpu.memref_slice %arg4[%add3A_92, %dma_start3A] : memref<2560x125xi32, #tpu.memory_space<hbm>> -> memref<40x125xi32, #tpu.memory_space<hbm>>
      %dma_start3A_180 = arith.constant 0 : i32
      %dma_start3A_181 = tpu.memref_slice %arg4[%add3A_92, %dma_start3A_180] : memref<2560x125xi32, #tpu.memory_space<hbm>> -> memref<40x125xi32, #tpu.memory_space<hbm>>
      tpu.enqueue_dma source(%dma_start3A_181 : memref<40x125xi32, #tpu.memory_space<hbm>>) target(%arg7 : memref<40x125xi32, #tpu.memory_space<vmem>>) target_semaphore(%run_scoped3A : memref<!tpu.dma_semaphore, #tpu.memory_space<semaphore_mem>>)
      %dma_wait3A_182 = arith.constant 0 : i32
      %dma_wait3A_183 = tpu.memref_slice %arg4[%add3A_92, %dma_wait3A_182] : memref<2560x125xi32, #tpu.memory_space<hbm>> -> memref<40x125xi32, #tpu.memory_space<hbm>>
      %dma_wait3A_184 = arith.constant 0 : i32
      %dma_wait3A_185 = tpu.memref_slice %arg4[%add3A_92, %dma_wait3A_184] : memref<2560x125xi32, #tpu.memory_space<hbm>> -> memref<40x125xi32, #tpu.memory_space<hbm>>
      tpu.wait_dma2 semaphore(%run_scoped3A : memref<!tpu.dma_semaphore, #tpu.memory_space<semaphore_mem>>) src(%dma_wait3A_185 : memref<40x125xi32, #tpu.memory_space<hbm>>) dst(%arg7 : memref<40x125xi32, #tpu.memory_space<vmem>>)
      tpu.yield
    }) : () -> ()
    "tpu.region"() ({
      %run_scoped3A = tpu.sem_alloc : memref<!tpu.dma_semaphore, #tpu.memory_space<semaphore_mem>>
      %dma_start3A = arith.constant 0 : i32
      %dma_start3A_179 = tpu.memref_slice %arg5[%add3A_92, %dma_start3A] : memref<2560x125xi32, #tpu.memory_space<hbm>> -> memref<40x125xi32, #tpu.memory_space<hbm>>
      %dma_start3A_180 = arith.constant 0 : i32
      %dma_start3A_181 = tpu.memref_slice %arg5[%add3A_92, %dma_start3A_180] : memref<2560x125xi32, #tpu.memory_space<hbm>> -> memref<40x125xi32, #tpu.memory_space<hbm>>
      tpu.enqueue_dma source(%dma_start3A_181 : memref<40x125xi32, #tpu.memory_space<hbm>>) target(%arg8 : memref<40x125xi32, #tpu.memory_space<vmem>>) target_semaphore(%run_scoped3A : memref<!tpu.dma_semaphore, #tpu.memory_space<semaphore_mem>>)
      %dma_wait3A_182 = arith.constant 0 : i32
      %dma_wait3A_183 = tpu.memref_slice %arg5[%add3A_92, %dma_wait3A_182] : memref<2560x125xi32, #tpu.memory_space<hbm>> -> memref<40x125xi32, #tpu.memory_space<hbm>>
      %dma_wait3A_184 = arith.constant 0 : i32
      %dma_wait3A_185 = tpu.memref_slice %arg5[%add3A_92, %dma_wait3A_184] : memref<2560x125xi32, #tpu.memory_space<hbm>> -> memref<40x125xi32, #tpu.memory_space<hbm>>
      tpu.wait_dma2 semaphore(%run_scoped3A : memref<!tpu.dma_semaphore, #tpu.memory_space<semaphore_mem>>) src(%dma_wait3A_185 : memref<40x125xi32, #tpu.memory_space<hbm>>) dst(%arg8 : memref<40x125xi32, #tpu.memory_space<vmem>>)
      tpu.yield
    }) : () -> ()
    %eq3A_93 = arith.constant 0 : i32
    %eq3A_94 = arith.cmpi eq, %arg0, %eq3A_93 : i32
    %convert_element_type3A_95 = arith.extui %eq3A_94 : i1 to i32
    %cond3A_96 = arith.constant 0 : i32
    %cond3A_97 = arith.cmpi ne, %convert_element_type3A_95, %cond3A_96 : i32
    scf.if %cond3A_97 {
      %dma_start3A = arith.constant 0 : i32
      %dma_start3A_179 = arith.constant 0 : i32
      %dma_start3A_180 = tpu.memref_slice %arg7[%dma_start3A, %dma_start3A_179] : memref<40x125xi32, #tpu.memory_space<vmem>> -> memref<1x125xi32, #tpu.memory_space<vmem>>
      %dma_start3A_181 = tpu.memref_squeeze %dma_start3A_180 : memref<1x125xi32, #tpu.memory_space<vmem>> -> memref<125xi32, #tpu.memory_space<vmem>>
      %dma_start3A_182 = arith.constant 0 : i32
      %dma_start3A_183 = arith.constant 0 : i32
      %dma_start3A_184 = tpu.memref_slice %arg2[%dma_start3A_182, %dma_start3A_183] : memref<10240x128xf32, #tpu.memory_space<hbm>> -> memref<10240x128xf32, #tpu.memory_space<hbm>>
      tpu.enqueue_indirect_dma source(%dma_start3A_184 : memref<10240x128xf32, #tpu.memory_space<hbm>>) target(%arg9 : memref<125x128xf32, #tpu.memory_space<vmem>>) offsets(%dma_start3A_181 : memref<125xi32, #tpu.memory_space<vmem>>) semaphore(%arg11 : memref<!tpu.dma_semaphore, #tpu.memory_space<semaphore_mem>>)
    } else {
    }
    %eq3A_98 = arith.constant 1 : i32
    %eq3A_99 = arith.cmpi eq, %arg0, %eq3A_98 : i32
    %convert_element_type3A_100 = arith.extui %eq3A_99 : i1 to i32
    %cond3A_101 = arith.constant 0 : i32
    %cond3A_102 = arith.cmpi ne, %convert_element_type3A_100, %cond3A_101 : i32
    scf.if %cond3A_102 {
      %dma_start3A = arith.constant 0 : i32
      %dma_start3A_179 = arith.constant 0 : i32
      %dma_start3A_180 = tpu.memref_slice %arg7[%dma_start3A, %dma_start3A_179] : memref<40x125xi32, #tpu.memory_space<vmem>> -> memref<1x125xi32, #tpu.memory_space<vmem>>
      %dma_start3A_181 = tpu.memref_squeeze %dma_start3A_180 : memref<1x125xi32, #tpu.memory_space<vmem>> -> memref<125xi32, #tpu.memory_space<vmem>>
      %dma_start3A_182 = arith.constant 0 : i32
      %dma_start3A_183 = arith.constant 0 : i32
      %dma_start3A_184 = tpu.memref_slice %arg3[%dma_start3A_182, %dma_start3A_183] : memref<10240x128xf32, #tpu.memory_space<hbm>> -> memref<10240x128xf32, #tpu.memory_space<hbm>>
      tpu.enqueue_indirect_dma source(%dma_start3A_184 : memref<10240x128xf32, #tpu.memory_space<hbm>>) target(%arg9 : memref<125x128xf32, #tpu.memory_space<vmem>>) offsets(%dma_start3A_181 : memref<125xi32, #tpu.memory_space<vmem>>) semaphore(%arg11 : memref<!tpu.dma_semaphore, #tpu.memory_space<semaphore_mem>>)
    } else {
    }
    %eq3A_103 = arith.constant 0 : i32
    %eq3A_104 = arith.cmpi eq, %arg0, %eq3A_103 : i32
    %convert_element_type3A_105 = arith.extui %eq3A_104 : i1 to i32
    %cond3A_106 = arith.constant 0 : i32
    %cond3A_107 = arith.cmpi ne, %convert_element_type3A_105, %cond3A_106 : i32
    scf.if %cond3A_107 {
      %dma_start3A = arith.constant 1 : i32
      %dma_start3A_179 = arith.constant 0 : i32
      %dma_start3A_180 = tpu.memref_slice %arg7[%dma_start3A, %dma_start3A_179] : memref<40x125xi32, #tpu.memory_space<vmem>> -> memref<1x125xi32, #tpu.memory_space<vmem>>
      %dma_start3A_181 = tpu.memref_squeeze %dma_start3A_180 : memref<1x125xi32, #tpu.memory_space<vmem>> -> memref<125xi32, #tpu.memory_space<vmem>>
      %dma_start3A_182 = arith.constant 0 : i32
      %dma_start3A_183 = arith.constant 0 : i32
      %dma_start3A_184 = tpu.memref_slice %arg2[%dma_start3A_182, %dma_start3A_183] : memref<10240x128xf32, #tpu.memory_space<hbm>> -> memref<10240x128xf32, #tpu.memory_space<hbm>>
      tpu.enqueue_indirect_dma source(%dma_start3A_184 : memref<10240x128xf32, #tpu.memory_space<hbm>>) target(%arg10 : memref<125x128xf32, #tpu.memory_space<vmem>>) offsets(%dma_start3A_181 : memref<125xi32, #tpu.memory_space<vmem>>) semaphore(%arg12 : memref<!tpu.dma_semaphore, #tpu.memory_space<semaphore_mem>>)
    } else {
    }
    %eq3A_108 = arith.constant 1 : i32
    %eq3A_109 = arith.cmpi eq, %arg0, %eq3A_108 : i32
    %convert_element_type3A_110 = arith.extui %eq3A_109 : i1 to i32
    %cond3A_111 = arith.constant 0 : i32
    %cond3A_112 = arith.cmpi ne, %convert_element_type3A_110, %cond3A_111 : i32
    scf.if %cond3A_112 {
      %dma_start3A = arith.constant 1 : i32
      %dma_start3A_179 = arith.constant 0 : i32
      %dma_start3A_180 = tpu.memref_slice %arg7[%dma_start3A, %dma_start3A_179] : memref<40x125xi32, #tpu.memory_space<vmem>> -> memref<1x125xi32, #tpu.memory_space<vmem>>
      %dma_start3A_181 = tpu.memref_squeeze %dma_start3A_180 : memref<1x125xi32, #tpu.memory_space<vmem>> -> memref<125xi32, #tpu.memory_space<vmem>>
      %dma_start3A_182 = arith.constant 0 : i32
      %dma_start3A_183 = arith.constant 0 : i32
      %dma_start3A_184 = tpu.memref_slice %arg3[%dma_start3A_182, %dma_start3A_183] : memref<10240x128xf32, #tpu.memory_space<hbm>> -> memref<10240x128xf32, #tpu.memory_space<hbm>>
      tpu.enqueue_indirect_dma source(%dma_start3A_184 : memref<10240x128xf32, #tpu.memory_space<hbm>>) target(%arg10 : memref<125x128xf32, #tpu.memory_space<vmem>>) offsets(%dma_start3A_181 : memref<125xi32, #tpu.memory_space<vmem>>) semaphore(%arg12 : memref<!tpu.dma_semaphore, #tpu.memory_space<semaphore_mem>>)
    } else {
    }
    %scan3A_113 = arith.constant 0 : i32
    %scan3A_114 = arith.constant 0 : i32
    %scan3A_115 = arith.constant 20 : i32
    %scan3A_116 = arith.addi %scan3A_114, %scan3A_115 : i32
    %scan3A_117 = arith.constant 1 : i32
    scf.for %scan3A_179 = %scan3A_114 to %scan3A_116 step %scan3A_117  : i32 {
      %mul3A_180 = arith.constant 2 : i32
      %mul3A_181 = arith.muli %mul3A_180, %scan3A_179 : i32
      %dma_wait3A_182 = arith.constant 0 : i32
      %dma_wait3A_183 = arith.constant 0 : i32
      %dma_wait3A_184 = tpu.memref_slice %arg7[%dma_wait3A_182, %dma_wait3A_183] : memref<40x125xi32, #tpu.memory_space<vmem>> -> memref<1x125xi32, #tpu.memory_space<vmem>>
      %dma_wait3A_185 = tpu.memref_squeeze %dma_wait3A_184 : memref<1x125xi32, #tpu.memory_space<vmem>> -> memref<125xi32, #tpu.memory_space<vmem>>
      %dma_wait3A_186 = arith.constant 0 : i32
      %dma_wait3A_187 = arith.constant 0 : i32
      %dma_wait3A_188 = tpu.memref_slice %arg2[%dma_wait3A_186, %dma_wait3A_187] : memref<10240x128xf32, #tpu.memory_space<hbm>> -> memref<10240x128xf32, #tpu.memory_space<hbm>>
      tpu.wait_indirect_dma semaphore(%arg11 : memref<!tpu.dma_semaphore, #tpu.memory_space<semaphore_mem>>) src(%dma_wait3A_188 : memref<10240x128xf32, #tpu.memory_space<hbm>>) dst(%arg9 : memref<125x128xf32, #tpu.memory_space<vmem>>)
      %dma_start3A = arith.constant 0 : i32
      %dma_start3A_189 = tpu.memref_slice %arg8[%mul3A_181, %dma_start3A] : memref<40x125xi32, #tpu.memory_space<vmem>> -> memref<1x125xi32, #tpu.memory_space<vmem>>
      %dma_start3A_190 = tpu.memref_squeeze %dma_start3A_189 : memref<1x125xi32, #tpu.memory_space<vmem>> -> memref<125xi32, #tpu.memory_space<vmem>>
      %dma_start3A_191 = arith.constant 0 : i32
      %dma_start3A_192 = arith.constant 0 : i32
      %dma_start3A_193 = tpu.memref_slice %arg15[%dma_start3A_191, %dma_start3A_192] : memref<10240x128xf32, #tpu.memory_space<vmem_shared>> -> memref<10240x128xf32, #tpu.memory_space<vmem_shared>>
      tpu.enqueue_indirect_dma source(%arg9 : memref<125x128xf32, #tpu.memory_space<vmem>>) target(%dma_start3A_193 : memref<10240x128xf32, #tpu.memory_space<vmem_shared>>) offsets(%dma_start3A_190 : memref<125xi32, #tpu.memory_space<vmem>>) semaphore(%arg13 : memref<!tpu.dma_semaphore, #tpu.memory_space<semaphore_mem>>) {add = true}
      %dma_wait3A_194 = arith.constant 0 : i32
      %dma_wait3A_195 = arith.constant 0 : i32
      %dma_wait3A_196 = tpu.memref_slice %arg7[%dma_wait3A_194, %dma_wait3A_195] : memref<40x125xi32, #tpu.memory_space<vmem>> -> memref<1x125xi32, #tpu.memory_space<vmem>>
      %dma_wait3A_197 = tpu.memref_squeeze %dma_wait3A_196 : memref<1x125xi32, #tpu.memory_space<vmem>> -> memref<125xi32, #tpu.memory_space<vmem>>
      %dma_wait3A_198 = arith.constant 0 : i32
      %dma_wait3A_199 = arith.constant 0 : i32
      %dma_wait3A_200 = tpu.memref_slice %arg2[%dma_wait3A_198, %dma_wait3A_199] : memref<10240x128xf32, #tpu.memory_space<hbm>> -> memref<10240x128xf32, #tpu.memory_space<hbm>>
      tpu.wait_indirect_dma semaphore(%arg12 : memref<!tpu.dma_semaphore, #tpu.memory_space<semaphore_mem>>) src(%dma_wait3A_200 : memref<10240x128xf32, #tpu.memory_space<hbm>>) dst(%arg10 : memref<125x128xf32, #tpu.memory_space<vmem>>)
      %add3A_201 = arith.constant 1 : i32
      %add3A_202 = arith.addi %mul3A_181, %add3A_201 : i32
      %dma_start3A_203 = arith.constant 0 : i32
      %dma_start3A_204 = tpu.memref_slice %arg8[%add3A_202, %dma_start3A_203] : memref<40x125xi32, #tpu.memory_space<vmem>> -> memref<1x125xi32, #tpu.memory_space<vmem>>
      %dma_start3A_205 = tpu.memref_squeeze %dma_start3A_204 : memref<1x125xi32, #tpu.memory_space<vmem>> -> memref<125xi32, #tpu.memory_space<vmem>>
      %dma_start3A_206 = arith.constant 0 : i32
      %dma_start3A_207 = arith.constant 0 : i32
      %dma_start3A_208 = tpu.memref_slice %arg15[%dma_start3A_206, %dma_start3A_207] : memref<10240x128xf32, #tpu.memory_space<vmem_shared>> -> memref<10240x128xf32, #tpu.memory_space<vmem_shared>>
      tpu.enqueue_indirect_dma source(%arg10 : memref<125x128xf32, #tpu.memory_space<vmem>>) target(%dma_start3A_208 : memref<10240x128xf32, #tpu.memory_space<vmem_shared>>) offsets(%dma_start3A_205 : memref<125xi32, #tpu.memory_space<vmem>>) semaphore(%arg14 : memref<!tpu.dma_semaphore, #tpu.memory_space<semaphore_mem>>) {add = true}
      %lt3A = arith.constant 19 : i32
      %lt3A_209 = arith.cmpi slt, %scan3A_179, %lt3A : i32
      %convert_element_type3A_210 = arith.extui %lt3A_209 : i1 to i32
      %cond3A_211 = arith.constant 0 : i32
      %cond3A_212 = arith.cmpi ne, %convert_element_type3A_210, %cond3A_211 : i32
      scf.if %cond3A_212 {
        %dma_wait3A_213 = arith.constant 0 : i32
        %dma_wait3A_214 = arith.constant 0 : i32
        %dma_wait3A_215 = tpu.memref_slice %arg8[%dma_wait3A_213, %dma_wait3A_214] : memref<40x125xi32, #tpu.memory_space<vmem>> -> memref<1x125xi32, #tpu.memory_space<vmem>>
        %dma_wait3A_216 = tpu.memref_squeeze %dma_wait3A_215 : memref<1x125xi32, #tpu.memory_space<vmem>> -> memref<125xi32, #tpu.memory_space<vmem>>
        %dma_wait3A_217 = arith.constant 0 : i32
        %dma_wait3A_218 = arith.constant 0 : i32
        %dma_wait3A_219 = tpu.memref_slice %arg15[%dma_wait3A_217, %dma_wait3A_218] : memref<10240x128xf32, #tpu.memory_space<vmem_shared>> -> memref<10240x128xf32, #tpu.memory_space<vmem_shared>>
        tpu.wait_indirect_dma semaphore(%arg13 : memref<!tpu.dma_semaphore, #tpu.memory_space<semaphore_mem>>) src(%arg9 : memref<125x128xf32, #tpu.memory_space<vmem>>) dst(%dma_wait3A_219 : memref<10240x128xf32, #tpu.memory_space<vmem_shared>>)
        %add3A_220 = arith.constant 2 : i32
        %add3A_221 = arith.addi %mul3A_181, %add3A_220 : i32
        %eq3A_222 = arith.constant 0 : i32
        %eq3A_223 = arith.cmpi eq, %arg0, %eq3A_222 : i32
        %convert_element_type3A_224 = arith.extui %eq3A_223 : i1 to i32
        %cond3A_225 = arith.constant 0 : i32
        %cond3A_226 = arith.cmpi ne, %convert_element_type3A_224, %cond3A_225 : i32
        scf.if %cond3A_226 {
          %dma_start3A_251 = arith.constant 0 : i32
          %dma_start3A_252 = tpu.memref_slice %arg7[%add3A_221, %dma_start3A_251] : memref<40x125xi32, #tpu.memory_space<vmem>> -> memref<1x125xi32, #tpu.memory_space<vmem>>
          %dma_start3A_253 = tpu.memref_squeeze %dma_start3A_252 : memref<1x125xi32, #tpu.memory_space<vmem>> -> memref<125xi32, #tpu.memory_space<vmem>>
          %dma_start3A_254 = arith.constant 0 : i32
          %dma_start3A_255 = arith.constant 0 : i32
          %dma_start3A_256 = tpu.memref_slice %arg2[%dma_start3A_254, %dma_start3A_255] : memref<10240x128xf32, #tpu.memory_space<hbm>> -> memref<10240x128xf32, #tpu.memory_space<hbm>>
          tpu.enqueue_indirect_dma source(%dma_start3A_256 : memref<10240x128xf32, #tpu.memory_space<hbm>>) target(%arg9 : memref<125x128xf32, #tpu.memory_space<vmem>>) offsets(%dma_start3A_253 : memref<125xi32, #tpu.memory_space<vmem>>) semaphore(%arg11 : memref<!tpu.dma_semaphore, #tpu.memory_space<semaphore_mem>>)
        } else {
        }
        %eq3A_227 = arith.constant 1 : i32
        %eq3A_228 = arith.cmpi eq, %arg0, %eq3A_227 : i32
        %convert_element_type3A_229 = arith.extui %eq3A_228 : i1 to i32
        %cond3A_230 = arith.constant 0 : i32
        %cond3A_231 = arith.cmpi ne, %convert_element_type3A_229, %cond3A_230 : i32
        scf.if %cond3A_231 {
          %dma_start3A_251 = arith.constant 0 : i32
          %dma_start3A_252 = tpu.memref_slice %arg7[%add3A_221, %dma_start3A_251] : memref<40x125xi32, #tpu.memory_space<vmem>> -> memref<1x125xi32, #tpu.memory_space<vmem>>
          %dma_start3A_253 = tpu.memref_squeeze %dma_start3A_252 : memref<1x125xi32, #tpu.memory_space<vmem>> -> memref<125xi32, #tpu.memory_space<vmem>>
          %dma_start3A_254 = arith.constant 0 : i32
          %dma_start3A_255 = arith.constant 0 : i32
          %dma_start3A_256 = tpu.memref_slice %arg3[%dma_start3A_254, %dma_start3A_255] : memref<10240x128xf32, #tpu.memory_space<hbm>> -> memref<10240x128xf32, #tpu.memory_space<hbm>>
          tpu.enqueue_indirect_dma source(%dma_start3A_256 : memref<10240x128xf32, #tpu.memory_space<hbm>>) target(%arg9 : memref<125x128xf32, #tpu.memory_space<vmem>>) offsets(%dma_start3A_253 : memref<125xi32, #tpu.memory_space<vmem>>) semaphore(%arg11 : memref<!tpu.dma_semaphore, #tpu.memory_space<semaphore_mem>>)
        } else {
        }
        %dma_wait3A_232 = arith.constant 0 : i32
        %dma_wait3A_233 = arith.constant 0 : i32
        %dma_wait3A_234 = tpu.memref_slice %arg8[%dma_wait3A_232, %dma_wait3A_233] : memref<40x125xi32, #tpu.memory_space<vmem>> -> memref<1x125xi32, #tpu.memory_space<vmem>>
        %dma_wait3A_235 = tpu.memref_squeeze %dma_wait3A_234 : memref<1x125xi32, #tpu.memory_space<vmem>> -> memref<125xi32, #tpu.memory_space<vmem>>
        %dma_wait3A_236 = arith.constant 0 : i32
        %dma_wait3A_237 = arith.constant 0 : i32
        %dma_wait3A_238 = tpu.memref_slice %arg15[%dma_wait3A_236, %dma_wait3A_237] : memref<10240x128xf32, #tpu.memory_space<vmem_shared>> -> memref<10240x128xf32, #tpu.memory_space<vmem_shared>>
        tpu.wait_indirect_dma semaphore(%arg14 : memref<!tpu.dma_semaphore, #tpu.memory_space<semaphore_mem>>) src(%arg10 : memref<125x128xf32, #tpu.memory_space<vmem>>) dst(%dma_wait3A_238 : memref<10240x128xf32, #tpu.memory_space<vmem_shared>>)
        %add3A_239 = arith.constant 3 : i32
        %add3A_240 = arith.addi %mul3A_181, %add3A_239 : i32
        %eq3A_241 = arith.constant 0 : i32
        %eq3A_242 = arith.cmpi eq, %arg0, %eq3A_241 : i32
        %convert_element_type3A_243 = arith.extui %eq3A_242 : i1 to i32
        %cond3A_244 = arith.constant 0 : i32
        %cond3A_245 = arith.cmpi ne, %convert_element_type3A_243, %cond3A_244 : i32
        scf.if %cond3A_245 {
          %dma_start3A_251 = arith.constant 0 : i32
          %dma_start3A_252 = tpu.memref_slice %arg7[%add3A_240, %dma_start3A_251] : memref<40x125xi32, #tpu.memory_space<vmem>> -> memref<1x125xi32, #tpu.memory_space<vmem>>
          %dma_start3A_253 = tpu.memref_squeeze %dma_start3A_252 : memref<1x125xi32, #tpu.memory_space<vmem>> -> memref<125xi32, #tpu.memory_space<vmem>>
          %dma_start3A_254 = arith.constant 0 : i32
          %dma_start3A_255 = arith.constant 0 : i32
          %dma_start3A_256 = tpu.memref_slice %arg2[%dma_start3A_254, %dma_start3A_255] : memref<10240x128xf32, #tpu.memory_space<hbm>> -> memref<10240x128xf32, #tpu.memory_space<hbm>>
          tpu.enqueue_indirect_dma source(%dma_start3A_256 : memref<10240x128xf32, #tpu.memory_space<hbm>>) target(%arg10 : memref<125x128xf32, #tpu.memory_space<vmem>>) offsets(%dma_start3A_253 : memref<125xi32, #tpu.memory_space<vmem>>) semaphore(%arg12 : memref<!tpu.dma_semaphore, #tpu.memory_space<semaphore_mem>>)
        } else {
        }
        %eq3A_246 = arith.constant 1 : i32
        %eq3A_247 = arith.cmpi eq, %arg0, %eq3A_246 : i32
        %convert_element_type3A_248 = arith.extui %eq3A_247 : i1 to i32
        %cond3A_249 = arith.constant 0 : i32
        %cond3A_250 = arith.cmpi ne, %convert_element_type3A_248, %cond3A_249 : i32
        scf.if %cond3A_250 {
          %dma_start3A_251 = arith.constant 0 : i32
          %dma_start3A_252 = tpu.memref_slice %arg7[%add3A_240, %dma_start3A_251] : memref<40x125xi32, #tpu.memory_space<vmem>> -> memref<1x125xi32, #tpu.memory_space<vmem>>
          %dma_start3A_253 = tpu.memref_squeeze %dma_start3A_252 : memref<1x125xi32, #tpu.memory_space<vmem>> -> memref<125xi32, #tpu.memory_space<vmem>>
          %dma_start3A_254 = arith.constant 0 : i32
          %dma_start3A_255 = arith.constant 0 : i32
          %dma_start3A_256 = tpu.memref_slice %arg3[%dma_start3A_254, %dma_start3A_255] : memref<10240x128xf32, #tpu.memory_space<hbm>> -> memref<10240x128xf32, #tpu.memory_space<hbm>>
          tpu.enqueue_indirect_dma source(%dma_start3A_256 : memref<10240x128xf32, #tpu.memory_space<hbm>>) target(%arg10 : memref<125x128xf32, #tpu.memory_space<vmem>>) offsets(%dma_start3A_253 : memref<125xi32, #tpu.memory_space<vmem>>) semaphore(%arg12 : memref<!tpu.dma_semaphore, #tpu.memory_space<semaphore_mem>>)
        } else {
        }
      } else {
      }
    }
    %scan3A_118 = arith.constant 20 : i32
    %dma_wait3A_119 = arith.constant 0 : i32
    %dma_wait3A_120 = arith.constant 0 : i32
    %dma_wait3A_121 = tpu.memref_slice %arg8[%dma_wait3A_119, %dma_wait3A_120] : memref<40x125xi32, #tpu.memory_space<vmem>> -> memref<1x125xi32, #tpu.memory_space<vmem>>
    %dma_wait3A_122 = tpu.memref_squeeze %dma_wait3A_121 : memref<1x125xi32, #tpu.memory_space<vmem>> -> memref<125xi32, #tpu.memory_space<vmem>>
    %dma_wait3A_123 = arith.constant 0 : i32
    %dma_wait3A_124 = arith.constant 0 : i32
    %dma_wait3A_125 = tpu.memref_slice %arg15[%dma_wait3A_123, %dma_wait3A_124] : memref<10240x128xf32, #tpu.memory_space<vmem_shared>> -> memref<10240x128xf32, #tpu.memory_space<vmem_shared>>
    tpu.wait_indirect_dma semaphore(%arg13 : memref<!tpu.dma_semaphore, #tpu.memory_space<semaphore_mem>>) src(%arg9 : memref<125x128xf32, #tpu.memory_space<vmem>>) dst(%dma_wait3A_125 : memref<10240x128xf32, #tpu.memory_space<vmem_shared>>)
    %dma_wait3A_126 = arith.constant 0 : i32
    %dma_wait3A_127 = arith.constant 0 : i32
    %dma_wait3A_128 = tpu.memref_slice %arg8[%dma_wait3A_126, %dma_wait3A_127] : memref<40x125xi32, #tpu.memory_space<vmem>> -> memref<1x125xi32, #tpu.memory_space<vmem>>
    %dma_wait3A_129 = tpu.memref_squeeze %dma_wait3A_128 : memref<1x125xi32, #tpu.memory_space<vmem>> -> memref<125xi32, #tpu.memory_space<vmem>>
    %dma_wait3A_130 = arith.constant 0 : i32
    %dma_wait3A_131 = arith.constant 0 : i32
    %dma_wait3A_132 = tpu.memref_slice %arg15[%dma_wait3A_130, %dma_wait3A_131] : memref<10240x128xf32, #tpu.memory_space<vmem_shared>> -> memref<10240x128xf32, #tpu.memory_space<vmem_shared>>
    tpu.wait_indirect_dma semaphore(%arg14 : memref<!tpu.dma_semaphore, #tpu.memory_space<semaphore_mem>>) src(%arg10 : memref<125x128xf32, #tpu.memory_space<vmem>>) dst(%dma_wait3A_132 : memref<10240x128xf32, #tpu.memory_space<vmem_shared>>)
    %add3A_133 = arith.constant 120 : i32
    %add3A_134 = arith.addi %mul3A_0, %add3A_133 : i32
    "tpu.region"() ({
      %run_scoped3A = tpu.sem_alloc : memref<!tpu.dma_semaphore, #tpu.memory_space<semaphore_mem>>
      %dma_start3A = arith.constant 0 : i32
      %dma_start3A_179 = tpu.memref_slice %arg4[%add3A_134, %dma_start3A] : memref<2560x125xi32, #tpu.memory_space<hbm>> -> memref<40x125xi32, #tpu.memory_space<hbm>>
      %dma_start3A_180 = arith.constant 0 : i32
      %dma_start3A_181 = tpu.memref_slice %arg4[%add3A_134, %dma_start3A_180] : memref<2560x125xi32, #tpu.memory_space<hbm>> -> memref<40x125xi32, #tpu.memory_space<hbm>>
      tpu.enqueue_dma source(%dma_start3A_181 : memref<40x125xi32, #tpu.memory_space<hbm>>) target(%arg7 : memref<40x125xi32, #tpu.memory_space<vmem>>) target_semaphore(%run_scoped3A : memref<!tpu.dma_semaphore, #tpu.memory_space<semaphore_mem>>)
      %dma_wait3A_182 = arith.constant 0 : i32
      %dma_wait3A_183 = tpu.memref_slice %arg4[%add3A_134, %dma_wait3A_182] : memref<2560x125xi32, #tpu.memory_space<hbm>> -> memref<40x125xi32, #tpu.memory_space<hbm>>
      %dma_wait3A_184 = arith.constant 0 : i32
      %dma_wait3A_185 = tpu.memref_slice %arg4[%add3A_134, %dma_wait3A_184] : memref<2560x125xi32, #tpu.memory_space<hbm>> -> memref<40x125xi32, #tpu.memory_space<hbm>>
      tpu.wait_dma2 semaphore(%run_scoped3A : memref<!tpu.dma_semaphore, #tpu.memory_space<semaphore_mem>>) src(%dma_wait3A_185 : memref<40x125xi32, #tpu.memory_space<hbm>>) dst(%arg7 : memref<40x125xi32, #tpu.memory_space<vmem>>)
      tpu.yield
    }) : () -> ()
    "tpu.region"() ({
      %run_scoped3A = tpu.sem_alloc : memref<!tpu.dma_semaphore, #tpu.memory_space<semaphore_mem>>
      %dma_start3A = arith.constant 0 : i32
      %dma_start3A_179 = tpu.memref_slice %arg5[%add3A_134, %dma_start3A] : memref<2560x125xi32, #tpu.memory_space<hbm>> -> memref<40x125xi32, #tpu.memory_space<hbm>>
      %dma_start3A_180 = arith.constant 0 : i32
      %dma_start3A_181 = tpu.memref_slice %arg5[%add3A_134, %dma_start3A_180] : memref<2560x125xi32, #tpu.memory_space<hbm>> -> memref<40x125xi32, #tpu.memory_space<hbm>>
      tpu.enqueue_dma source(%dma_start3A_181 : memref<40x125xi32, #tpu.memory_space<hbm>>) target(%arg8 : memref<40x125xi32, #tpu.memory_space<vmem>>) target_semaphore(%run_scoped3A : memref<!tpu.dma_semaphore, #tpu.memory_space<semaphore_mem>>)
      %dma_wait3A_182 = arith.constant 0 : i32
      %dma_wait3A_183 = tpu.memref_slice %arg5[%add3A_134, %dma_wait3A_182] : memref<2560x125xi32, #tpu.memory_space<hbm>> -> memref<40x125xi32, #tpu.memory_space<hbm>>
      %dma_wait3A_184 = arith.constant 0 : i32
      %dma_wait3A_185 = tpu.memref_slice %arg5[%add3A_134, %dma_wait3A_184] : memref<2560x125xi32, #tpu.memory_space<hbm>> -> memref<40x125xi32, #tpu.memory_space<hbm>>
      tpu.wait_dma2 semaphore(%run_scoped3A : memref<!tpu.dma_semaphore, #tpu.memory_space<semaphore_mem>>) src(%dma_wait3A_185 : memref<40x125xi32, #tpu.memory_space<hbm>>) dst(%arg8 : memref<40x125xi32, #tpu.memory_space<vmem>>)
      tpu.yield
    }) : () -> ()
    %eq3A_135 = arith.constant 0 : i32
    %eq3A_136 = arith.cmpi eq, %arg0, %eq3A_135 : i32
    %convert_element_type3A_137 = arith.extui %eq3A_136 : i1 to i32
    %cond3A_138 = arith.constant 0 : i32
    %cond3A_139 = arith.cmpi ne, %convert_element_type3A_137, %cond3A_138 : i32
    scf.if %cond3A_139 {
      %dma_start3A = arith.constant 0 : i32
      %dma_start3A_179 = arith.constant 0 : i32
      %dma_start3A_180 = tpu.memref_slice %arg7[%dma_start3A, %dma_start3A_179] : memref<40x125xi32, #tpu.memory_space<vmem>> -> memref<1x125xi32, #tpu.memory_space<vmem>>
      %dma_start3A_181 = tpu.memref_squeeze %dma_start3A_180 : memref<1x125xi32, #tpu.memory_space<vmem>> -> memref<125xi32, #tpu.memory_space<vmem>>
      %dma_start3A_182 = arith.constant 0 : i32
      %dma_start3A_183 = arith.constant 0 : i32
      %dma_start3A_184 = tpu.memref_slice %arg2[%dma_start3A_182, %dma_start3A_183] : memref<10240x128xf32, #tpu.memory_space<hbm>> -> memref<10240x128xf32, #tpu.memory_space<hbm>>
      tpu.enqueue_indirect_dma source(%dma_start3A_184 : memref<10240x128xf32, #tpu.memory_space<hbm>>) target(%arg9 : memref<125x128xf32, #tpu.memory_space<vmem>>) offsets(%dma_start3A_181 : memref<125xi32, #tpu.memory_space<vmem>>) semaphore(%arg11 : memref<!tpu.dma_semaphore, #tpu.memory_space<semaphore_mem>>)
    } else {
    }
    %eq3A_140 = arith.constant 1 : i32
    %eq3A_141 = arith.cmpi eq, %arg0, %eq3A_140 : i32
    %convert_element_type3A_142 = arith.extui %eq3A_141 : i1 to i32
    %cond3A_143 = arith.constant 0 : i32
    %cond3A_144 = arith.cmpi ne, %convert_element_type3A_142, %cond3A_143 : i32
    scf.if %cond3A_144 {
      %dma_start3A = arith.constant 0 : i32
      %dma_start3A_179 = arith.constant 0 : i32
      %dma_start3A_180 = tpu.memref_slice %arg7[%dma_start3A, %dma_start3A_179] : memref<40x125xi32, #tpu.memory_space<vmem>> -> memref<1x125xi32, #tpu.memory_space<vmem>>
      %dma_start3A_181 = tpu.memref_squeeze %dma_start3A_180 : memref<1x125xi32, #tpu.memory_space<vmem>> -> memref<125xi32, #tpu.memory_space<vmem>>
      %dma_start3A_182 = arith.constant 0 : i32
      %dma_start3A_183 = arith.constant 0 : i32
      %dma_start3A_184 = tpu.memref_slice %arg3[%dma_start3A_182, %dma_start3A_183] : memref<10240x128xf32, #tpu.memory_space<hbm>> -> memref<10240x128xf32, #tpu.memory_space<hbm>>
      tpu.enqueue_indirect_dma source(%dma_start3A_184 : memref<10240x128xf32, #tpu.memory_space<hbm>>) target(%arg9 : memref<125x128xf32, #tpu.memory_space<vmem>>) offsets(%dma_start3A_181 : memref<125xi32, #tpu.memory_space<vmem>>) semaphore(%arg11 : memref<!tpu.dma_semaphore, #tpu.memory_space<semaphore_mem>>)
    } else {
    }
    %eq3A_145 = arith.constant 0 : i32
    %eq3A_146 = arith.cmpi eq, %arg0, %eq3A_145 : i32
    %convert_element_type3A_147 = arith.extui %eq3A_146 : i1 to i32
    %cond3A_148 = arith.constant 0 : i32
    %cond3A_149 = arith.cmpi ne, %convert_element_type3A_147, %cond3A_148 : i32
    scf.if %cond3A_149 {
      %dma_start3A = arith.constant 1 : i32
      %dma_start3A_179 = arith.constant 0 : i32
      %dma_start3A_180 = tpu.memref_slice %arg7[%dma_start3A, %dma_start3A_179] : memref<40x125xi32, #tpu.memory_space<vmem>> -> memref<1x125xi32, #tpu.memory_space<vmem>>
      %dma_start3A_181 = tpu.memref_squeeze %dma_start3A_180 : memref<1x125xi32, #tpu.memory_space<vmem>> -> memref<125xi32, #tpu.memory_space<vmem>>
      %dma_start3A_182 = arith.constant 0 : i32
      %dma_start3A_183 = arith.constant 0 : i32
      %dma_start3A_184 = tpu.memref_slice %arg2[%dma_start3A_182, %dma_start3A_183] : memref<10240x128xf32, #tpu.memory_space<hbm>> -> memref<10240x128xf32, #tpu.memory_space<hbm>>
      tpu.enqueue_indirect_dma source(%dma_start3A_184 : memref<10240x128xf32, #tpu.memory_space<hbm>>) target(%arg10 : memref<125x128xf32, #tpu.memory_space<vmem>>) offsets(%dma_start3A_181 : memref<125xi32, #tpu.memory_space<vmem>>) semaphore(%arg12 : memref<!tpu.dma_semaphore, #tpu.memory_space<semaphore_mem>>)
    } else {
    }
    %eq3A_150 = arith.constant 1 : i32
    %eq3A_151 = arith.cmpi eq, %arg0, %eq3A_150 : i32
    %convert_element_type3A_152 = arith.extui %eq3A_151 : i1 to i32
    %cond3A_153 = arith.constant 0 : i32
    %cond3A_154 = arith.cmpi ne, %convert_element_type3A_152, %cond3A_153 : i32
    scf.if %cond3A_154 {
      %dma_start3A = arith.constant 1 : i32
      %dma_start3A_179 = arith.constant 0 : i32
      %dma_start3A_180 = tpu.memref_slice %arg7[%dma_start3A, %dma_start3A_179] : memref<40x125xi32, #tpu.memory_space<vmem>> -> memref<1x125xi32, #tpu.memory_space<vmem>>
      %dma_start3A_181 = tpu.memref_squeeze %dma_start3A_180 : memref<1x125xi32, #tpu.memory_space<vmem>> -> memref<125xi32, #tpu.memory_space<vmem>>
      %dma_start3A_182 = arith.constant 0 : i32
      %dma_start3A_183 = arith.constant 0 : i32
      %dma_start3A_184 = tpu.memref_slice %arg3[%dma_start3A_182, %dma_start3A_183] : memref<10240x128xf32, #tpu.memory_space<hbm>> -> memref<10240x128xf32, #tpu.memory_space<hbm>>
      tpu.enqueue_indirect_dma source(%dma_start3A_184 : memref<10240x128xf32, #tpu.memory_space<hbm>>) target(%arg10 : memref<125x128xf32, #tpu.memory_space<vmem>>) offsets(%dma_start3A_181 : memref<125xi32, #tpu.memory_space<vmem>>) semaphore(%arg12 : memref<!tpu.dma_semaphore, #tpu.memory_space<semaphore_mem>>)
    } else {
    }
    %scan3A_155 = arith.constant 0 : i32
    %scan3A_156 = arith.constant 0 : i32
    %scan3A_157 = arith.constant 20 : i32
    %scan3A_158 = arith.addi %scan3A_156, %scan3A_157 : i32
    %scan3A_159 = arith.constant 1 : i32
    scf.for %scan3A_179 = %scan3A_156 to %scan3A_158 step %scan3A_159  : i32 {
      %mul3A_180 = arith.constant 2 : i32
      %mul3A_181 = arith.muli %mul3A_180, %scan3A_179 : i32
      %dma_wait3A_182 = arith.constant 0 : i32
      %dma_wait3A_183 = arith.constant 0 : i32
      %dma_wait3A_184 = tpu.memref_slice %arg7[%dma_wait3A_182, %dma_wait3A_183] : memref<40x125xi32, #tpu.memory_space<vmem>> -> memref<1x125xi32, #tpu.memory_space<vmem>>
      %dma_wait3A_185 = tpu.memref_squeeze %dma_wait3A_184 : memref<1x125xi32, #tpu.memory_space<vmem>> -> memref<125xi32, #tpu.memory_space<vmem>>
      %dma_wait3A_186 = arith.constant 0 : i32
      %dma_wait3A_187 = arith.constant 0 : i32
      %dma_wait3A_188 = tpu.memref_slice %arg2[%dma_wait3A_186, %dma_wait3A_187] : memref<10240x128xf32, #tpu.memory_space<hbm>> -> memref<10240x128xf32, #tpu.memory_space<hbm>>
      tpu.wait_indirect_dma semaphore(%arg11 : memref<!tpu.dma_semaphore, #tpu.memory_space<semaphore_mem>>) src(%dma_wait3A_188 : memref<10240x128xf32, #tpu.memory_space<hbm>>) dst(%arg9 : memref<125x128xf32, #tpu.memory_space<vmem>>)
      %dma_start3A = arith.constant 0 : i32
      %dma_start3A_189 = tpu.memref_slice %arg8[%mul3A_181, %dma_start3A] : memref<40x125xi32, #tpu.memory_space<vmem>> -> memref<1x125xi32, #tpu.memory_space<vmem>>
      %dma_start3A_190 = tpu.memref_squeeze %dma_start3A_189 : memref<1x125xi32, #tpu.memory_space<vmem>> -> memref<125xi32, #tpu.memory_space<vmem>>
      %dma_start3A_191 = arith.constant 0 : i32
      %dma_start3A_192 = arith.constant 0 : i32
      %dma_start3A_193 = tpu.memref_slice %arg15[%dma_start3A_191, %dma_start3A_192] : memref<10240x128xf32, #tpu.memory_space<vmem_shared>> -> memref<10240x128xf32, #tpu.memory_space<vmem_shared>>
      tpu.enqueue_indirect_dma source(%arg9 : memref<125x128xf32, #tpu.memory_space<vmem>>) target(%dma_start3A_193 : memref<10240x128xf32, #tpu.memory_space<vmem_shared>>) offsets(%dma_start3A_190 : memref<125xi32, #tpu.memory_space<vmem>>) semaphore(%arg13 : memref<!tpu.dma_semaphore, #tpu.memory_space<semaphore_mem>>) {add = true}
      %dma_wait3A_194 = arith.constant 0 : i32
      %dma_wait3A_195 = arith.constant 0 : i32
      %dma_wait3A_196 = tpu.memref_slice %arg7[%dma_wait3A_194, %dma_wait3A_195] : memref<40x125xi32, #tpu.memory_space<vmem>> -> memref<1x125xi32, #tpu.memory_space<vmem>>
      %dma_wait3A_197 = tpu.memref_squeeze %dma_wait3A_196 : memref<1x125xi32, #tpu.memory_space<vmem>> -> memref<125xi32, #tpu.memory_space<vmem>>
      %dma_wait3A_198 = arith.constant 0 : i32
      %dma_wait3A_199 = arith.constant 0 : i32
      %dma_wait3A_200 = tpu.memref_slice %arg2[%dma_wait3A_198, %dma_wait3A_199] : memref<10240x128xf32, #tpu.memory_space<hbm>> -> memref<10240x128xf32, #tpu.memory_space<hbm>>
      tpu.wait_indirect_dma semaphore(%arg12 : memref<!tpu.dma_semaphore, #tpu.memory_space<semaphore_mem>>) src(%dma_wait3A_200 : memref<10240x128xf32, #tpu.memory_space<hbm>>) dst(%arg10 : memref<125x128xf32, #tpu.memory_space<vmem>>)
      %add3A_201 = arith.constant 1 : i32
      %add3A_202 = arith.addi %mul3A_181, %add3A_201 : i32
      %dma_start3A_203 = arith.constant 0 : i32
      %dma_start3A_204 = tpu.memref_slice %arg8[%add3A_202, %dma_start3A_203] : memref<40x125xi32, #tpu.memory_space<vmem>> -> memref<1x125xi32, #tpu.memory_space<vmem>>
      %dma_start3A_205 = tpu.memref_squeeze %dma_start3A_204 : memref<1x125xi32, #tpu.memory_space<vmem>> -> memref<125xi32, #tpu.memory_space<vmem>>
      %dma_start3A_206 = arith.constant 0 : i32
      %dma_start3A_207 = arith.constant 0 : i32
      %dma_start3A_208 = tpu.memref_slice %arg15[%dma_start3A_206, %dma_start3A_207] : memref<10240x128xf32, #tpu.memory_space<vmem_shared>> -> memref<10240x128xf32, #tpu.memory_space<vmem_shared>>
      tpu.enqueue_indirect_dma source(%arg10 : memref<125x128xf32, #tpu.memory_space<vmem>>) target(%dma_start3A_208 : memref<10240x128xf32, #tpu.memory_space<vmem_shared>>) offsets(%dma_start3A_205 : memref<125xi32, #tpu.memory_space<vmem>>) semaphore(%arg14 : memref<!tpu.dma_semaphore, #tpu.memory_space<semaphore_mem>>) {add = true}
      %lt3A = arith.constant 19 : i32
      %lt3A_209 = arith.cmpi slt, %scan3A_179, %lt3A : i32
      %convert_element_type3A_210 = arith.extui %lt3A_209 : i1 to i32
      %cond3A_211 = arith.constant 0 : i32
      %cond3A_212 = arith.cmpi ne, %convert_element_type3A_210, %cond3A_211 : i32
      scf.if %cond3A_212 {
        %dma_wait3A_213 = arith.constant 0 : i32
        %dma_wait3A_214 = arith.constant 0 : i32
        %dma_wait3A_215 = tpu.memref_slice %arg8[%dma_wait3A_213, %dma_wait3A_214] : memref<40x125xi32, #tpu.memory_space<vmem>> -> memref<1x125xi32, #tpu.memory_space<vmem>>
        %dma_wait3A_216 = tpu.memref_squeeze %dma_wait3A_215 : memref<1x125xi32, #tpu.memory_space<vmem>> -> memref<125xi32, #tpu.memory_space<vmem>>
        %dma_wait3A_217 = arith.constant 0 : i32
        %dma_wait3A_218 = arith.constant 0 : i32
        %dma_wait3A_219 = tpu.memref_slice %arg15[%dma_wait3A_217, %dma_wait3A_218] : memref<10240x128xf32, #tpu.memory_space<vmem_shared>> -> memref<10240x128xf32, #tpu.memory_space<vmem_shared>>
        tpu.wait_indirect_dma semaphore(%arg13 : memref<!tpu.dma_semaphore, #tpu.memory_space<semaphore_mem>>) src(%arg9 : memref<125x128xf32, #tpu.memory_space<vmem>>) dst(%dma_wait3A_219 : memref<10240x128xf32, #tpu.memory_space<vmem_shared>>)
        %add3A_220 = arith.constant 2 : i32
        %add3A_221 = arith.addi %mul3A_181, %add3A_220 : i32
        %eq3A_222 = arith.constant 0 : i32
        %eq3A_223 = arith.cmpi eq, %arg0, %eq3A_222 : i32
        %convert_element_type3A_224 = arith.extui %eq3A_223 : i1 to i32
        %cond3A_225 = arith.constant 0 : i32
        %cond3A_226 = arith.cmpi ne, %convert_element_type3A_224, %cond3A_225 : i32
        scf.if %cond3A_226 {
          %dma_start3A_251 = arith.constant 0 : i32
          %dma_start3A_252 = tpu.memref_slice %arg7[%add3A_221, %dma_start3A_251] : memref<40x125xi32, #tpu.memory_space<vmem>> -> memref<1x125xi32, #tpu.memory_space<vmem>>
          %dma_start3A_253 = tpu.memref_squeeze %dma_start3A_252 : memref<1x125xi32, #tpu.memory_space<vmem>> -> memref<125xi32, #tpu.memory_space<vmem>>
          %dma_start3A_254 = arith.constant 0 : i32
          %dma_start3A_255 = arith.constant 0 : i32
          %dma_start3A_256 = tpu.memref_slice %arg2[%dma_start3A_254, %dma_start3A_255] : memref<10240x128xf32, #tpu.memory_space<hbm>> -> memref<10240x128xf32, #tpu.memory_space<hbm>>
          tpu.enqueue_indirect_dma source(%dma_start3A_256 : memref<10240x128xf32, #tpu.memory_space<hbm>>) target(%arg9 : memref<125x128xf32, #tpu.memory_space<vmem>>) offsets(%dma_start3A_253 : memref<125xi32, #tpu.memory_space<vmem>>) semaphore(%arg11 : memref<!tpu.dma_semaphore, #tpu.memory_space<semaphore_mem>>)
        } else {
        }
        %eq3A_227 = arith.constant 1 : i32
        %eq3A_228 = arith.cmpi eq, %arg0, %eq3A_227 : i32
        %convert_element_type3A_229 = arith.extui %eq3A_228 : i1 to i32
        %cond3A_230 = arith.constant 0 : i32
        %cond3A_231 = arith.cmpi ne, %convert_element_type3A_229, %cond3A_230 : i32
        scf.if %cond3A_231 {
          %dma_start3A_251 = arith.constant 0 : i32
          %dma_start3A_252 = tpu.memref_slice %arg7[%add3A_221, %dma_start3A_251] : memref<40x125xi32, #tpu.memory_space<vmem>> -> memref<1x125xi32, #tpu.memory_space<vmem>>
          %dma_start3A_253 = tpu.memref_squeeze %dma_start3A_252 : memref<1x125xi32, #tpu.memory_space<vmem>> -> memref<125xi32, #tpu.memory_space<vmem>>
          %dma_start3A_254 = arith.constant 0 : i32
          %dma_start3A_255 = arith.constant 0 : i32
          %dma_start3A_256 = tpu.memref_slice %arg3[%dma_start3A_254, %dma_start3A_255] : memref<10240x128xf32, #tpu.memory_space<hbm>> -> memref<10240x128xf32, #tpu.memory_space<hbm>>
          tpu.enqueue_indirect_dma source(%dma_start3A_256 : memref<10240x128xf32, #tpu.memory_space<hbm>>) target(%arg9 : memref<125x128xf32, #tpu.memory_space<vmem>>) offsets(%dma_start3A_253 : memref<125xi32, #tpu.memory_space<vmem>>) semaphore(%arg11 : memref<!tpu.dma_semaphore, #tpu.memory_space<semaphore_mem>>)
        } else {
        }
        %dma_wait3A_232 = arith.constant 0 : i32
        %dma_wait3A_233 = arith.constant 0 : i32
        %dma_wait3A_234 = tpu.memref_slice %arg8[%dma_wait3A_232, %dma_wait3A_233] : memref<40x125xi32, #tpu.memory_space<vmem>> -> memref<1x125xi32, #tpu.memory_space<vmem>>
        %dma_wait3A_235 = tpu.memref_squeeze %dma_wait3A_234 : memref<1x125xi32, #tpu.memory_space<vmem>> -> memref<125xi32, #tpu.memory_space<vmem>>
        %dma_wait3A_236 = arith.constant 0 : i32
        %dma_wait3A_237 = arith.constant 0 : i32
        %dma_wait3A_238 = tpu.memref_slice %arg15[%dma_wait3A_236, %dma_wait3A_237] : memref<10240x128xf32, #tpu.memory_space<vmem_shared>> -> memref<10240x128xf32, #tpu.memory_space<vmem_shared>>
        tpu.wait_indirect_dma semaphore(%arg14 : memref<!tpu.dma_semaphore, #tpu.memory_space<semaphore_mem>>) src(%arg10 : memref<125x128xf32, #tpu.memory_space<vmem>>) dst(%dma_wait3A_238 : memref<10240x128xf32, #tpu.memory_space<vmem_shared>>)
        %add3A_239 = arith.constant 3 : i32
        %add3A_240 = arith.addi %mul3A_181, %add3A_239 : i32
        %eq3A_241 = arith.constant 0 : i32
        %eq3A_242 = arith.cmpi eq, %arg0, %eq3A_241 : i32
        %convert_element_type3A_243 = arith.extui %eq3A_242 : i1 to i32
        %cond3A_244 = arith.constant 0 : i32
        %cond3A_245 = arith.cmpi ne, %convert_element_type3A_243, %cond3A_244 : i32
        scf.if %cond3A_245 {
          %dma_start3A_251 = arith.constant 0 : i32
          %dma_start3A_252 = tpu.memref_slice %arg7[%add3A_240, %dma_start3A_251] : memref<40x125xi32, #tpu.memory_space<vmem>> -> memref<1x125xi32, #tpu.memory_space<vmem>>
          %dma_start3A_253 = tpu.memref_squeeze %dma_start3A_252 : memref<1x125xi32, #tpu.memory_space<vmem>> -> memref<125xi32, #tpu.memory_space<vmem>>
          %dma_start3A_254 = arith.constant 0 : i32
          %dma_start3A_255 = arith.constant 0 : i32
          %dma_start3A_256 = tpu.memref_slice %arg2[%dma_start3A_254, %dma_start3A_255] : memref<10240x128xf32, #tpu.memory_space<hbm>> -> memref<10240x128xf32, #tpu.memory_space<hbm>>
          tpu.enqueue_indirect_dma source(%dma_start3A_256 : memref<10240x128xf32, #tpu.memory_space<hbm>>) target(%arg10 : memref<125x128xf32, #tpu.memory_space<vmem>>) offsets(%dma_start3A_253 : memref<125xi32, #tpu.memory_space<vmem>>) semaphore(%arg12 : memref<!tpu.dma_semaphore, #tpu.memory_space<semaphore_mem>>)
        } else {
        }
        %eq3A_246 = arith.constant 1 : i32
        %eq3A_247 = arith.cmpi eq, %arg0, %eq3A_246 : i32
        %convert_element_type3A_248 = arith.extui %eq3A_247 : i1 to i32
        %cond3A_249 = arith.constant 0 : i32
        %cond3A_250 = arith.cmpi ne, %convert_element_type3A_248, %cond3A_249 : i32
        scf.if %cond3A_250 {
          %dma_start3A_251 = arith.constant 0 : i32
          %dma_start3A_252 = tpu.memref_slice %arg7[%add3A_240, %dma_start3A_251] : memref<40x125xi32, #tpu.memory_space<vmem>> -> memref<1x125xi32, #tpu.memory_space<vmem>>
          %dma_start3A_253 = tpu.memref_squeeze %dma_start3A_252 : memref<1x125xi32, #tpu.memory_space<vmem>> -> memref<125xi32, #tpu.memory_space<vmem>>
          %dma_start3A_254 = arith.constant 0 : i32
          %dma_start3A_255 = arith.constant 0 : i32
          %dma_start3A_256 = tpu.memref_slice %arg3[%dma_start3A_254, %dma_start3A_255] : memref<10240x128xf32, #tpu.memory_space<hbm>> -> memref<10240x128xf32, #tpu.memory_space<hbm>>
          tpu.enqueue_indirect_dma source(%dma_start3A_256 : memref<10240x128xf32, #tpu.memory_space<hbm>>) target(%arg10 : memref<125x128xf32, #tpu.memory_space<vmem>>) offsets(%dma_start3A_253 : memref<125xi32, #tpu.memory_space<vmem>>) semaphore(%arg12 : memref<!tpu.dma_semaphore, #tpu.memory_space<semaphore_mem>>)
        } else {
        }
      } else {
      }
    }
    %scan3A_160 = arith.constant 20 : i32
    %dma_wait3A_161 = arith.constant 0 : i32
    %dma_wait3A_162 = arith.constant 0 : i32
    %dma_wait3A_163 = tpu.memref_slice %arg8[%dma_wait3A_161, %dma_wait3A_162] : memref<40x125xi32, #tpu.memory_space<vmem>> -> memref<1x125xi32, #tpu.memory_space<vmem>>
    %dma_wait3A_164 = tpu.memref_squeeze %dma_wait3A_163 : memref<1x125xi32, #tpu.memory_space<vmem>> -> memref<125xi32, #tpu.memory_space<vmem>>
    %dma_wait3A_165 = arith.constant 0 : i32
    %dma_wait3A_166 = arith.constant 0 : i32
    %dma_wait3A_167 = tpu.memref_slice %arg15[%dma_wait3A_165, %dma_wait3A_166] : memref<10240x128xf32, #tpu.memory_space<vmem_shared>> -> memref<10240x128xf32, #tpu.memory_space<vmem_shared>>
    tpu.wait_indirect_dma semaphore(%arg13 : memref<!tpu.dma_semaphore, #tpu.memory_space<semaphore_mem>>) src(%arg9 : memref<125x128xf32, #tpu.memory_space<vmem>>) dst(%dma_wait3A_167 : memref<10240x128xf32, #tpu.memory_space<vmem_shared>>)
    %dma_wait3A_168 = arith.constant 0 : i32
    %dma_wait3A_169 = arith.constant 0 : i32
    %dma_wait3A_170 = tpu.memref_slice %arg8[%dma_wait3A_168, %dma_wait3A_169] : memref<40x125xi32, #tpu.memory_space<vmem>> -> memref<1x125xi32, #tpu.memory_space<vmem>>
    %dma_wait3A_171 = tpu.memref_squeeze %dma_wait3A_170 : memref<1x125xi32, #tpu.memory_space<vmem>> -> memref<125xi32, #tpu.memory_space<vmem>>
    %dma_wait3A_172 = arith.constant 0 : i32
    %dma_wait3A_173 = arith.constant 0 : i32
    %dma_wait3A_174 = tpu.memref_slice %arg15[%dma_wait3A_172, %dma_wait3A_173] : memref<10240x128xf32, #tpu.memory_space<vmem_shared>> -> memref<10240x128xf32, #tpu.memory_space<vmem_shared>>
    tpu.wait_indirect_dma semaphore(%arg14 : memref<!tpu.dma_semaphore, #tpu.memory_space<semaphore_mem>>) src(%arg10 : memref<125x128xf32, #tpu.memory_space<vmem>>) dst(%dma_wait3A_174 : memref<10240x128xf32, #tpu.memory_space<vmem_shared>>)
    %barrier3A_175 = arith.constant 0 : index
    tpu.barrier barrier_id(%barrier3A_175)
    %mul3A_176 = arith.constant 10240 : i32
    %mul3A_177 = arith.muli %arg0, %mul3A_176 : i32
    %add3A_178 = arith.addi %mul3A_177, %mul3A_2 : i32
    "tpu.region"() ({
      %run_scoped3A = tpu.sem_alloc : memref<!tpu.dma_semaphore, #tpu.memory_space<semaphore_mem>>
      %dma_start3A = arith.constant 0 : i32
      %dma_start3A_179 = tpu.memref_slice %arg6[%add3A_178, %dma_start3A] : memref<20480x128xf32, #tpu.memory_space<hbm>> -> memref<640x128xf32, #tpu.memory_space<hbm>>
      %dma_start3A_180 = arith.constant 0 : i32
      %dma_start3A_181 = tpu.memref_slice %arg15[%mul3A_2, %dma_start3A_180] : memref<10240x128xf32, #tpu.memory_space<vmem_shared>> -> memref<640x128xf32, #tpu.memory_space<vmem_shared>>
      tpu.enqueue_dma source(%dma_start3A_181 : memref<640x128xf32, #tpu.memory_space<vmem_shared>>) target(%dma_start3A_179 : memref<640x128xf32, #tpu.memory_space<hbm>>) target_semaphore(%run_scoped3A : memref<!tpu.dma_semaphore, #tpu.memory_space<semaphore_mem>>)
      %dma_wait3A_182 = arith.constant 0 : i32
      %dma_wait3A_183 = tpu.memref_slice %arg6[%add3A_178, %dma_wait3A_182] : memref<20480x128xf32, #tpu.memory_space<hbm>> -> memref<640x128xf32, #tpu.memory_space<hbm>>
      %dma_wait3A_184 = arith.constant 0 : i32
      %dma_wait3A_185 = tpu.memref_slice %arg15[%mul3A_2, %dma_wait3A_184] : memref<10240x128xf32, #tpu.memory_space<vmem_shared>> -> memref<640x128xf32, #tpu.memory_space<vmem_shared>>
      tpu.wait_dma2 semaphore(%run_scoped3A : memref<!tpu.dma_semaphore, #tpu.memory_space<semaphore_mem>>) src(%dma_wait3A_185 : memref<640x128xf32, #tpu.memory_space<vmem_shared>>) dst(%dma_wait3A_183 : memref<640x128xf32, #tpu.memory_space<hbm>>)
      tpu.yield
    }) : () -> ()
    return
  }
}

module attributes {stable_mosaic.version = 14 : i64} {
  func.func @body(%arg0: i32, %arg1: memref<1024x128xf32, #tpu.memory_space<vmem>>, %arg2: memref<1024x16xf32, #tpu.memory_space<vmem>>, %arg3: memref<1024x16xf32, #tpu.memory_space<vmem>>, %arg4: memref<1024x128xf32, #tpu.memory_space<vmem>>, %arg5: memref<1024x8xf32, #tpu.memory_space<vmem>>) attributes {dimension_semantics = [#tpu.dimension_semantics<arbitrary>], iteration_bounds = array<i64: 10>, scalar_prefetch = 0 : i64, scratch_operands = 0 : i64, tpu.core_type = #tpu.core_type<tc>, window_params = [{transform_indices = @transform_0, window_bounds = array<i64: 1024, 128>}, {transform_indices = @transform_1, window_bounds = array<i64: 1024, 16>}, {transform_indices = @transform_2, window_bounds = array<i64: 1024, 16>}, {transform_indices = @transform_3, window_bounds = array<i64: 1024, 128>}, {transform_indices = @transform_4, window_bounds = array<i64: 1024, 8>}]} {
    %get3A = arith.constant 0 : index
    %get3A_0 = arith.constant 0 : index
    %get3A_1 = vector.load %arg2[%get3A, %get3A_0] : memref<1024x16xf32, #tpu.memory_space<vmem>>, vector<1024x1xf32>
    %get3A_2 = arith.constant 0 : index
    %get3A_3 = arith.constant 0 : index
    %get3A_4 = vector.load %arg3[%get3A_2, %get3A_3] : memref<1024x16xf32, #tpu.memory_space<vmem>>, vector<1024x1xf32>
    %add3A = arith.addf %get3A_1, %get3A_4 : vector<1024x1xf32>
    %sub3A = arith.constant 1.000000e+00 : f32
    %sub3A_5 = vector.broadcast %sub3A : f32 to vector<1024x1xf32>
    %sub3A_6 = arith.subf %add3A, %sub3A_5 : vector<1024x1xf32>
    %sqrt3A = math.sqrt %sub3A_6 : vector<1024x1xf32>
    %div3A = arith.constant 1.000000e+00 : f32
    %div3A_7 = vector.broadcast %div3A : f32 to vector<1024x1xf32>
    %div3A_8 = arith.divf %div3A_7, %sqrt3A : vector<1024x1xf32>
    %get3A_9 = arith.constant 0 : index
    %get3A_10 = arith.constant 0 : index
    %get3A_11 = vector.load %arg1[%get3A_9, %get3A_10] : memref<1024x128xf32, #tpu.memory_space<vmem>>, vector<1024x128xf32>
    %mul3A = vector.broadcast %div3A_8 : vector<1024x1xf32> to vector<1024x128xf32>
    %mul3A_12 = arith.mulf %get3A_11, %mul3A : vector<1024x128xf32>
    %swap3A = arith.constant 0 : index
    %swap3A_13 = arith.constant 0 : index
    %swap3A_14 = vector.load %arg4[%swap3A, %swap3A_13] : memref<1024x128xf32, #tpu.memory_space<vmem>>, vector<1024x128xf32>
    tpu.vector_store %arg4[%swap3A, %swap3A_13], %mul3A_12 {strides = array<i32>} : memref<1024x128xf32, #tpu.memory_space<vmem>>, vector<1024x128xf32>,
    %broadcast_in_dim3A = vector.shape_cast %div3A_8 : vector<1024x1xf32> to vector<1024x1xf32>
    %broadcast_in_dim3A_15 = vector.broadcast %broadcast_in_dim3A : vector<1024x1xf32> to vector<1024x8xf32>
    %swap3A_16 = arith.constant 0 : index
    %swap3A_17 = arith.constant 0 : index
    %swap3A_18 = vector.load %arg5[%swap3A_16, %swap3A_17] : memref<1024x8xf32, #tpu.memory_space<vmem>>, vector<1024x8xf32>
    tpu.vector_store %arg5[%swap3A_16, %swap3A_17], %broadcast_in_dim3A_15 {strides = array<i32>} : memref<1024x8xf32, #tpu.memory_space<vmem>>, vector<1024x8xf32>,
    return
  }
  func.func @transform_0(%arg0: i32) -> (i32, i32) {
    %c0_i32 = arith.constant 0 : i32
    %c0_i32_0 = arith.constant 0 : i32
    return %arg0, %c0_i32 : i32, i32
  }
  func.func @transform_1(%arg0: i32) -> (i32, i32) {
    %c0_i32 = arith.constant 0 : i32
    %c0_i32_0 = arith.constant 0 : i32
    return %arg0, %c0_i32 : i32, i32
  }
  func.func @transform_2(%arg0: i32) -> (i32, i32) {
    %add3A = arith.constant 10 : i32
    %add3A_0 = arith.addi %arg0, %add3A : i32
    %c0_i32 = arith.constant 0 : i32
    %c0_i32_1 = arith.constant 0 : i32
    return %add3A_0, %c0_i32 : i32, i32
  }
  func.func @transform_3(%arg0: i32) -> (i32, i32) {
    %c0_i32 = arith.constant 0 : i32
    %c0_i32_0 = arith.constant 0 : i32
    return %arg0, %c0_i32 : i32, i32
  }
  func.func @transform_4(%arg0: i32) -> (i32, i32) {
    %c0_i32 = arith.constant 0 : i32
    %c0_i32_0 = arith.constant 0 : i32
    return %arg0, %c0_i32 : i32, i32
  }
}

module attributes {stable_mosaic.version = 14 : i64} {
  func.func @body(%arg0: i32, %arg1: memref<1024x128xf32, #tpu.memory_space<vmem>>, %arg2: memref<1024x128xf32, #tpu.memory_space<vmem>>, %arg3: memref<1024x128xf32, #tpu.memory_space<vmem>>, %arg4: memref<1024x8xf32, #tpu.memory_space<vmem>>, %arg5: memref<128x256xf32, #tpu.memory_space<vmem>>, %arg6: memref<1x256xf32, #tpu.memory_space<vmem>>, %arg7: memref<1024x128xf32, #tpu.memory_space<vmem>>, %arg8: memref<1024x128xf32, #tpu.memory_space<vmem>>) attributes {dimension_semantics = [#tpu.dimension_semantics<arbitrary>], iteration_bounds = array<i64: 10>, scalar_prefetch = 0 : i64, scratch_operands = 0 : i64, tpu.core_type = #tpu.core_type<tc>, window_params = [{transform_indices = @transform_0, window_bounds = array<i64: 1024, 128>}, {transform_indices = @transform_1, window_bounds = array<i64: 1024, 128>}, {transform_indices = @transform_2, window_bounds = array<i64: 1024, 128>}, {transform_indices = @transform_3, window_bounds = array<i64: 1024, 8>}, {pipeline_mode = #tpu.pipeline_mode<synchronous>, transform_indices = @transform_4, window_bounds = array<i64: 128, 256>}, {pipeline_mode = #tpu.pipeline_mode<synchronous>, transform_indices = @transform_5, window_bounds = array<i64: 1, 256>}, {transform_indices = @transform_6, window_bounds = array<i64: 1024, 128>}, {transform_indices = @transform_7, window_bounds = array<i64: 1024, 128>}]} {
    %get3A = arith.constant 0 : index
    %get3A_0 = arith.constant 0 : index
    %get3A_1 = vector.load %arg4[%get3A, %get3A_0] : memref<1024x8xf32, #tpu.memory_space<vmem>>, vector<1024x1xf32>
    %get3A_2 = arith.constant 0 : index
    %get3A_3 = arith.constant 0 : index
    %get3A_4 = vector.load %arg1[%get3A_2, %get3A_3] : memref<1024x128xf32, #tpu.memory_space<vmem>>, vector<1024x128xf32>
    %get3A_5 = arith.constant 0 : index
    %get3A_6 = arith.constant 0 : index
    %get3A_7 = vector.load %arg2[%get3A_5, %get3A_6] : memref<1024x128xf32, #tpu.memory_space<vmem>>, vector<1024x128xf32>
    %add3A = arith.addf %get3A_4, %get3A_7 : vector<1024x128xf32>
    %get3A_8 = arith.constant 0 : index
    %get3A_9 = arith.constant 0 : index
    %get3A_10 = vector.load %arg3[%get3A_8, %get3A_9] : memref<1024x128xf32, #tpu.memory_space<vmem>>, vector<1024x128xf32>
    %sub3A = arith.subf %add3A, %get3A_10 : vector<1024x128xf32>
    %mul3A = vector.broadcast %get3A_1 : vector<1024x1xf32> to vector<1024x128xf32>
    %mul3A_11 = arith.mulf %mul3A, %sub3A : vector<1024x128xf32>
    %get3A_12 = arith.constant 0 : index
    %get3A_13 = arith.constant 0 : index
    %get3A_14 = vector.load %arg5[%get3A_12, %get3A_13] : memref<128x256xf32, #tpu.memory_space<vmem>>, vector<128x256xf32>
    %dot_general3A = arith.constant dense<0.000000e+00> : vector<1024x256xf32>
    %dot_general3A_15 = tpu.matmul %mul3A_11, %get3A_14, %dot_general3A {dimension_numbers = #tpu.dot_dimension_numbers<[1], [0], [0], [1], [0, 0, 1, 1], [], []>, transpose_lhs_hint = false} : vector<1024x128xf32>, vector<128x256xf32>, vector<1024x256xf32> -> vector<1024x256xf32>
    %get3A_16 = arith.constant 0 : index
    %get3A_17 = arith.constant 0 : index
    %get3A_18 = vector.load %arg6[%get3A_16, %get3A_17] : memref<1x256xf32, #tpu.memory_space<vmem>>, vector<1x256xf32>
    %add3A_19 = vector.broadcast %get3A_18 : vector<1x256xf32> to vector<1024x256xf32>
    %add3A_20 = arith.addf %dot_general3A_15, %add3A_19 : vector<1024x256xf32>
    %ge3A = arith.constant 0.000000e+00 : f32
    %ge3A_21 = vector.broadcast %ge3A : f32 to vector<1024x256xf32>
    %ge3A_22 = arith.cmpf oge, %add3A_20, %ge3A_21 : vector<1024x256xf32>
    %mul3A_23 = arith.constant 0.00999999977 : f32
    %mul3A_24 = vector.broadcast %mul3A_23 : f32 to vector<1024x256xf32>
    %mul3A_25 = arith.mulf %mul3A_24, %add3A_20 : vector<1024x256xf32>
    %select_n3A = arith.select %ge3A_22, %add3A_20, %mul3A_25 : vector<1024x256xi1>, vector<1024x256xf32>
    %slice3A = vector.extract_strided_slice %select_n3A {offsets = [0, 0], sizes = [1024, 128], strides = [1, 1]} : vector<1024x256xf32> to vector<1024x128xf32>
    %mul3A_26 = vector.broadcast %get3A_1 : vector<1024x1xf32> to vector<1024x128xf32>
    %mul3A_27 = arith.mulf %slice3A, %mul3A_26 : vector<1024x128xf32>
    %swap3A = arith.constant 0 : index
    %swap3A_28 = arith.constant 0 : index
    %swap3A_29 = vector.load %arg7[%swap3A, %swap3A_28] : memref<1024x128xf32, #tpu.memory_space<vmem>>, vector<1024x128xf32>
    tpu.vector_store %arg7[%swap3A, %swap3A_28], %mul3A_27 {strides = array<i32>} : memref<1024x128xf32, #tpu.memory_space<vmem>>, vector<1024x128xf32>,
    %slice3A_30 = vector.extract_strided_slice %select_n3A {offsets = [0, 128], sizes = [1024, 128], strides = [1, 1]} : vector<1024x256xf32> to vector<1024x128xf32>
    %mul3A_31 = vector.broadcast %get3A_1 : vector<1024x1xf32> to vector<1024x128xf32>
    %mul3A_32 = arith.mulf %slice3A_30, %mul3A_31 : vector<1024x128xf32>
    %swap3A_33 = arith.constant 0 : index
    %swap3A_34 = arith.constant 0 : index
    %swap3A_35 = vector.load %arg8[%swap3A_33, %swap3A_34] : memref<1024x128xf32, #tpu.memory_space<vmem>>, vector<1024x128xf32>
    tpu.vector_store %arg8[%swap3A_33, %swap3A_34], %mul3A_32 {strides = array<i32>} : memref<1024x128xf32, #tpu.memory_space<vmem>>, vector<1024x128xf32>,
    return
  }
  func.func @transform_0(%arg0: i32) -> (i32, i32) {
    %c0_i32 = arith.constant 0 : i32
    %c0_i32_0 = arith.constant 0 : i32
    return %arg0, %c0_i32 : i32, i32
  }
  func.func @transform_1(%arg0: i32) -> (i32, i32) {
    %add3A = arith.constant 10 : i32
    %add3A_0 = arith.addi %arg0, %add3A : i32
    %c0_i32 = arith.constant 0 : i32
    %c0_i32_1 = arith.constant 0 : i32
    return %add3A_0, %c0_i32 : i32, i32
  }
  func.func @transform_2(%arg0: i32) -> (i32, i32) {
    %c0_i32 = arith.constant 0 : i32
    %c0_i32_0 = arith.constant 0 : i32
    return %arg0, %c0_i32 : i32, i32
  }
  func.func @transform_3(%arg0: i32) -> (i32, i32) {
    %c0_i32 = arith.constant 0 : i32
    %c0_i32_0 = arith.constant 0 : i32
    return %arg0, %c0_i32 : i32, i32
  }
  func.func @transform_4(%arg0: i32) -> (i32, i32) {
    %c0_i32 = arith.constant 0 : i32
    %c0_i32_0 = arith.constant 0 : i32
    %c0_i32_1 = arith.constant 0 : i32
    return %c0_i32, %c0_i32_0 : i32, i32
  }
  func.func @transform_5(%arg0: i32) -> (i32, i32) {
    %c0_i32 = arith.constant 0 : i32
    %c0_i32_0 = arith.constant 0 : i32
    %c0_i32_1 = arith.constant 0 : i32
    return %c0_i32, %c0_i32_0 : i32, i32
  }
  func.func @transform_6(%arg0: i32) -> (i32, i32) {
    %c0_i32 = arith.constant 0 : i32
    %c0_i32_0 = arith.constant 0 : i32
    return %arg0, %c0_i32 : i32, i32
  }
  func.func @transform_7(%arg0: i32) -> (i32, i32) {
    %c0_i32 = arith.constant 0 : i32
    %c0_i32_0 = arith.constant 0 : i32
    return %arg0, %c0_i32 : i32, i32
  }
}

module attributes {stable_mosaic.version = 14 : i64} {
  func.func @body(%arg0: i32, %arg1: memref<1024x128xf32, #tpu.memory_space<vmem>>, %arg2: memref<1024x128xf32, #tpu.memory_space<vmem>>, %arg3: memref<1024x8xf32, #tpu.memory_space<vmem>>, %arg4: memref<256x128xf32, #tpu.memory_space<vmem>>, %arg5: memref<1x128xf32, #tpu.memory_space<vmem>>, %arg6: memref<256x128xf32, #tpu.memory_space<vmem>>, %arg7: memref<1x128xf32, #tpu.memory_space<vmem>>, %arg8: memref<1024x128xf32, #tpu.memory_space<vmem>>, %arg9: memref<1024x128xf32, #tpu.memory_space<vmem>>) attributes {dimension_semantics = [#tpu.dimension_semantics<arbitrary>], iteration_bounds = array<i64: 10>, scalar_prefetch = 0 : i64, scratch_operands = 0 : i64, tpu.core_type = #tpu.core_type<tc>, window_params = [{transform_indices = @transform_0, window_bounds = array<i64: 1024, 128>}, {transform_indices = @transform_1, window_bounds = array<i64: 1024, 128>}, {transform_indices = @transform_2, window_bounds = array<i64: 1024, 8>}, {pipeline_mode = #tpu.pipeline_mode<synchronous>, transform_indices = @transform_3, window_bounds = array<i64: 256, 128>}, {pipeline_mode = #tpu.pipeline_mode<synchronous>, transform_indices = @transform_4, window_bounds = array<i64: 1, 128>}, {pipeline_mode = #tpu.pipeline_mode<synchronous>, transform_indices = @transform_5, window_bounds = array<i64: 256, 128>}, {pipeline_mode = #tpu.pipeline_mode<synchronous>, transform_indices = @transform_6, window_bounds = array<i64: 1, 128>}, {transform_indices = @transform_7, window_bounds = array<i64: 1024, 128>}, {transform_indices = @transform_8, window_bounds = array<i64: 1024, 128>}]} {
    %get3A = arith.constant 0 : index
    %get3A_0 = arith.constant 0 : index
    %get3A_1 = vector.load %arg3[%get3A, %get3A_0] : memref<1024x8xf32, #tpu.memory_space<vmem>>, vector<1024x1xf32>
    %get3A_2 = arith.constant 0 : index
    %get3A_3 = arith.constant 0 : index
    %get3A_4 = vector.load %arg1[%get3A_2, %get3A_3] : memref<1024x128xf32, #tpu.memory_space<vmem>>, vector<1024x128xf32>
    %mul3A = vector.broadcast %get3A_1 : vector<1024x1xf32> to vector<1024x128xf32>
    %mul3A_5 = arith.mulf %mul3A, %get3A_4 : vector<1024x128xf32>
    %get3A_6 = arith.constant 0 : index
    %get3A_7 = arith.constant 0 : index
    %get3A_8 = vector.load %arg3[%get3A_6, %get3A_7] : memref<1024x8xf32, #tpu.memory_space<vmem>>, vector<1024x1xf32>
    %get3A_9 = arith.constant 0 : index
    %get3A_10 = arith.constant 0 : index
    %get3A_11 = vector.load %arg2[%get3A_9, %get3A_10] : memref<1024x128xf32, #tpu.memory_space<vmem>>, vector<1024x128xf32>
    %mul3A_12 = vector.broadcast %get3A_8 : vector<1024x1xf32> to vector<1024x128xf32>
    %mul3A_13 = arith.mulf %mul3A_12, %get3A_11 : vector<1024x128xf32>
    %get3A_14 = arith.constant 0 : index
    %get3A_15 = arith.constant 0 : index
    %get3A_16 = vector.load %arg4[%get3A_14, %get3A_15] : memref<256x128xf32, #tpu.memory_space<vmem>>, vector<128x128xf32>
    %dot_general3A = arith.constant dense<0.000000e+00> : vector<1024x128xf32>
    %dot_general3A_17 = tpu.matmul %mul3A_5, %get3A_16, %dot_general3A {dimension_numbers = #tpu.dot_dimension_numbers<[1], [0], [0], [1], [0, 0, 1, 1], [], []>, transpose_lhs_hint = false} : vector<1024x128xf32>, vector<128x128xf32>, vector<1024x128xf32> -> vector<1024x128xf32>
    %get3A_18 = arith.constant 128 : index
    %get3A_19 = arith.constant 0 : index
    %get3A_20 = vector.load %arg4[%get3A_18, %get3A_19] : memref<256x128xf32, #tpu.memory_space<vmem>>, vector<128x128xf32>
    %dot_general3A_21 = arith.constant dense<0.000000e+00> : vector<1024x128xf32>
    %dot_general3A_22 = tpu.matmul %mul3A_13, %get3A_20, %dot_general3A_21 {dimension_numbers = #tpu.dot_dimension_numbers<[1], [0], [0], [1], [0, 0, 1, 1], [], []>, transpose_lhs_hint = false} : vector<1024x128xf32>, vector<128x128xf32>, vector<1024x128xf32> -> vector<1024x128xf32>
    %add3A = arith.addf %dot_general3A_17, %dot_general3A_22 : vector<1024x128xf32>
    %get3A_23 = arith.constant 0 : index
    %get3A_24 = arith.constant 0 : index
    %get3A_25 = vector.load %arg5[%get3A_23, %get3A_24] : memref<1x128xf32, #tpu.memory_space<vmem>>, vector<1x128xf32>
    %add3A_26 = vector.broadcast %get3A_25 : vector<1x128xf32> to vector<1024x128xf32>
    %add3A_27 = arith.addf %add3A, %add3A_26 : vector<1024x128xf32>
    %swap3A = arith.constant 0 : index
    %swap3A_28 = arith.constant 0 : index
    %swap3A_29 = vector.load %arg8[%swap3A, %swap3A_28] : memref<1024x128xf32, #tpu.memory_space<vmem>>, vector<1024x128xf32>
    tpu.vector_store %arg8[%swap3A, %swap3A_28], %add3A_27 {strides = array<i32>} : memref<1024x128xf32, #tpu.memory_space<vmem>>, vector<1024x128xf32>,
    %get3A_30 = arith.constant 0 : index
    %get3A_31 = arith.constant 0 : index
    %get3A_32 = vector.load %arg6[%get3A_30, %get3A_31] : memref<256x128xf32, #tpu.memory_space<vmem>>, vector<128x128xf32>
    %dot_general3A_33 = arith.constant dense<0.000000e+00> : vector<1024x128xf32>
    %dot_general3A_34 = tpu.matmul %mul3A_5, %get3A_32, %dot_general3A_33 {dimension_numbers = #tpu.dot_dimension_numbers<[1], [0], [0], [1], [0, 0, 1, 1], [], []>, transpose_lhs_hint = false} : vector<1024x128xf32>, vector<128x128xf32>, vector<1024x128xf32> -> vector<1024x128xf32>
    %get3A_35 = arith.constant 128 : index
    %get3A_36 = arith.constant 0 : index
    %get3A_37 = vector.load %arg6[%get3A_35, %get3A_36] : memref<256x128xf32, #tpu.memory_space<vmem>>, vector<128x128xf32>
    %dot_general3A_38 = arith.constant dense<0.000000e+00> : vector<1024x128xf32>
    %dot_general3A_39 = tpu.matmul %mul3A_13, %get3A_37, %dot_general3A_38 {dimension_numbers = #tpu.dot_dimension_numbers<[1], [0], [0], [1], [0, 0, 1, 1], [], []>, transpose_lhs_hint = false} : vector<1024x128xf32>, vector<128x128xf32>, vector<1024x128xf32> -> vector<1024x128xf32>
    %add3A_40 = arith.addf %dot_general3A_34, %dot_general3A_39 : vector<1024x128xf32>
    %get3A_41 = arith.constant 0 : index
    %get3A_42 = arith.constant 0 : index
    %get3A_43 = vector.load %arg7[%get3A_41, %get3A_42] : memref<1x128xf32, #tpu.memory_space<vmem>>, vector<1x128xf32>
    %add3A_44 = vector.broadcast %get3A_43 : vector<1x128xf32> to vector<1024x128xf32>
    %add3A_45 = arith.addf %add3A_40, %add3A_44 : vector<1024x128xf32>
    %swap3A_46 = arith.constant 0 : index
    %swap3A_47 = arith.constant 0 : index
    %swap3A_48 = vector.load %arg9[%swap3A_46, %swap3A_47] : memref<1024x128xf32, #tpu.memory_space<vmem>>, vector<1024x128xf32>
    tpu.vector_store %arg9[%swap3A_46, %swap3A_47], %add3A_45 {strides = array<i32>} : memref<1024x128xf32, #tpu.memory_space<vmem>>, vector<1024x128xf32>,
    return
  }
  func.func @transform_0(%arg0: i32) -> (i32, i32) {
    %c0_i32 = arith.constant 0 : i32
    %c0_i32_0 = arith.constant 0 : i32
    return %arg0, %c0_i32 : i32, i32
  }
  func.func @transform_1(%arg0: i32) -> (i32, i32) {
    %add3A = arith.constant 10 : i32
    %add3A_0 = arith.addi %arg0, %add3A : i32
    %c0_i32 = arith.constant 0 : i32
    %c0_i32_1 = arith.constant 0 : i32
    return %add3A_0, %c0_i32 : i32, i32
  }
  func.func @transform_2(%arg0: i32) -> (i32, i32) {
    %c0_i32 = arith.constant 0 : i32
    %c0_i32_0 = arith.constant 0 : i32
    return %arg0, %c0_i32 : i32, i32
  }
  func.func @transform_3(%arg0: i32) -> (i32, i32) {
    %c0_i32 = arith.constant 0 : i32
    %c0_i32_0 = arith.constant 0 : i32
    %c0_i32_1 = arith.constant 0 : i32
    return %c0_i32, %c0_i32_0 : i32, i32
  }
  func.func @transform_4(%arg0: i32) -> (i32, i32) {
    %c0_i32 = arith.constant 0 : i32
    %c0_i32_0 = arith.constant 0 : i32
    %c0_i32_1 = arith.constant 0 : i32
    return %c0_i32, %c0_i32_0 : i32, i32
  }
  func.func @transform_5(%arg0: i32) -> (i32, i32) {
    %c0_i32 = arith.constant 0 : i32
    %c0_i32_0 = arith.constant 0 : i32
    %c0_i32_1 = arith.constant 0 : i32
    return %c0_i32, %c0_i32_0 : i32, i32
  }
  func.func @transform_6(%arg0: i32) -> (i32, i32) {
    %c0_i32 = arith.constant 0 : i32
    %c0_i32_0 = arith.constant 0 : i32
    %c0_i32_1 = arith.constant 0 : i32
    return %c0_i32, %c0_i32_0 : i32, i32
  }
  func.func @transform_7(%arg0: i32) -> (i32, i32) {
    %c0_i32 = arith.constant 0 : i32
    %c0_i32_0 = arith.constant 0 : i32
    return %arg0, %c0_i32 : i32, i32
  }
  func.func @transform_8(%arg0: i32) -> (i32, i32) {
    %c0_i32 = arith.constant 0 : i32
    %c0_i32_0 = arith.constant 0 : i32
    return %arg0, %c0_i32 : i32, i32
  }
}

</mosaic_0001>

<sc_bundles>
// kernel: kernel.11.cloned.1.call-start
scs
__scs_entry_jumppad:
0x0: {  	(pc) =	sbr.rel $0x88, $3  }
0x1: {  	(tag) =	ssettag $0x0;
	lr =	simm.s32 $0x1  }
0x2: {  	[smem:$0x3F99] =	sst lr;
	_ =	strace $0xD0000000  }
0x3: {  	_ = 	snop  }
0x4: {  	_ = 	snop  }
0x5: {  	_ = 	snop  }
0x6: {  	_ = 	snop  }
0x7: {  	_ = 	snop  }
__scs_overlays_trampoline_lowered:
0x8: {  	[smem:$0x3FA8] =	sst s0  }
0x9: {  	[smem:$0x3FA9] =	sst s1  }
0xa: {  	[smem:$0x3FAA] =	sst s2  }
0xb: {  	[smem:$0x3FAB] =	sst s3  }
0xc: {  	[smem:$0x3FAC] =	sst s4  }
0xd: {  	[smem:$0x3FAD] =	sst s5  }
0xe: {  	[smem:$0x3FAE] =	sst s6  }
0xf: {  	[smem:$0x3FAF] =	sst s7  }
0x10: {  	[smem:$0x3FB0] =	sst s8  }
0x11: {  	[smem:$0x3FB1] =	sst s9;
	s0 =	simm.s32 @!p0 $0x0  }
0x12: {  	s1 =	sld [smem:$0x3F97];
	s0 =	simm.s32 @p0 $0x1  }
0x13: {  	[smem:$0x3FB2] =	sst s0;
	s0 =	simm.s32 @!p1 $0x0  }
0x14: {  	s2 =	sld [smem:$0x3F96];
	s0 =	simm.s32 @p1 $0x1  }
0x15: {  	[smem:$0x3FB3] =	sst s0;
	s0 =	simm.s32 @!p2 $0x0  }
0x16: {  	s3 =	sld [smem:$0x3FDB];
	s0 =	simm.s32 @p2 $0x1  }
0x17: {  	s4 =	simm.s32 $0x1BF5;
	[smem:$0x3FB5] =	sst s0  }
0x18: {  	s0 =	sld [smem:$0x3F98];
	_ =	swait.ge [sflag:s4], $0x0  }
0x19: {  	s7 =	sld [smem:$0x3F99]  }
0x1a: {  	s8 =	sadd.s32 $0xFFFFE003, lr  }
0x1b: {  	s9 =	sadd.s32 $0xFFFFFEF7, lr;
	s5 =	simm.s32 $0xFFFFFFFF;
	p2 =	slt.u32 s8, $0xFFFFF086  }
0x1c: {  	p1 =	slt.u32 s9, $0xF7A;
	s5 =	simm.s32 @!p2 $0x0  }
0x1d: {  	s5 =	simm.s32 @p1 $0x1;
	p0 =	seq.s32 s7, s2  }
0x1e: {  	s7 =	smul.u32 @!p0 $0xF7A, s2;
	p2 =	seq.s32 @!p0 s5, $0x0  }
0x1f: {  	s9 =	smul.u32 $0xF7A, s1;
	s8 =	simm.s32 @!p0 $0x1BF5;
	p2 =	por !p2, p0  }
0x20: {  	[sflag:s8] =	ssyncset.s32 @!p0 $0xFFFFF086;
	s6 =	sadd.s32 @!p0 s3, s7;
	s7 =	simm.s32 @!p0 $0x108  }
0x21: {  	s3 =	sadd.s32 s3, s9;
	s6 =	sadd.s32 @!p0 $0x88, s6;
	s7 =	simm.s32 @p2 $0x1082  }
0x22: {  	[simem:s7], [sflag:s8] =	dma.local @!p0 [hbm:s6], $0xF7A  }
0x23: {  	s9 =	sor.u32 $0xD0000000, s2;
	s6 =	simm.s32 $0x108;
	_ =	swait.ge @!p0 [sflag:s8], $0x0  }
0x24: {  	s3 =	sadd.s32 $0x88, s3;
	s6 =	simm.s32 @!p1 $0x1082;
	[sflag:s4] =	ssyncset.s32 $0xFFFFF086  }
0x25: {  	[simem:s6], [sflag:s4] =	dma.local [hbm:s3], $0xF7A  }
0x26: {  	[smem:$0x3F99] =	sst s1;
	(tag) =	ssettag s2;
	_ =	strace s9  }
0x27: {  	s1 =	sld [smem:$0x3FA9]  }
0x28: {  	s2 =	sld [smem:$0x3FAA]  }
0x29: {  	s4 =	sld [smem:$0x3FAC]  }
0x2a: {  	p0 =	seq.s32 s5, $0x0;
	s5 =	sld [smem:$0x3FAD]  }
0x2b: {  	s6 =	sld [smem:$0x3FAE]  }
0x2c: {  	s7 =	sld [smem:$0x3FAF]  }
0x2d: {  	s3 =	simm.s32 $0x108;
	s8 =	sld [smem:$0x3FB0]  }
0x2e: {  	s3 =	simm.s32 @!p0 $0x1082;
	s9 =	sld [smem:$0x3FB1]  }
0x2f: {  	lr =	sadd.s32 s0, s3;
	s0 =	sld [smem:$0x3FA8]  }
0x30: {  	s3 =	sld [smem:$0x3FAB]  }
0x31: {  	[smem:$0x3FB4] =	sst s10  }
0x32: {  	s10 =	sld [smem:$0x3FB2];
	_ =	sdelay $0x3  }
0x33: {  	p0 =	seq.s32 s10, $0x1;
	s10 =	sld [smem:$0x3FB4];
	_ =	sdelay $0x3  }
0x34: {  	[smem:$0x3FB4] =	sst s10  }
0x35: {  	s10 =	sld [smem:$0x3FB3];
	_ =	sdelay $0x3  }
0x36: {  	p1 =	seq.s32 s10, $0x1;
	s10 =	sld [smem:$0x3FB4];
	_ =	sdelay $0x3  }
0x37: {  	[smem:$0x3FB4] =	sst s10  }
0x38: {  	s10 =	sld [smem:$0x3FB5]  }
0x39: {  	_ = 	snop;
	(pc) =	sbr.ind lr, $3  }
0x3a: {  	_ = 	snop  }
0x3b: {  	_ = 	snop  }
0x3c: {  	p2 =	seq.s32 s10, $0x1;
	s10 =	sld [smem:$0x3FB4]  }
0x3d: {  	_ =	shalt  }
0x3e: {  	_ =	shalt  }
0x3f: {  	_ =	shalt  }
0x40: {  	_ =	shalt  }
0x41: {  	_ =	shalt  }
0x42: {  	_ =	shalt  }
0x43: {  	_ =	shalt  }
0x44: {  	_ =	shalt  }
0x45: {  	_ =	shalt  }
0x46: {  	_ =	shalt  }
0x47: {  	_ =	shalt  }
0x48: {  	_ =	shalt  }
0x49: {  	_ =	shalt  }
0x4a: {  	_ =	shalt  }
0x4b: {  	_ =	shalt  }
0x4c: {  	_ =	shalt  }
0x4d: {  	_ =	shalt  }
0x4e: {  	_ =	shalt  }
0x4f: {  	_ =	shalt  }
0x50: {  	_ =	shalt  }
0x51: {  	_ =	shalt  }
0x52: {  	_ =	shalt  }
0x53: {  	_ =	shalt  }
0x54: {  	_ =	shalt  }
0x55: {  	_ =	shalt  }
0x56: {  	_ =	shalt  }
0x57: {  	_ =	shalt  }
0x58: {  	_ =	shalt  }
0x59: {  	_ =	shalt  }
0x5a: {  	_ =	shalt  }
0x5b: {  	_ =	shalt  }
0x5c: {  	_ =	shalt  }
0x5d: {  	_ =	shalt  }
0x5e: {  	_ =	shalt  }
0x5f: {  	_ =	shalt  }
0x60: {  	_ =	shalt  }
0x61: {  	_ =	shalt  }
0x62: {  	_ =	shalt  }
0x63: {  	_ =	shalt  }
0x64: {  	_ =	shalt  }
0x65: {  	_ =	shalt  }
0x66: {  	_ =	shalt  }
0x67: {  	_ =	shalt  }
0x68: {  	_ =	shalt  }
0x69: {  	_ =	shalt  }
0x6a: {  	_ =	shalt  }
0x6b: {  	_ =	shalt  }
0x6c: {  	_ =	shalt  }
0x6d: {  	_ =	shalt  }
0x6e: {  	_ =	shalt  }
0x6f: {  	_ =	shalt  }
0x70: {  	_ =	shalt  }
0x71: {  	_ =	shalt  }
0x72: {  	_ =	shalt  }
0x73: {  	_ =	shalt  }
0x74: {  	_ =	shalt  }
0x75: {  	_ =	shalt  }
0x76: {  	_ =	shalt  }
0x77: {  	_ =	shalt  }
0x78: {  	_ =	shalt  }
0x79: {  	_ =	shalt  }
0x7a: {  	_ =	shalt  }
0x7b: {  	_ =	shalt  }
0x7c: {  	_ =	shalt  }
0x7d: {  	_ =	shalt  }
0x7e: {  	_ =	shalt  }
0x7f: {  	_ =	shalt  }
0x80: {  	_ =	shalt  }
0x81: {  	_ =	shalt  }
0x82: {  	_ =	shalt  }
0x83: {  	_ =	shalt  }
0x84: {  	_ =	shalt  }
0x85: {  	_ =	shalt  }
0x86: {  	_ =	shalt  }
0x87: {  	_ =	shalt  }
.Lfunc_end0:
.L_simem_size_0:
called_computation.1_lowered:
.L_overlay_start_0:
0x88: {  	s2 =	sld [smem:$0x3FD9]  }
0x89: {  	s3 =	sld [smem:$0x3FFE];
	_ =	sdelay $0x1  }
0x8a: {  	s1 =	srdreg.scid  }
0x8b: {  	s0 =	sand.u32 $0x1, s1  }
0x8c: {  	s14 =	sshll.u32 s0, $0xA;
	s2 =	sadd.s32 s3, s2  }
0x8d: {  	s2 =	sadd.s32 s2, s14  }
0x8e: {  	[smem:$0x3FC0] =	sst s2  }
0x8f: {  	_ = 	snop  }
0x90: {  	s2 =	sld [smem:$0x3FD0];
	_ =	sdelay $0x2  }
0x91: {  	s15 =	simm.s32 $0xA;
	s4 =	simm.s32 $0x10  }
0x92: {  	[smem:s4], [sflag:s15] =	dma.local [hbm:s2], $0x1  }
0x93: {  	_ =	swait.eq [sflag:s15], $0x1  }
0x94: {  	[sflag:s15] =	ssyncset.done $0x0  }
0x95: {  	s16 =	sld [smem:$0x10];
	[sflag:s15] =	ssyncadd.s32 $0xFFFFFFFF  }
0x96: {  	s17 =	sld [smem:$0x11];
	(tm) =	ssettm $0x1  }
0x97: {  	s18 =	sld [smem:$0x3FFB];
	_ =	sdelay $0x3  }
0x98: {  	_ =	strace s18  }
0x99: {  	s4 =	sld [smem:$0x3FFC];
	_ =	sdelay $0x3  }
0x9a: {  	_ =	strace s4  }
0x9b: {  	s4 =	sld [smem:$0x3FFD];
	_ =	sdelay $0x3  }
0x9c: {  	_ =	strace s4  }
0x9d: {  	_ =	strace $0x8FFFFFFF  }
0x9e: {  	s19 =	sld [smem:$0x3FDB];
	_ =	sdelay $0x1  }
0x9f: {  	s5 =	simm.s32 $_scs_section_size  }
0xa0: {  	s6 =	simm.s32 $_size__tile_overlayer_lowered;
	s7 =	simm.s32 $_tile_overlayer_lowered  }
0xa1: {  	s22 =	simm.s32 $0x1BFF;
	s21 =	sshll.u32 s7, $0x1;
	s4 =	sadd.s32 s5, s19  }
0xa2: {  	s8 =	simm.s32 $0x0;
	s20 =	sshll.u32 s6, $0x1;
	s6 =	sadd.s32 s21, s4  }
0xa3: {  	[timem:s8], [sflag:s22] =	dma.local [hbm:s6], s20  }
0xa4: {  	_ =	swait.ge [sflag:s22], s20  }
0xa5: {  	s5 =	ssub.s32 $0x0, s20;
	[sflag:s22] =	ssyncset.done $0x0  }
0xa6: {  	[sflag:s22] =	ssyncadd.s32 s5;
	_ =	sdelay $0x1  }
0xa7: {  	s23 =	simm.s32 $0x1B8B  }
0xa8: {  	_ =	swait.ge [sflag:s23], $0x1  }
0xa9: {  	[sflag:s23] =	ssyncset.done $0x0  }
0xaa: {  	s25 =	simm.s32 $0x1B8E;
	s24 =	sld [smem:$0x3FFE];
	[sflag:s23] =	ssyncadd.s32 $0xFFFFFFFF  }
0xab: {  	s26 =	simm.s32 $execute0_lowered;
	[smem:$0x3FD2] =	sst s25  }
0xac: {  	s6 =	sshll.u32 s26, $0x1;
	_ =	strace $0x80000049;
	[dreg:$0x1] =	wrdreg $0xFFFFFFFF  }
0xad: {  	s28 =	simm.s32 $_size_execute0_lowered;
	s4 =	sadd.s32 s4, s6;
	[dreg:$0x0] =	wrdreg $0x0  }
0xae: {  	s6 =	sshll.u32 s28, $0x1;
	[dreg:$0x2] =	wrdreg s4  }
0xaf: {  	[dreg:$0x3] =	wrdreg s6  }
0xb0: {  	[dreg:$0x4] =	wrdreg $0xC0  }
0xb1: {  	_ =	task [dreg:s8], $0x5FFFF  }
0xb2: {  	[dreg:$0x1] =	wrdreg $0xFFFFFFFF  }
0xb3: {  	[dreg:$0x0] =	wrdreg $0x60  }
0xb4: {  	[dreg:$0x2] =	wrdreg s24  }
0xb5: {  	[dreg:$0x3] =	wrdreg s16  }
0xb6: {  	[dreg:$0x4] =	wrdreg s17  }
0xb7: {  	[dreg:$0x5] =	wrdreg $0xA8000  }
0xb8: {  	[dreg:$0x6] =	wrdreg $0x9  }
0xb9: {  	_ =	task.clear_ibuf [dreg:s8], $0x7FFFF;
	_ =	strace $0x90000049  }
0xba: {  	s29 =	simm.s32 $0x9;
	_ =	strace $0x8000004B  }
0xbb: {  	_ =	swait.ge [sflag:s29], $0x1  }
0xbc: {  	[sflag:s29] =	ssyncadd.s32 $0xFFFFFFFF  }
0xbd: {  	_ =	strace $0x9000004B  }
0xbe: {  	_ =	sfence  }
0xbf: {  	s30 =	sld [smem:$0x0];
	_ =	sdelay $0x2  }
0xc0: {  	s31 =	sshll.u32 s1, $0xD;
	s1 =	sshrl.u32 s1, $0x2  }
0xc1: {  	s3 =	sand.u32 $0x4000, s31;
	s1 =	sadd.s32 s1, s30  }
0xc2: {  	s0 =	sor.u32 s3, s0;
	s1 =	sshll.u32 s1, $0x11  }
0xc3: {  	s0 =	sor.u32 s1, s0  }
0xc4: {  	s0 =	sadd.s32 $0x8F2B, s0  }
0xc5: {  	[sflag:s0] =	ssyncadd.remote.s32 $0x1  }
0xc6: {  	_ =	sfence.sel $0xFFFF  }
0xc7: {  	[dreg:$0x0] =	wrdreg $0xFFFFFFFF;
	(pc) =	sbr.abs _section_cstart, $3  }
0xc8: {  	[dreg:$0x1] =	wrdreg $0xFFFFFFFF  }
0xc9: {  	_ =	task.clear_ibuf [dreg:s8], $0x2FFFF;
	_ =	strace $0x9FFFFFFF  }
0xca: {  	(tm) =	ssettm $0x7FFFFFFF  }
0xcb: {  	_ =	shalt  }
tec
execute0_lowered:
.L_overlay_start_1:
0x0: {  	(tag) =	ssettag $0x1  }
0x1: {  	s5 =	rddreg [dreg:$0x0]  }
0x2: {  	s9 =	rddreg [dreg:$0x1]  }
0x3: {  	s10 =	rddreg [dreg:$0x2]  }
0x4: {  	s2 =	rddreg [dreg:$0x3]  }
0x5: {  	s0 =	rddreg [dreg:$0x4]  }
0x6: {  	s4 =	srdreg.scid;
	s1 =	stileid.u32;
	s3 =	simm.s32 $0x0  }
0x7: {  	s16 =	simm.s32 $0x7D;
	s17 =	simm.s32 $0x2800;
	s18 =	simm.s32 $0x80  }
0x8: {  	s19 =	simm.s32 $0x6800;
	s20 =	simm.s32 $0x1;
	s21 =	simm.s32 $0x2  }
0x9: {  	s22 =	simm.s32 $0x3;
	s23 =	simm.s32 $0x4;
	s7 =	smul.u32 $0x2800, s1  }
0xa: {  	s24 =	simm.s32 $0x2700;
	s25 =	simm.s32 $0x2780;
	s12 =	smul.u32 $0x50000, s1  }
0xb: {  	s26 =	simm.s32 $0x0;
	s6 =	sand.u32 $0x1, s4;
	s14 =	smul.u32 $0x50, s1  }
0xc: {  	[smem:$0x7FF] =	sst s3;
	s4 =	sadd.s32 $0x2600, s5;
	s8 =	smul.u32 $0x28000, s6  }
0xd: {  	s31 =	sshll.u32 s1, $0x6;
	s11 =	smul.u32 $0x500, s6;
	s6 =	ssub.s32 $0x2, s6  }
0xe: {  	_ =	strace $0x8000004A;
	s13 =	sshrl.u32 s6, $0x1;
	s28 =	sshrl.u32 s12, $0x2  }
0xf: {  	s8 =	sadd.s32 s7, s8;
	s13 =	ssub.s32 s6, s13;
	s29 =	sadd.s32 s14, s11  }
0x10: {  	s30 =	sadd.s32 s28, s2;
	s6 =	sor.u32 $0x1C05, s31;
	s14 =	simm.s32 $0x5  }
0x11: {  	s15 =	sadd.s32 s8, s5;
	s5 =	sadd.s32 s4, s7;
	s11 =	sshll.u32 s29, $0x4  }
0x12: {  	s7 =	sadd.s32 s9, s11;
	s8 =	sadd.s32 s10, s11;
	s11 =	sadd.s32 $0x280, s11  }
0x13: {  	s12 =	smax.u32 s13, $0x1;
	s13 =	sshrl.u32 s30, $0x3;
	s9 =	sadd.s32 s9, s11  }
0x14: {  	s10 =	sadd.s32 s10, s11;
	s11 =	sadd.s32 $0x2A600, s15;
	s15 =	simm.s32 $0x1400  }
.LBB2_1:
0x15: {  	[spmem:s13], [sflag:s6] =	dma.local [hbm:s5], $0x2800  }
0x16: {  	_ =	swait.ge [sflag:s14], $0x2800  }
0x17: {  	[sflag:s14] =	ssyncset.done $0x0  }
0x18: {  	[sflag:s14] =	ssyncadd.s32 $0xFFFFD800  }
0x19: {  	[bflag:$0x0] =	sbarrier.arrive $0xFFFF  }
0x1a: {  	[tilespmem:s3], [sflag:$0x5] =	stream.linear.gather [hbm4b:s7+s3], $0x1400, $0x38;
	[tilespmem:$0x1E800] =	vst v63  }
0x1b: {  	_ =	swait.ge [sflag:s14], $0x1400  }
0x1c: {  	[sflag:s14] =	ssyncset.done $0x0  }
0x1d: {  	[sflag:s14] =	ssyncadd.s32 $0xFFFFEC00  }
0x1e: {  	[tilespmem:s15], [sflag:$0x5] =	stream.linear.gather [hbm4b:s8+s3], $0x1400, $0x38;
	[tilespmem:$0x1E800] =	vst v63  }
0x1f: {  	_ =	swait.ge [sflag:s14], $0x1400  }
0x20: {  	[sflag:s14] =	ssyncset.done $0x0  }
0x21: {  	[sflag:s14] =	ssyncadd.s32 $0xFFFFEC00  }
0x22: {  	[tilespmem:s17], [sflag:$0x1] =	stream.indirect.gather [hbm4b:s4+s16], $0x80, s3, s16, $0xb8;
	[tilespmem:$0x1E800] =	vst v63  }
0x23: {  	_ = 	snop  }
0x24: {  	[tilespmem:s19], [sflag:$0x2] =	stream.indirect.gather [hbm4b:s4+s16], $0x80, s18, s16, $0xb8;
	[tilespmem:$0x1E800] =	vst v63  }
0x25: {  	_ =	swait.ge [sflag:s20], $0x3E80  }
0x26: {  	[sflag:s20] =	ssyncset.done $0x0  }
0x27: {  	s28 =	simm.s32 $0x1400;
	[sflag:s20] =	ssyncadd.s32 $0xFFFFC180  }
0x28: {  	[spmem:s2] =	stream.indirect.scatter.add.f32 [tilespmem:s17], [sflag:$0x3], $0x80, s28, s16, $0xb8;
	[tilespmem:$0x1E800] =	vst v63  }
0x29: {  	_ =	swait.ge [sflag:s21], $0x3E80  }
0x2a: {  	[sflag:s21] =	ssyncset.done $0x0  }
0x2b: {  	s28 =	simm.s32 $0x1480;
	[sflag:s21] =	ssyncadd.s32 $0xFFFFC180  }
0x2c: {  	[spmem:s2] =	stream.indirect.scatter.add.f32 [tilespmem:s19], [sflag:$0x4], $0x80, s28, s16, $0xb8;
	[tilespmem:$0x1E800] =	vst v63  }
0x2d: {  	_ =	swait.ge [sflag:s22], $0x3E80  }
0x2e: {  	[sflag:s22] =	ssyncset.done $0x0  }
0x2f: {  	s28 =	simm.s32 $0x100;
	[sflag:s22] =	ssyncadd.s32 $0xFFFFC180  }
0x30: {  	[tilespmem:s17], [sflag:$0x1] =	stream.indirect.gather [hbm4b:s4+s16], $0x80, s28, s16, $0xb8;
	[tilespmem:$0x1E800] =	vst v63  }
0x31: {  	_ =	swait.ge [sflag:s23], $0x3E80  }
0x32: {  	[sflag:s23] =	ssyncset.done $0x0  }
0x33: {  	s29 =	simm.s32 $0x180;
	s28 =	simm.s32 $0x400;
	[sflag:s23] =	ssyncadd.s32 $0xFFFFC180  }
.LBB2_2:
0x34: {  	[tilespmem:s19], [sflag:$0x2] =	stream.indirect.gather [hbm4b:s4+s16], $0x80, s29, s16, $0xb8;
	[tilespmem:$0x1E800] =	vst v63  }
0x35: {  	s29 =	smov.u32 s28  }
0x36: {  	p0 =	sne.s32 s28, $0x4800;
	s28 =	sadd.s32 $0x400, s28;
	_ =	swait.ge [sflag:s20], $0x3E80  }
0x37: {  	s29 =	sshra.s32 s29, $0x2;
	[sflag:s20] =	ssyncset.done $0x0  }
0x38: {  	s30 =	sadd.s32 $0x1400, s29;
	[sflag:s20] =	ssyncadd.s32 $0xFFFFC180  }
0x39: {  	[spmem:s2] =	stream.indirect.scatter.add.f32 [tilespmem:s17], [sflag:$0x3], $0x80, s30, s16, $0xb8;
	[tilespmem:$0x1E800] =	vst v63  }
0x3a: {  	_ =	swait.ge [sflag:s21], $0x3E80  }
0x3b: {  	[sflag:s21] =	ssyncset.done $0x0  }
0x3c: {  	s30 =	sadd.s32 $0x1480, s29;
	[sflag:s21] =	ssyncadd.s32 $0xFFFFC180  }
0x3d: {  	[spmem:s2] =	stream.indirect.scatter.add.f32 [tilespmem:s19], [sflag:$0x4], $0x80, s30, s16, $0xb8;
	[tilespmem:$0x1E800] =	vst v63  }
0x3e: {  	_ =	swait.ge [sflag:s22], $0x3E80  }
0x3f: {  	[sflag:s22] =	ssyncset.done $0x0  }
.Ltmp0:
0x40: {  	s30 =	sadd.s32 $0x100, s29;
	[sflag:s22] =	ssyncadd.s32 $0xFFFFC180;
	(pc) =	sbr.rel @p0 .LBB2_2-.Ltmp0, $4  }
0x41: {  	[tilespmem:s17], [sflag:$0x1] =	stream.indirect.gather [hbm4b:s4+s16], $0x80, s30, s16, $0xb8;
	[tilespmem:$0x1E800] =	vst v63  }
0x42: {  	_ =	swait.ge [sflag:s23], $0x3E80  }
0x43: {  	[sflag:s23] =	ssyncset.done $0x0  }
0x44: {  	s29 =	sadd.s32 $0x180, s29;
	[sflag:s23] =	ssyncadd.s32 $0xFFFFC180  }
0x45: {  	[tilespmem:s19], [sflag:$0x2] =	stream.indirect.gather [hbm4b:s4+s16], $0x80, s29, s16, $0xb8;
	[tilespmem:$0x1E800] =	vst v63  }
0x46: {  	_ =	swait.ge [sflag:s20], $0x3E80  }
0x47: {  	[sflag:s20] =	ssyncset.done $0x0  }
0x48: {  	[sflag:s20] =	ssyncadd.s32 $0xFFFFC180  }
0x49: {  	[spmem:s2] =	stream.indirect.scatter.add.f32 [tilespmem:s17], [sflag:$0x3], $0x80, s24, s16, $0xb8;
	[tilespmem:$0x1E800] =	vst v63  }
0x4a: {  	_ =	swait.ge [sflag:s21], $0x3E80  }
0x4b: {  	[sflag:s21] =	ssyncset.done $0x0  }
0x4c: {  	[sflag:s21] =	ssyncadd.s32 $0xFFFFC180  }
0x4d: {  	[spmem:s2] =	stream.indirect.scatter.add.f32 [tilespmem:s19], [sflag:$0x4], $0x80, s25, s16, $0xb8;
	[tilespmem:$0x1E800] =	vst v63  }
0x4e: {  	_ =	swait.ge [sflag:s22], $0x3E80  }
0x4f: {  	[sflag:s22] =	ssyncset.done $0x0  }
0x50: {  	[sflag:s22] =	ssyncadd.s32 $0xFFFFC180  }
0x51: {  	_ =	swait.ge [sflag:s23], $0x3E80  }
0x52: {  	[sflag:s23] =	ssyncset.done $0x0  }
0x53: {  	s28 =	simm.s32 $0x0;
	[sflag:s23] =	ssyncadd.s32 $0xFFFFC180  }
0x54: {  	[tilespmem:s28], [sflag:$0x5] =	stream.linear.gather [hbm4b:s9+s28], $0x1400, $0x38;
	[tilespmem:$0x1E800] =	vst v63  }
0x55: {  	_ =	swait.ge [sflag:s14], $0x1400  }
0x56: {  	[sflag:s14] =	ssyncset.done $0x0  }
0x57: {  	[sflag:s14] =	ssyncadd.s32 $0xFFFFEC00  }
0x58: {  	[tilespmem:s15], [sflag:$0x5] =	stream.linear.gather [hbm4b:s10+s28], $0x1400, $0x38;
	[tilespmem:$0x1E800] =	vst v63  }
0x59: {  	_ =	swait.ge [sflag:s14], $0x1400  }
0x5a: {  	[sflag:s14] =	ssyncset.done $0x0  }
0x5b: {  	[sflag:s14] =	ssyncadd.s32 $0xFFFFEC00  }
0x5c: {  	[tilespmem:s17], [sflag:$0x1] =	stream.indirect.gather [hbm4b:s4+s16], $0x80, s28, s16, $0xb8;
	[tilespmem:$0x1E800] =	vst v63  }
0x5d: {  	_ = 	snop  }
0x5e: {  	[tilespmem:s19], [sflag:$0x2] =	stream.indirect.gather [hbm4b:s4+s16], $0x80, s18, s16, $0xb8;
	[tilespmem:$0x1E800] =	vst v63  }
0x5f: {  	_ =	swait.ge [sflag:s20], $0x3E80  }
0x60: {  	[sflag:s20] =	ssyncset.done $0x0  }
0x61: {  	s28 =	simm.s32 $0x1400;
	[sflag:s20] =	ssyncadd.s32 $0xFFFFC180  }
0x62: {  	[spmem:s2] =	stream.indirect.scatter.add.f32 [tilespmem:s17], [sflag:$0x3], $0x80, s28, s16, $0xb8;
	[tilespmem:$0x1E800] =	vst v63  }
0x63: {  	_ =	swait.ge [sflag:s21], $0x3E80  }
0x64: {  	[sflag:s21] =	ssyncset.done $0x0  }
0x65: {  	s28 =	simm.s32 $0x1480;
	[sflag:s21] =	ssyncadd.s32 $0xFFFFC180  }
0x66: {  	[spmem:s2] =	stream.indirect.scatter.add.f32 [tilespmem:s19], [sflag:$0x4], $0x80, s28, s16, $0xb8;
	[tilespmem:$0x1E800] =	vst v63  }
0x67: {  	_ =	swait.ge [sflag:s22], $0x3E80  }
0x68: {  	[sflag:s22] =	ssyncset.done $0x0  }
0x69: {  	s28 =	simm.s32 $0x100;
	[sflag:s22] =	ssyncadd.s32 $0xFFFFC180  }
0x6a: {  	[tilespmem:s17], [sflag:$0x1] =	stream.indirect.gather [hbm4b:s4+s16], $0x80, s28, s16, $0xb8;
	[tilespmem:$0x1E800] =	vst v63  }
0x6b: {  	_ =	swait.ge [sflag:s23], $0x3E80  }
0x6c: {  	[sflag:s23] =	ssyncset.done $0x0  }
0x6d: {  	s29 =	simm.s32 $0x180;
	s28 =	simm.s32 $0x400;
	[sflag:s23] =	ssyncadd.s32 $0xFFFFC180  }
.LBB2_4:
0x6e: {  	[tilespmem:s19], [sflag:$0x2] =	stream.indirect.gather [hbm4b:s4+s16], $0x80, s29, s16, $0xb8;
	[tilespmem:$0x1E800] =	vst v63  }
0x6f: {  	s29 =	smov.u32 s28  }
0x70: {  	p0 =	sne.s32 s28, $0x4800;
	s28 =	sadd.s32 $0x400, s28;
	_ =	swait.ge [sflag:s20], $0x3E80  }
0x71: {  	s29 =	sshra.s32 s29, $0x2;
	[sflag:s20] =	ssyncset.done $0x0  }
0x72: {  	s30 =	sadd.s32 $0x1400, s29;
	[sflag:s20] =	ssyncadd.s32 $0xFFFFC180  }
0x73: {  	[spmem:s2] =	stream.indirect.scatter.add.f32 [tilespmem:s17], [sflag:$0x3], $0x80, s30, s16, $0xb8;
	[tilespmem:$0x1E800] =	vst v63  }
0x74: {  	_ =	swait.ge [sflag:s21], $0x3E80  }
0x75: {  	[sflag:s21] =	ssyncset.done $0x0  }
0x76: {  	s30 =	sadd.s32 $0x1480, s29;
	[sflag:s21] =	ssyncadd.s32 $0xFFFFC180  }
0x77: {  	[spmem:s2] =	stream.indirect.scatter.add.f32 [tilespmem:s19], [sflag:$0x4], $0x80, s30, s16, $0xb8;
	[tilespmem:$0x1E800] =	vst v63  }
0x78: {  	_ =	swait.ge [sflag:s22], $0x3E80  }
0x79: {  	[sflag:s22] =	ssyncset.done $0x0  }
.Ltmp1:
0x7a: {  	s30 =	sadd.s32 $0x100, s29;
	[sflag:s22] =	ssyncadd.s32 $0xFFFFC180;
	(pc) =	sbr.rel @p0 .LBB2_4-.Ltmp1, $4  }
0x7b: {  	[tilespmem:s17], [sflag:$0x1] =	stream.indirect.gather [hbm4b:s4+s16], $0x80, s30, s16, $0xb8;
	[tilespmem:$0x1E800] =	vst v63  }
0x7c: {  	_ =	swait.ge [sflag:s23], $0x3E80  }
0x7d: {  	[sflag:s23] =	ssyncset.done $0x0  }
0x7e: {  	s29 =	sadd.s32 $0x180, s29;
	[sflag:s23] =	ssyncadd.s32 $0xFFFFC180  }
0x7f: {  	[tilespmem:s19], [sflag:$0x2] =	stream.indirect.gather [hbm4b:s4+s16], $0x80, s29, s16, $0xb8;
	[tilespmem:$0x1E800] =	vst v63  }
0x80: {  	_ =	swait.ge [sflag:s20], $0x3E80  }
0x81: {  	[sflag:s20] =	ssyncset.done $0x0  }
0x82: {  	[sflag:s20] =	ssyncadd.s32 $0xFFFFC180  }
0x83: {  	[spmem:s2] =	stream.indirect.scatter.add.f32 [tilespmem:s17], [sflag:$0x3], $0x80, s24, s16, $0xb8;
	[tilespmem:$0x1E800] =	vst v63  }
0x84: {  	_ =	swait.ge [sflag:s21], $0x3E80  }
0x85: {  	[sflag:s21] =	ssyncset.done $0x0  }
0x86: {  	[sflag:s21] =	ssyncadd.s32 $0xFFFFC180  }
0x87: {  	[spmem:s2] =	stream.indirect.scatter.add.f32 [tilespmem:s19], [sflag:$0x4], $0x80, s25, s16, $0xb8;
	[tilespmem:$0x1E800] =	vst v63  }
0x88: {  	_ =	swait.ge [sflag:s22], $0x3E80  }
0x89: {  	[sflag:s22] =	ssyncset.done $0x0  }
0x8a: {  	[sflag:s22] =	ssyncadd.s32 $0xFFFFC180  }
0x8b: {  	_ =	swait.ge [sflag:s23], $0x3E80  }
0x8c: {  	s26 =	sadd.s32 $0x1, s26;
	[sflag:s23] =	ssyncset.done $0x0  }
0x8d: {  	p0 =	sne.s32 s26, s12;
	[sflag:s23] =	ssyncadd.s32 $0xFFFFC180  }
.Ltmp2:
0x8e: {  	[bflag:$0x0] =	sbarrier.arrive $0xFFFF;
	(pc) =	sbr.rel @p0 .LBB2_1-.Ltmp2, $4  }
0x8f: {  	[hbm:s11], [sflag:s6] =	dma.local [spmem:s13], $0x2800  }
0x90: {  	_ =	swait.ge [sflag:s14], $0x2800  }
0x91: {  	[sflag:s14] =	ssyncset.done $0x0  }
0x92: {  	[sflag:s14] =	ssyncadd.s32 $0xFFFFD800  }
0x93: {  	_ =	sfence.sel $0x180000  }
0x94: {  	[bflag:$0x0] =	sbarrier.arrive $0xFFFF  }
0x95: {  	p0 =	sne.s32 s1, $0x0;
	_ =	strace $0x9000004A  }
0x96: {  	s0 =	sadd.s32 @!p0 $0x100000, s0;
	[bflag:$0x2] =	sbarrier.arrive $0xFFFF  }
0x97: {  	[sflag:s0] =	ssyncadd.tile.s32 @!p0 $0x1;
	_ =	shalt  }
.Lfunc_end2:
_tile_overlayer_lowered:
.L_overlay_start_2:
0x98: {  	(tag) =	ssettag $0x2  }
0x99: {  	s0 =	rddreg [dreg:$0x0];
	s2 =	stileid.u32  }
0x9a: {  	s1 =	rddreg [dreg:$0x1];
	p0 =	sne.s32 s2, $0x0  }
0x9b: {  	s3 =	rddreg [dreg:$0x2];
	[bflag:$0x3] =	sbarrier.arrive $0xFFFF;
	s2 =	simm.s32 @!p0 $0x1C05  }
0x9c: {  	[timem:s3], [sflag:s2] =	dma.local @!p0 [hbm:s0], s1  }
0x9d: {  	s0 =	simm.s32 @!p0 $0x5  }
0x9e: {  	_ =	swait.ge @!p0 [sflag:s0], s1  }
0x9f: {  	s1 =	ssub.s32 @!p0 $0x0, s1;
	[sflag:s0] =	ssyncset.done @!p0 $0x0  }
0xa0: {  	[sflag:s0] =	ssyncadd.s32 @!p0 s1  }
0xa1: {  	[bflag:$0x3] =	sbarrier.arrive $0xFFFF  }
0xa2: {  	_ =	shalt  }

// kernel: kernel.14.cloned.1.call-start
scs
__scs_entry_jumppad:
0x0: {  	(pc) =	sbr.rel $0x88, $3  }
0x1: {  	(tag) =	ssettag $0x0;
	lr =	simm.s32 $0x1  }
0x2: {  	[smem:$0x3F99] =	sst lr;
	_ =	strace $0xD0000000  }
0x3: {  	_ = 	snop  }
0x4: {  	_ = 	snop  }
0x5: {  	_ = 	snop  }
0x6: {  	_ = 	snop  }
0x7: {  	_ = 	snop  }
__scs_overlays_trampoline_lowered:
0x8: {  	[smem:$0x3FA8] =	sst s0  }
0x9: {  	[smem:$0x3FA9] =	sst s1  }
0xa: {  	[smem:$0x3FAA] =	sst s2  }
0xb: {  	[smem:$0x3FAB] =	sst s3  }
0xc: {  	[smem:$0x3FAC] =	sst s4  }
0xd: {  	[smem:$0x3FAD] =	sst s5  }
0xe: {  	[smem:$0x3FAE] =	sst s6  }
0xf: {  	[smem:$0x3FAF] =	sst s7  }
0x10: {  	[smem:$0x3FB0] =	sst s8  }
0x11: {  	[smem:$0x3FB1] =	sst s9;
	s0 =	simm.s32 @!p0 $0x0  }
0x12: {  	s1 =	sld [smem:$0x3F97];
	s0 =	simm.s32 @p0 $0x1  }
0x13: {  	[smem:$0x3FB2] =	sst s0;
	s0 =	simm.s32 @!p1 $0x0  }
0x14: {  	s2 =	sld [smem:$0x3F96];
	s0 =	simm.s32 @p1 $0x1  }
0x15: {  	[smem:$0x3FB3] =	sst s0;
	s0 =	simm.s32 @!p2 $0x0  }
0x16: {  	s3 =	sld [smem:$0x3FDB];
	s0 =	simm.s32 @p2 $0x1  }
0x17: {  	s4 =	simm.s32 $0x1BF5;
	[smem:$0x3FB5] =	sst s0  }
0x18: {  	s0 =	sld [smem:$0x3F98];
	_ =	swait.ge [sflag:s4], $0x0  }
0x19: {  	s7 =	sld [smem:$0x3F99]  }
0x1a: {  	s8 =	sadd.s32 $0xFFFFE003, lr  }
0x1b: {  	s9 =	sadd.s32 $0xFFFFFEF7, lr;
	s5 =	simm.s32 $0xFFFFFFFF;
	p2 =	slt.u32 s8, $0xFFFFF086  }
0x1c: {  	p1 =	slt.u32 s9, $0xF7A;
	s5 =	simm.s32 @!p2 $0x0  }
0x1d: {  	s5 =	simm.s32 @p1 $0x1;
	p0 =	seq.s32 s7, s2  }
0x1e: {  	s7 =	smul.u32 @!p0 $0xF7A, s2;
	p2 =	seq.s32 @!p0 s5, $0x0  }
0x1f: {  	s9 =	smul.u32 $0xF7A, s1;
	s8 =	simm.s32 @!p0 $0x1BF5;
	p2 =	por !p2, p0  }
0x20: {  	[sflag:s8] =	ssyncset.s32 @!p0 $0xFFFFF086;
	s6 =	sadd.s32 @!p0 s3, s7;
	s7 =	simm.s32 @!p0 $0x108  }
0x21: {  	s3 =	sadd.s32 s3, s9;
	s6 =	sadd.s32 @!p0 $0x88, s6;
	s7 =	simm.s32 @p2 $0x1082  }
0x22: {  	[simem:s7], [sflag:s8] =	dma.local @!p0 [hbm:s6], $0xF7A  }
0x23: {  	s9 =	sor.u32 $0xD0000000, s2;
	s6 =	simm.s32 $0x108;
	_ =	swait.ge @!p0 [sflag:s8], $0x0  }
0x24: {  	s3 =	sadd.s32 $0x88, s3;
	s6 =	simm.s32 @!p1 $0x1082;
	[sflag:s4] =	ssyncset.s32 $0xFFFFF086  }
0x25: {  	[simem:s6], [sflag:s4] =	dma.local [hbm:s3], $0xF7A  }
0x26: {  	[smem:$0x3F99] =	sst s1;
	(tag) =	ssettag s2;
	_ =	strace s9  }
0x27: {  	s1 =	sld [smem:$0x3FA9]  }
0x28: {  	s2 =	sld [smem:$0x3FAA]  }
0x29: {  	s4 =	sld [smem:$0x3FAC]  }
0x2a: {  	p0 =	seq.s32 s5, $0x0;
	s5 =	sld [smem:$0x3FAD]  }
0x2b: {  	s6 =	sld [smem:$0x3FAE]  }
0x2c: {  	s7 =	sld [smem:$0x3FAF]  }
0x2d: {  	s3 =	simm.s32 $0x108;
	s8 =	sld [smem:$0x3FB0]  }
0x2e: {  	s3 =	simm.s32 @!p0 $0x1082;
	s9 =	sld [smem:$0x3FB1]  }
0x2f: {  	lr =	sadd.s32 s0, s3;
	s0 =	sld [smem:$0x3FA8]  }
0x30: {  	s3 =	sld [smem:$0x3FAB]  }
0x31: {  	[smem:$0x3FB4] =	sst s10  }
0x32: {  	s10 =	sld [smem:$0x3FB2];
	_ =	sdelay $0x3  }
0x33: {  	p0 =	seq.s32 s10, $0x1;
	s10 =	sld [smem:$0x3FB4];
	_ =	sdelay $0x3  }
0x34: {  	[smem:$0x3FB4] =	sst s10  }
0x35: {  	s10 =	sld [smem:$0x3FB3];
	_ =	sdelay $0x3  }
0x36: {  	p1 =	seq.s32 s10, $0x1;
	s10 =	sld [smem:$0x3FB4];
	_ =	sdelay $0x3  }
0x37: {  	[smem:$0x3FB4] =	sst s10  }
0x38: {  	s10 =	sld [smem:$0x3FB5]  }
0x39: {  	_ = 	snop;
	(pc) =	sbr.ind lr, $3  }
0x3a: {  	_ = 	snop  }
0x3b: {  	_ = 	snop  }
0x3c: {  	p2 =	seq.s32 s10, $0x1;
	s10 =	sld [smem:$0x3FB4]  }
0x3d: {  	_ =	shalt  }
0x3e: {  	_ =	shalt  }
0x3f: {  	_ =	shalt  }
0x40: {  	_ =	shalt  }
0x41: {  	_ =	shalt  }
0x42: {  	_ =	shalt  }
0x43: {  	_ =	shalt  }
0x44: {  	_ =	shalt  }
0x45: {  	_ =	shalt  }
0x46: {  	_ =	shalt  }
0x47: {  	_ =	shalt  }
0x48: {  	_ =	shalt  }
0x49: {  	_ =	shalt  }
0x4a: {  	_ =	shalt  }
0x4b: {  	_ =	shalt  }
0x4c: {  	_ =	shalt  }
0x4d: {  	_ =	shalt  }
0x4e: {  	_ =	shalt  }
0x4f: {  	_ =	shalt  }
0x50: {  	_ =	shalt  }
0x51: {  	_ =	shalt  }
0x52: {  	_ =	shalt  }
0x53: {  	_ =	shalt  }
0x54: {  	_ =	shalt  }
0x55: {  	_ =	shalt  }
0x56: {  	_ =	shalt  }
0x57: {  	_ =	shalt  }
0x58: {  	_ =	shalt  }
0x59: {  	_ =	shalt  }
0x5a: {  	_ =	shalt  }
0x5b: {  	_ =	shalt  }
0x5c: {  	_ =	shalt  }
0x5d: {  	_ =	shalt  }
0x5e: {  	_ =	shalt  }
0x5f: {  	_ =	shalt  }
0x60: {  	_ =	shalt  }
0x61: {  	_ =	shalt  }
0x62: {  	_ =	shalt  }
0x63: {  	_ =	shalt  }
0x64: {  	_ =	shalt  }
0x65: {  	_ =	shalt  }
0x66: {  	_ =	shalt  }
0x67: {  	_ =	shalt  }
0x68: {  	_ =	shalt  }
0x69: {  	_ =	shalt  }
0x6a: {  	_ =	shalt  }
0x6b: {  	_ =	shalt  }
0x6c: {  	_ =	shalt  }
0x6d: {  	_ =	shalt  }
0x6e: {  	_ =	shalt  }
0x6f: {  	_ =	shalt  }
0x70: {  	_ =	shalt  }
0x71: {  	_ =	shalt  }
0x72: {  	_ =	shalt  }
0x73: {  	_ =	shalt  }
0x74: {  	_ =	shalt  }
0x75: {  	_ =	shalt  }
0x76: {  	_ =	shalt  }
0x77: {  	_ =	shalt  }
0x78: {  	_ =	shalt  }
0x79: {  	_ =	shalt  }
0x7a: {  	_ =	shalt  }
0x7b: {  	_ =	shalt  }
0x7c: {  	_ =	shalt  }
0x7d: {  	_ =	shalt  }
0x7e: {  	_ =	shalt  }
0x7f: {  	_ =	shalt  }
0x80: {  	_ =	shalt  }
0x81: {  	_ =	shalt  }
0x82: {  	_ =	shalt  }
0x83: {  	_ =	shalt  }
0x84: {  	_ =	shalt  }
0x85: {  	_ =	shalt  }
0x86: {  	_ =	shalt  }
0x87: {  	_ =	shalt  }
.Lfunc_end0:
.L_simem_size_0:
called_computation.2_lowered:
.L_overlay_start_0:
0x88: {  	s2 =	sld [smem:$0x3FD9]  }
0x89: {  	s3 =	sld [smem:$0x3FFE];
	_ =	sdelay $0x1  }
0x8a: {  	s1 =	srdreg.scid  }
0x8b: {  	s0 =	sand.u32 $0x1, s1  }
0x8c: {  	s14 =	sshll.u32 s0, $0xA;
	s2 =	sadd.s32 s3, s2  }
0x8d: {  	s2 =	sadd.s32 s2, s14  }
0x8e: {  	[smem:$0x3FC0] =	sst s2  }
0x8f: {  	_ = 	snop  }
0x90: {  	s2 =	sld [smem:$0x3FD0];
	_ =	sdelay $0x2  }
0x91: {  	s15 =	simm.s32 $0xA;
	s4 =	simm.s32 $0x10  }
0x92: {  	[smem:s4], [sflag:s15] =	dma.local [hbm:s2], $0x1  }
0x93: {  	_ =	swait.eq [sflag:s15], $0x1  }
0x94: {  	[sflag:s15] =	ssyncset.done $0x0  }
0x95: {  	s16 =	sld [smem:$0x10];
	[sflag:s15] =	ssyncadd.s32 $0xFFFFFFFF  }
0x96: {  	s17 =	sld [smem:$0x11];
	(tm) =	ssettm $0x1  }
0x97: {  	s18 =	sld [smem:$0x3FFB];
	_ =	sdelay $0x3  }
0x98: {  	_ =	strace s18  }
0x99: {  	s4 =	sld [smem:$0x3FFC];
	_ =	sdelay $0x3  }
0x9a: {  	_ =	strace s4  }
0x9b: {  	s4 =	sld [smem:$0x3FFD];
	_ =	sdelay $0x3  }
0x9c: {  	_ =	strace s4  }
0x9d: {  	_ =	strace $0x8FFFFFFF  }
0x9e: {  	s19 =	sld [smem:$0x3FDB];
	_ =	sdelay $0x1  }
0x9f: {  	s5 =	simm.s32 $_scs_section_size  }
0xa0: {  	s6 =	simm.s32 $_size__tile_overlayer_lowered;
	s7 =	simm.s32 $_tile_overlayer_lowered  }
0xa1: {  	s22 =	simm.s32 $0x1BFF;
	s21 =	sshll.u32 s7, $0x1;
	s4 =	sadd.s32 s5, s19  }
0xa2: {  	s8 =	simm.s32 $0x0;
	s20 =	sshll.u32 s6, $0x1;
	s6 =	sadd.s32 s21, s4  }
0xa3: {  	[timem:s8], [sflag:s22] =	dma.local [hbm:s6], s20  }
0xa4: {  	_ =	swait.ge [sflag:s22], s20  }
0xa5: {  	s5 =	ssub.s32 $0x0, s20;
	[sflag:s22] =	ssyncset.done $0x0  }
0xa6: {  	[sflag:s22] =	ssyncadd.s32 s5;
	_ =	sdelay $0x1  }
0xa7: {  	s23 =	simm.s32 $0x1B8B  }
0xa8: {  	_ =	swait.ge [sflag:s23], $0x1  }
0xa9: {  	[sflag:s23] =	ssyncset.done $0x0  }
0xaa: {  	s25 =	simm.s32 $0x1B8E;
	s24 =	sld [smem:$0x3FFE];
	[sflag:s23] =	ssyncadd.s32 $0xFFFFFFFF  }
0xab: {  	s26 =	simm.s32 $execute0_lowered;
	[smem:$0x3FD2] =	sst s25  }
0xac: {  	s6 =	sshll.u32 s26, $0x1;
	_ =	strace $0x8000004C;
	[dreg:$0x1] =	wrdreg $0xFFFFFFFF  }
0xad: {  	s28 =	simm.s32 $_size_execute0_lowered;
	s4 =	sadd.s32 s4, s6;
	[dreg:$0x0] =	wrdreg $0x0  }
0xae: {  	s6 =	sshll.u32 s28, $0x1;
	[dreg:$0x2] =	wrdreg s4  }
0xaf: {  	[dreg:$0x3] =	wrdreg s6  }
0xb0: {  	[dreg:$0x4] =	wrdreg $0xC0  }
0xb1: {  	_ =	task [dreg:s8], $0x5FFFF  }
0xb2: {  	[dreg:$0x1] =	wrdreg $0xFFFFFFFF  }
0xb3: {  	[dreg:$0x0] =	wrdreg $0x60  }
0xb4: {  	[dreg:$0x2] =	wrdreg s24  }
0xb5: {  	[dreg:$0x3] =	wrdreg s16  }
0xb6: {  	[dreg:$0x4] =	wrdreg s17  }
0xb7: {  	[dreg:$0x5] =	wrdreg $0xA8000  }
0xb8: {  	[dreg:$0x6] =	wrdreg $0x9  }
0xb9: {  	_ =	task.clear_ibuf [dreg:s8], $0x7FFFF;
	_ =	strace $0x9000004C  }
0xba: {  	s29 =	simm.s32 $0x9;
	_ =	strace $0x8000004E  }
0xbb: {  	_ =	swait.ge [sflag:s29], $0x1  }
0xbc: {  	[sflag:s29] =	ssyncadd.s32 $0xFFFFFFFF  }
0xbd: {  	_ =	strace $0x9000004E  }
0xbe: {  	_ =	sfence  }
0xbf: {  	s30 =	sld [smem:$0x0];
	_ =	sdelay $0x2  }
0xc0: {  	s31 =	sshll.u32 s1, $0xD;
	s1 =	sshrl.u32 s1, $0x2  }
0xc1: {  	s3 =	sand.u32 $0x4000, s31;
	s1 =	sadd.s32 s1, s30  }
0xc2: {  	s0 =	sor.u32 s3, s0;
	s1 =	sshll.u32 s1, $0x11  }
0xc3: {  	s0 =	sor.u32 s1, s0  }
0xc4: {  	s0 =	sadd.s32 $0x8F2B, s0  }
0xc5: {  	[sflag:s0] =	ssyncadd.remote.s32 $0x1  }
0xc6: {  	_ =	sfence.sel $0xFFFF  }
0xc7: {  	[dreg:$0x0] =	wrdreg $0xFFFFFFFF;
	(pc) =	sbr.abs _section_cstart, $3  }
0xc8: {  	[dreg:$0x1] =	wrdreg $0xFFFFFFFF  }
0xc9: {  	_ =	task.clear_ibuf [dreg:s8], $0x2FFFF;
	_ =	strace $0x9FFFFFFF  }
0xca: {  	(tm) =	ssettm $0x7FFFFFFF  }
0xcb: {  	_ =	shalt  }
tec
execute0_lowered:
.L_overlay_start_1:
0x0: {  	(tag) =	ssettag $0x1  }
0x1: {  	s0 =	rddreg [dreg:$0x0]  }
0x2: {  	s1 =	rddreg [dreg:$0x1]  }
0x3: {  	s11 =	rddreg [dreg:$0x2]  }
0x4: {  	s2 =	rddreg [dreg:$0x3]  }
0x5: {  	s4 =	srdreg.scid;
	s18 =	stileid.u32;
	s3 =	simm.s32 $0x0  }
0x6: {  	s16 =	simm.s32 $0x2600;
	s19 =	simm.s32 $0x1400;
	s20 =	simm.s32 $0x7D  }
0x7: {  	s28 =	simm.s32 $0x4;
	s29 =	simm.s32 $0x2700;
	s15 =	smul.u32 $0x2800, s18  }
0x8: {  	s30 =	simm.s32 $0x2780;
	s31 =	simm.s32 $0x0;
	s7 =	smul.u32 $0x50000, s18  }
0x9: {  	s4 =	sand.u32 $0x1, s4;
	[smem:$0x7FF] =	sst s3;
	s8 =	smul.u32 $0x5000, s18  }
0xa: {  	s23 =	smul.u32 $0xA00, s18;
	s26 =	sshll.u32 s18, $0x6;
	s18 =	simm.s32 $0x5  }
0xb: {  	s5 =	smul.u32 $0x28000, s4;
	_ =	strace $0x8000004D;
	s6 =	ssub.s32 $0x2, s4  }
0xc: {  	p0 =	seq.s32 s4, $0x0;
	s21 =	sshrl.u32 s6, $0x1;
	s22 =	sshrl.u32 s7, $0x2  }
0xd: {  	s9 =	sshrl.u32 s8, $0x3;
	s24 =	sadd.s32 s1, s23;
	s16 =	simm.s32 @!p0 $0x2A600  }
0xe: {  	s5 =	sadd.s32 s15, s5;
	s14 =	ssub.s32 s6, s21;
	s17 =	sadd.s32 s22, s2  }
0xf: {  	[dreg:$0x5] =	wrdreg s24;
	s25 =	sadd.s32 $0x280, s9;
	s10 =	sadd.s32 $0x500, s9  }
0x10: {  	s13 =	sadd.s32 $0x780, s9;
	s21 =	simm.s32 $0x2800;
	s22 =	simm.s32 $0x80  }
0x11: {  	s24 =	simm.s32 $0x1;
	s12 =	sadd.s32 s5, s0;
	s5 =	sadd.s32 s11, s23  }
0x12: {  	s6 =	sadd.s32 s1, s25;
	s7 =	sadd.s32 s11, s25;
	s8 =	sadd.s32 s1, s10  }
0x13: {  	s9 =	sadd.s32 s11, s10;
	s10 =	sadd.s32 s1, s13;
	s11 =	sadd.s32 s11, s13  }
0x14: {  	s13 =	sadd.s32 s16, s0;
	s14 =	smax.u32 s14, $0x1;
	s16 =	sor.u32 $0x1C05, s26  }
0x15: {  	s17 =	sshrl.u32 s17, $0x3;
	s23 =	simm.s32 $0x6800;
	s25 =	simm.s32 $0x2  }
0x16: {  	s26 =	simm.s32 $0x3;
	s12 =	sadd.s32 $0x52600, s12;
	s15 =	sadd.s32 s13, s15  }
.LBB2_1:
0x17: {  	[spmem:s17], [sflag:s16] =	dma.local [hbm:s15], $0x2800  }
0x18: {  	_ =	swait.ge [sflag:s18], $0x2800  }
0x19: {  	[sflag:s18] =	ssyncset.done $0x0  }
0x1a: {  	[sflag:s18] =	ssyncadd.s32 $0xFFFFD800  }
0x1b: {  	[bflag:$0x0] =	sbarrier.arrive $0xFFFF  }
0x1c: {  	s0 =	rddreg [dreg:$0x5]  }
0x1d: {  	[tilespmem:s3], [sflag:$0x5] =	stream.linear.gather [hbm4b:s0+s3], $0x1400, $0x38;
	[tilespmem:$0x1E800] =	vst v63  }
0x1e: {  	_ =	swait.ge [sflag:s18], $0x1400  }
0x1f: {  	[sflag:s18] =	ssyncset.done $0x0  }
0x20: {  	[sflag:s18] =	ssyncadd.s32 $0xFFFFEC00  }
0x21: {  	[tilespmem:s19], [sflag:$0x5] =	stream.linear.gather [hbm4b:s5+s3], $0x1400, $0x38;
	[tilespmem:$0x1E800] =	vst v63  }
0x22: {  	_ =	swait.ge [sflag:s18], $0x1400  }
0x23: {  	[sflag:s18] =	ssyncset.done $0x0  }
0x24: {  	[sflag:s18] =	ssyncadd.s32 $0xFFFFEC00  }
0x25: {  	[tilespmem:s21], [sflag:$0x1] =	stream.indirect.gather [hbm4b:s13+s20], $0x80, s3, s20, $0xb8;
	[tilespmem:$0x1E800] =	vst v63  }
0x26: {  	_ = 	snop  }
0x27: {  	[tilespmem:s23], [sflag:$0x2] =	stream.indirect.gather [hbm4b:s13+s20], $0x80, s22, s20, $0xb8;
	[tilespmem:$0x1E800] =	vst v63  }
0x28: {  	_ =	swait.ge [sflag:s24], $0x3E80  }
0x29: {  	[sflag:s24] =	ssyncset.done $0x0  }
0x2a: {  	s4 =	simm.s32 $0x1400;
	[sflag:s24] =	ssyncadd.s32 $0xFFFFC180  }
0x2b: {  	[spmem:s2] =	stream.indirect.scatter.add.f32 [tilespmem:s21], [sflag:$0x3], $0x80, s4, s20, $0xb8;
	[tilespmem:$0x1E800] =	vst v63  }
0x2c: {  	_ =	swait.ge [sflag:s25], $0x3E80  }
0x2d: {  	[sflag:s25] =	ssyncset.done $0x0  }
0x2e: {  	s1 =	simm.s32 $0x1480;
	[sflag:s25] =	ssyncadd.s32 $0xFFFFC180  }
0x2f: {  	[spmem:s2] =	stream.indirect.scatter.add.f32 [tilespmem:s23], [sflag:$0x4], $0x80, s1, s20, $0xb8;
	[tilespmem:$0x1E800] =	vst v63  }
0x30: {  	_ =	swait.ge [sflag:s26], $0x3E80  }
0x31: {  	[sflag:s26] =	ssyncset.done $0x0  }
0x32: {  	s4 =	simm.s32 $0x100;
	[sflag:s26] =	ssyncadd.s32 $0xFFFFC180  }
0x33: {  	[tilespmem:s21], [sflag:$0x1] =	stream.indirect.gather [hbm4b:s13+s20], $0x80, s4, s20, $0xb8;
	[tilespmem:$0x1E800] =	vst v63  }
0x34: {  	_ =	swait.ge [sflag:s28], $0x3E80  }
0x35: {  	[sflag:s28] =	ssyncset.done $0x0  }
0x36: {  	s0 =	simm.s32 $0x400;
	s1 =	simm.s32 $0x180;
	[sflag:s28] =	ssyncadd.s32 $0xFFFFC180  }
.LBB2_2:
0x37: {  	[tilespmem:s23], [sflag:$0x2] =	stream.indirect.gather [hbm4b:s13+s20], $0x80, s1, s20, $0xb8;
	[tilespmem:$0x1E800] =	vst v63  }
0x38: {  	s1 =	smov.u32 s0  }
0x39: {  	p0 =	sne.s32 s0, $0x4800;
	s0 =	sadd.s32 $0x400, s0;
	_ =	swait.ge [sflag:s24], $0x3E80  }
0x3a: {  	s1 =	sshra.s32 s1, $0x2;
	[sflag:s24] =	ssyncset.done $0x0  }
0x3b: {  	s4 =	sadd.s32 $0x1400, s1;
	[sflag:s24] =	ssyncadd.s32 $0xFFFFC180  }
0x3c: {  	[spmem:s2] =	stream.indirect.scatter.add.f32 [tilespmem:s21], [sflag:$0x3], $0x80, s4, s20, $0xb8;
	[tilespmem:$0x1E800] =	vst v63  }
0x3d: {  	_ =	swait.ge [sflag:s25], $0x3E80  }
0x3e: {  	[sflag:s25] =	ssyncset.done $0x0  }
0x3f: {  	s4 =	sadd.s32 $0x1480, s1;
	[sflag:s25] =	ssyncadd.s32 $0xFFFFC180  }
0x40: {  	[spmem:s2] =	stream.indirect.scatter.add.f32 [tilespmem:s23], [sflag:$0x4], $0x80, s4, s20, $0xb8;
	[tilespmem:$0x1E800] =	vst v63  }
0x41: {  	_ =	swait.ge [sflag:s26], $0x3E80  }
0x42: {  	[sflag:s26] =	ssyncset.done $0x0  }
.Ltmp0:
0x43: {  	s4 =	sadd.s32 $0x100, s1;
	[sflag:s26] =	ssyncadd.s32 $0xFFFFC180;
	(pc) =	sbr.rel @p0 .LBB2_2-.Ltmp0, $4  }
0x44: {  	[tilespmem:s21], [sflag:$0x1] =	stream.indirect.gather [hbm4b:s13+s20], $0x80, s4, s20, $0xb8;
	[tilespmem:$0x1E800] =	vst v63  }
0x45: {  	_ =	swait.ge [sflag:s28], $0x3E80  }
0x46: {  	[sflag:s28] =	ssyncset.done $0x0  }
0x47: {  	s1 =	sadd.s32 $0x180, s1;
	[sflag:s28] =	ssyncadd.s32 $0xFFFFC180  }
0x48: {  	[tilespmem:s23], [sflag:$0x2] =	stream.indirect.gather [hbm4b:s13+s20], $0x80, s1, s20, $0xb8;
	[tilespmem:$0x1E800] =	vst v63  }
0x49: {  	_ =	swait.ge [sflag:s24], $0x3E80  }
0x4a: {  	[sflag:s24] =	ssyncset.done $0x0  }
0x4b: {  	[sflag:s24] =	ssyncadd.s32 $0xFFFFC180  }
0x4c: {  	[spmem:s2] =	stream.indirect.scatter.add.f32 [tilespmem:s21], [sflag:$0x3], $0x80, s29, s20, $0xb8;
	[tilespmem:$0x1E800] =	vst v63  }
0x4d: {  	_ =	swait.ge [sflag:s25], $0x3E80  }
0x4e: {  	[sflag:s25] =	ssyncset.done $0x0  }
0x4f: {  	[sflag:s25] =	ssyncadd.s32 $0xFFFFC180  }
0x50: {  	[spmem:s2] =	stream.indirect.scatter.add.f32 [tilespmem:s23], [sflag:$0x4], $0x80, s30, s20, $0xb8;
	[tilespmem:$0x1E800] =	vst v63  }
0x51: {  	_ =	swait.ge [sflag:s26], $0x3E80  }
0x52: {  	[sflag:s26] =	ssyncset.done $0x0  }
0x53: {  	[sflag:s26] =	ssyncadd.s32 $0xFFFFC180  }
0x54: {  	_ =	swait.ge [sflag:s28], $0x3E80  }
0x55: {  	[sflag:s28] =	ssyncset.done $0x0  }
0x56: {  	s0 =	simm.s32 $0x0;
	[sflag:s28] =	ssyncadd.s32 $0xFFFFC180  }
0x57: {  	[tilespmem:s0], [sflag:$0x5] =	stream.linear.gather [hbm4b:s6+s0], $0x1400, $0x38;
	[tilespmem:$0x1E800] =	vst v63  }
0x58: {  	_ =	swait.ge [sflag:s18], $0x1400  }
0x59: {  	[sflag:s18] =	ssyncset.done $0x0  }
0x5a: {  	[sflag:s18] =	ssyncadd.s32 $0xFFFFEC00  }
0x5b: {  	[tilespmem:s19], [sflag:$0x5] =	stream.linear.gather [hbm4b:s7+s0], $0x1400, $0x38;
	[tilespmem:$0x1E800] =	vst v63  }
0x5c: {  	_ =	swait.ge [sflag:s18], $0x1400  }
0x5d: {  	[sflag:s18] =	ssyncset.done $0x0  }
0x5e: {  	[sflag:s18] =	ssyncadd.s32 $0xFFFFEC00  }
0x5f: {  	[tilespmem:s21], [sflag:$0x1] =	stream.indirect.gather [hbm4b:s13+s20], $0x80, s0, s20, $0xb8;
	[tilespmem:$0x1E800] =	vst v63  }
0x60: {  	_ = 	snop  }
0x61: {  	[tilespmem:s23], [sflag:$0x2] =	stream.indirect.gather [hbm4b:s13+s20], $0x80, s22, s20, $0xb8;
	[tilespmem:$0x1E800] =	vst v63  }
0x62: {  	_ =	swait.ge [sflag:s24], $0x3E80  }
0x63: {  	[sflag:s24] =	ssyncset.done $0x0  }
0x64: {  	s4 =	simm.s32 $0x1400;
	[sflag:s24] =	ssyncadd.s32 $0xFFFFC180  }
0x65: {  	[spmem:s2] =	stream.indirect.scatter.add.f32 [tilespmem:s21], [sflag:$0x3], $0x80, s4, s20, $0xb8;
	[tilespmem:$0x1E800] =	vst v63  }
0x66: {  	_ =	swait.ge [sflag:s25], $0x3E80  }
0x67: {  	[sflag:s25] =	ssyncset.done $0x0  }
0x68: {  	s1 =	simm.s32 $0x1480;
	[sflag:s25] =	ssyncadd.s32 $0xFFFFC180  }
0x69: {  	[spmem:s2] =	stream.indirect.scatter.add.f32 [tilespmem:s23], [sflag:$0x4], $0x80, s1, s20, $0xb8;
	[tilespmem:$0x1E800] =	vst v63  }
0x6a: {  	_ =	swait.ge [sflag:s26], $0x3E80  }
0x6b: {  	[sflag:s26] =	ssyncset.done $0x0  }
0x6c: {  	s4 =	simm.s32 $0x100;
	[sflag:s26] =	ssyncadd.s32 $0xFFFFC180  }
0x6d: {  	[tilespmem:s21], [sflag:$0x1] =	stream.indirect.gather [hbm4b:s13+s20], $0x80, s4, s20, $0xb8;
	[tilespmem:$0x1E800] =	vst v63  }
0x6e: {  	_ =	swait.ge [sflag:s28], $0x3E80  }
0x6f: {  	[sflag:s28] =	ssyncset.done $0x0  }
0x70: {  	s0 =	simm.s32 $0x400;
	s1 =	simm.s32 $0x180;
	[sflag:s28] =	ssyncadd.s32 $0xFFFFC180  }
.LBB2_4:
0x71: {  	[tilespmem:s23], [sflag:$0x2] =	stream.indirect.gather [hbm4b:s13+s20], $0x80, s1, s20, $0xb8;
	[tilespmem:$0x1E800] =	vst v63  }
0x72: {  	s1 =	smov.u32 s0  }
0x73: {  	p0 =	sne.s32 s0, $0x4800;
	s0 =	sadd.s32 $0x400, s0;
	_ =	swait.ge [sflag:s24], $0x3E80  }
0x74: {  	s1 =	sshra.s32 s1, $0x2;
	[sflag:s24] =	ssyncset.done $0x0  }
0x75: {  	s4 =	sadd.s32 $0x1400, s1;
	[sflag:s24] =	ssyncadd.s32 $0xFFFFC180  }
0x76: {  	[spmem:s2] =	stream.indirect.scatter.add.f32 [tilespmem:s21], [sflag:$0x3], $0x80, s4, s20, $0xb8;
	[tilespmem:$0x1E800] =	vst v63  }
0x77: {  	_ =	swait.ge [sflag:s25], $0x3E80  }
0x78: {  	[sflag:s25] =	ssyncset.done $0x0  }
0x79: {  	s4 =	sadd.s32 $0x1480, s1;
	[sflag:s25] =	ssyncadd.s32 $0xFFFFC180  }
0x7a: {  	[spmem:s2] =	stream.indirect.scatter.add.f32 [tilespmem:s23], [sflag:$0x4], $0x80, s4, s20, $0xb8;
	[tilespmem:$0x1E800] =	vst v63  }
0x7b: {  	_ =	swait.ge [sflag:s26], $0x3E80  }
0x7c: {  	[sflag:s26] =	ssyncset.done $0x0  }
.Ltmp1:
0x7d: {  	s4 =	sadd.s32 $0x100, s1;
	[sflag:s26] =	ssyncadd.s32 $0xFFFFC180;
	(pc) =	sbr.rel @p0 .LBB2_4-.Ltmp1, $4  }
0x7e: {  	[tilespmem:s21], [sflag:$0x1] =	stream.indirect.gather [hbm4b:s13+s20], $0x80, s4, s20, $0xb8;
	[tilespmem:$0x1E800] =	vst v63  }
0x7f: {  	_ =	swait.ge [sflag:s28], $0x3E80  }
0x80: {  	[sflag:s28] =	ssyncset.done $0x0  }
0x81: {  	s1 =	sadd.s32 $0x180, s1;
	[sflag:s28] =	ssyncadd.s32 $0xFFFFC180  }
0x82: {  	[tilespmem:s23], [sflag:$0x2] =	stream.indirect.gather [hbm4b:s13+s20], $0x80, s1, s20, $0xb8;
	[tilespmem:$0x1E800] =	vst v63  }
0x83: {  	_ =	swait.ge [sflag:s24], $0x3E80  }
0x84: {  	[sflag:s24] =	ssyncset.done $0x0  }
0x85: {  	[sflag:s24] =	ssyncadd.s32 $0xFFFFC180  }
0x86: {  	[spmem:s2] =	stream.indirect.scatter.add.f32 [tilespmem:s21], [sflag:$0x3], $0x80, s29, s20, $0xb8;
	[tilespmem:$0x1E800] =	vst v63  }
0x87: {  	_ =	swait.ge [sflag:s25], $0x3E80  }
0x88: {  	[sflag:s25] =	ssyncset.done $0x0  }
0x89: {  	[sflag:s25] =	ssyncadd.s32 $0xFFFFC180  }
0x8a: {  	[spmem:s2] =	stream.indirect.scatter.add.f32 [tilespmem:s23], [sflag:$0x4], $0x80, s30, s20, $0xb8;
	[tilespmem:$0x1E800] =	vst v63  }
0x8b: {  	_ =	swait.ge [sflag:s26], $0x3E80  }
0x8c: {  	[sflag:s26] =	ssyncset.done $0x0  }
0x8d: {  	[sflag:s26] =	ssyncadd.s32 $0xFFFFC180  }
0x8e: {  	_ =	swait.ge [sflag:s28], $0x3E80  }
0x8f: {  	[sflag:s28] =	ssyncset.done $0x0  }
0x90: {  	s0 =	simm.s32 $0x0;
	[sflag:s28] =	ssyncadd.s32 $0xFFFFC180  }
0x91: {  	[tilespmem:s0], [sflag:$0x5] =	stream.linear.gather [hbm4b:s8+s0], $0x1400, $0x38;
	[tilespmem:$0x1E800] =	vst v63  }
0x92: {  	_ =	swait.ge [sflag:s18], $0x1400  }
0x93: {  	[sflag:s18] =	ssyncset.done $0x0  }
0x94: {  	[sflag:s18] =	ssyncadd.s32 $0xFFFFEC00  }
0x95: {  	[tilespmem:s19], [sflag:$0x5] =	stream.linear.gather [hbm4b:s9+s0], $0x1400, $0x38;
	[tilespmem:$0x1E800] =	vst v63  }
0x96: {  	_ =	swait.ge [sflag:s18], $0x1400  }
0x97: {  	[sflag:s18] =	ssyncset.done $0x0  }
0x98: {  	[sflag:s18] =	ssyncadd.s32 $0xFFFFEC00  }
0x99: {  	[tilespmem:s21], [sflag:$0x1] =	stream.indirect.gather [hbm4b:s13+s20], $0x80, s0, s20, $0xb8;
	[tilespmem:$0x1E800] =	vst v63  }
0x9a: {  	_ = 	snop  }
0x9b: {  	[tilespmem:s23], [sflag:$0x2] =	stream.indirect.gather [hbm4b:s13+s20], $0x80, s22, s20, $0xb8;
	[tilespmem:$0x1E800] =	vst v63  }
0x9c: {  	_ =	swait.ge [sflag:s24], $0x3E80  }
0x9d: {  	[sflag:s24] =	ssyncset.done $0x0  }
0x9e: {  	s4 =	simm.s32 $0x1400;
	[sflag:s24] =	ssyncadd.s32 $0xFFFFC180  }
0x9f: {  	[spmem:s2] =	stream.indirect.scatter.add.f32 [tilespmem:s21], [sflag:$0x3], $0x80, s4, s20, $0xb8;
	[tilespmem:$0x1E800] =	vst v63  }
0xa0: {  	_ =	swait.ge [sflag:s25], $0x3E80  }
0xa1: {  	[sflag:s25] =	ssyncset.done $0x0  }
0xa2: {  	s1 =	simm.s32 $0x1480;
	[sflag:s25] =	ssyncadd.s32 $0xFFFFC180  }
0xa3: {  	[spmem:s2] =	stream.indirect.scatter.add.f32 [tilespmem:s23], [sflag:$0x4], $0x80, s1, s20, $0xb8;
	[tilespmem:$0x1E800] =	vst v63  }
0xa4: {  	_ =	swait.ge [sflag:s26], $0x3E80  }
0xa5: {  	[sflag:s26] =	ssyncset.done $0x0  }
0xa6: {  	s4 =	simm.s32 $0x100;
	[sflag:s26] =	ssyncadd.s32 $0xFFFFC180  }
0xa7: {  	[tilespmem:s21], [sflag:$0x1] =	stream.indirect.gather [hbm4b:s13+s20], $0x80, s4, s20, $0xb8;
	[tilespmem:$0x1E800] =	vst v63  }
0xa8: {  	_ =	swait.ge [sflag:s28], $0x3E80  }
0xa9: {  	[sflag:s28] =	ssyncset.done $0x0  }
0xaa: {  	s0 =	simm.s32 $0x400;
	s1 =	simm.s32 $0x180;
	[sflag:s28] =	ssyncadd.s32 $0xFFFFC180  }
.LBB2_6:
0xab: {  	[tilespmem:s23], [sflag:$0x2] =	stream.indirect.gather [hbm4b:s13+s20], $0x80, s1, s20, $0xb8;
	[tilespmem:$0x1E800] =	vst v63  }
0xac: {  	s1 =	smov.u32 s0  }
0xad: {  	p0 =	sne.s32 s0, $0x4800;
	s0 =	sadd.s32 $0x400, s0;
	_ =	swait.ge [sflag:s24], $0x3E80  }
0xae: {  	s1 =	sshra.s32 s1, $0x2;
	[sflag:s24] =	ssyncset.done $0x0  }
0xaf: {  	s4 =	sadd.s32 $0x1400, s1;
	[sflag:s24] =	ssyncadd.s32 $0xFFFFC180  }
0xb0: {  	[spmem:s2] =	stream.indirect.scatter.add.f32 [tilespmem:s21], [sflag:$0x3], $0x80, s4, s20, $0xb8;
	[tilespmem:$0x1E800] =	vst v63  }
0xb1: {  	_ =	swait.ge [sflag:s25], $0x3E80  }
0xb2: {  	[sflag:s25] =	ssyncset.done $0x0  }
0xb3: {  	s4 =	sadd.s32 $0x1480, s1;
	[sflag:s25] =	ssyncadd.s32 $0xFFFFC180  }
0xb4: {  	[spmem:s2] =	stream.indirect.scatter.add.f32 [tilespmem:s23], [sflag:$0x4], $0x80, s4, s20, $0xb8;
	[tilespmem:$0x1E800] =	vst v63  }
0xb5: {  	_ =	swait.ge [sflag:s26], $0x3E80  }
0xb6: {  	[sflag:s26] =	ssyncset.done $0x0  }
.Ltmp2:
0xb7: {  	s4 =	sadd.s32 $0x100, s1;
	[sflag:s26] =	ssyncadd.s32 $0xFFFFC180;
	(pc) =	sbr.rel @p0 .LBB2_6-.Ltmp2, $4  }
0xb8: {  	[tilespmem:s21], [sflag:$0x1] =	stream.indirect.gather [hbm4b:s13+s20], $0x80, s4, s20, $0xb8;
	[tilespmem:$0x1E800] =	vst v63  }
0xb9: {  	_ =	swait.ge [sflag:s28], $0x3E80  }
0xba: {  	[sflag:s28] =	ssyncset.done $0x0  }
0xbb: {  	s1 =	sadd.s32 $0x180, s1;
	[sflag:s28] =	ssyncadd.s32 $0xFFFFC180  }
0xbc: {  	[tilespmem:s23], [sflag:$0x2] =	stream.indirect.gather [hbm4b:s13+s20], $0x80, s1, s20, $0xb8;
	[tilespmem:$0x1E800] =	vst v63  }
0xbd: {  	_ =	swait.ge [sflag:s24], $0x3E80  }
0xbe: {  	[sflag:s24] =	ssyncset.done $0x0  }
0xbf: {  	[sflag:s24] =	ssyncadd.s32 $0xFFFFC180  }
0xc0: {  	[spmem:s2] =	stream.indirect.scatter.add.f32 [tilespmem:s21], [sflag:$0x3], $0x80, s29, s20, $0xb8;
	[tilespmem:$0x1E800] =	vst v63  }
0xc1: {  	_ =	swait.ge [sflag:s25], $0x3E80  }
0xc2: {  	[sflag:s25] =	ssyncset.done $0x0  }
0xc3: {  	[sflag:s25] =	ssyncadd.s32 $0xFFFFC180  }
0xc4: {  	[spmem:s2] =	stream.indirect.scatter.add.f32 [tilespmem:s23], [sflag:$0x4], $0x80, s30, s20, $0xb8;
	[tilespmem:$0x1E800] =	vst v63  }
0xc5: {  	_ =	swait.ge [sflag:s26], $0x3E80  }
0xc6: {  	[sflag:s26] =	ssyncset.done $0x0  }
0xc7: {  	[sflag:s26] =	ssyncadd.s32 $0xFFFFC180  }
0xc8: {  	_ =	swait.ge [sflag:s28], $0x3E80  }
0xc9: {  	[sflag:s28] =	ssyncset.done $0x0  }
0xca: {  	s0 =	simm.s32 $0x0;
	[sflag:s28] =	ssyncadd.s32 $0xFFFFC180  }
0xcb: {  	[tilespmem:s0], [sflag:$0x5] =	stream.linear.gather [hbm4b:s10+s0], $0x1400, $0x38;
	[tilespmem:$0x1E800] =	vst v63  }
0xcc: {  	_ =	swait.ge [sflag:s18], $0x1400  }
0xcd: {  	[sflag:s18] =	ssyncset.done $0x0  }
0xce: {  	[sflag:s18] =	ssyncadd.s32 $0xFFFFEC00  }
0xcf: {  	[tilespmem:s19], [sflag:$0x5] =	stream.linear.gather [hbm4b:s11+s0], $0x1400, $0x38;
	[tilespmem:$0x1E800] =	vst v63  }
0xd0: {  	_ =	swait.ge [sflag:s18], $0x1400  }
0xd1: {  	[sflag:s18] =	ssyncset.done $0x0  }
0xd2: {  	[sflag:s18] =	ssyncadd.s32 $0xFFFFEC00  }
0xd3: {  	[tilespmem:s21], [sflag:$0x1] =	stream.indirect.gather [hbm4b:s13+s20], $0x80, s0, s20, $0xb8;
	[tilespmem:$0x1E800] =	vst v63  }
0xd4: {  	_ = 	snop  }
0xd5: {  	[tilespmem:s23], [sflag:$0x2] =	stream.indirect.gather [hbm4b:s13+s20], $0x80, s22, s20, $0xb8;
	[tilespmem:$0x1E800] =	vst v63  }
0xd6: {  	_ =	swait.ge [sflag:s24], $0x3E80  }
0xd7: {  	[sflag:s24] =	ssyncset.done $0x0  }
0xd8: {  	s4 =	simm.s32 $0x1400;
	[sflag:s24] =	ssyncadd.s32 $0xFFFFC180  }
0xd9: {  	[spmem:s2] =	stream.indirect.scatter.add.f32 [tilespmem:s21], [sflag:$0x3], $0x80, s4, s20, $0xb8;
	[tilespmem:$0x1E800] =	vst v63  }
0xda: {  	_ =	swait.ge [sflag:s25], $0x3E80  }
0xdb: {  	[sflag:s25] =	ssyncset.done $0x0  }
0xdc: {  	s1 =	simm.s32 $0x1480;
	[sflag:s25] =	ssyncadd.s32 $0xFFFFC180  }
0xdd: {  	[spmem:s2] =	stream.indirect.scatter.add.f32 [tilespmem:s23], [sflag:$0x4], $0x80, s1, s20, $0xb8;
	[tilespmem:$0x1E800] =	vst v63  }
0xde: {  	_ =	swait.ge [sflag:s26], $0x3E80  }
0xdf: {  	[sflag:s26] =	ssyncset.done $0x0  }
0xe0: {  	s4 =	simm.s32 $0x100;
	[sflag:s26] =	ssyncadd.s32 $0xFFFFC180  }
0xe1: {  	[tilespmem:s21], [sflag:$0x1] =	stream.indirect.gather [hbm4b:s13+s20], $0x80, s4, s20, $0xb8;
	[tilespmem:$0x1E800] =	vst v63  }
0xe2: {  	_ =	swait.ge [sflag:s28], $0x3E80  }
0xe3: {  	[sflag:s28] =	ssyncset.done $0x0  }
0xe4: {  	s0 =	simm.s32 $0x400;
	s1 =	simm.s32 $0x180;
	[sflag:s28] =	ssyncadd.s32 $0xFFFFC180  }
.LBB2_8:
0xe5: {  	[tilespmem:s23], [sflag:$0x2] =	stream.indirect.gather [hbm4b:s13+s20], $0x80, s1, s20, $0xb8;
	[tilespmem:$0x1E800] =	vst v63  }
0xe6: {  	s1 =	smov.u32 s0  }
0xe7: {  	p0 =	sne.s32 s0, $0x4800;
	s0 =	sadd.s32 $0x400, s0;
	_ =	swait.ge [sflag:s24], $0x3E80  }
0xe8: {  	s1 =	sshra.s32 s1, $0x2;
	[sflag:s24] =	ssyncset.done $0x0  }
0xe9: {  	s4 =	sadd.s32 $0x1400, s1;
	[sflag:s24] =	ssyncadd.s32 $0xFFFFC180  }
0xea: {  	[spmem:s2] =	stream.indirect.scatter.add.f32 [tilespmem:s21], [sflag:$0x3], $0x80, s4, s20, $0xb8;
	[tilespmem:$0x1E800] =	vst v63  }
0xeb: {  	_ =	swait.ge [sflag:s25], $0x3E80  }
0xec: {  	[sflag:s25] =	ssyncset.done $0x0  }
0xed: {  	s4 =	sadd.s32 $0x1480, s1;
	[sflag:s25] =	ssyncadd.s32 $0xFFFFC180  }
0xee: {  	[spmem:s2] =	stream.indirect.scatter.add.f32 [tilespmem:s23], [sflag:$0x4], $0x80, s4, s20, $0xb8;
	[tilespmem:$0x1E800] =	vst v63  }
0xef: {  	_ =	swait.ge [sflag:s26], $0x3E80  }
0xf0: {  	[sflag:s26] =	ssyncset.done $0x0  }
.Ltmp3:
0xf1: {  	s4 =	sadd.s32 $0x100, s1;
	[sflag:s26] =	ssyncadd.s32 $0xFFFFC180;
	(pc) =	sbr.rel @p0 .LBB2_8-.Ltmp3, $4  }
0xf2: {  	[tilespmem:s21], [sflag:$0x1] =	stream.indirect.gather [hbm4b:s13+s20], $0x80, s4, s20, $0xb8;
	[tilespmem:$0x1E800] =	vst v63  }
0xf3: {  	_ =	swait.ge [sflag:s28], $0x3E80  }
0xf4: {  	[sflag:s28] =	ssyncset.done $0x0  }
0xf5: {  	s1 =	sadd.s32 $0x180, s1;
	[sflag:s28] =	ssyncadd.s32 $0xFFFFC180  }
0xf6: {  	[tilespmem:s23], [sflag:$0x2] =	stream.indirect.gather [hbm4b:s13+s20], $0x80, s1, s20, $0xb8;
	[tilespmem:$0x1E800] =	vst v63  }
0xf7: {  	_ =	swait.ge [sflag:s24], $0x3E80  }
0xf8: {  	[sflag:s24] =	ssyncset.done $0x0  }
0xf9: {  	[sflag:s24] =	ssyncadd.s32 $0xFFFFC180  }
0xfa: {  	[spmem:s2] =	stream.indirect.scatter.add.f32 [tilespmem:s21], [sflag:$0x3], $0x80, s29, s20, $0xb8;
	[tilespmem:$0x1E800] =	vst v63  }
0xfb: {  	_ =	swait.ge [sflag:s25], $0x3E80  }
0xfc: {  	[sflag:s25] =	ssyncset.done $0x0  }
0xfd: {  	[sflag:s25] =	ssyncadd.s32 $0xFFFFC180  }
0xfe: {  	[spmem:s2] =	stream.indirect.scatter.add.f32 [tilespmem:s23], [sflag:$0x4], $0x80, s30, s20, $0xb8;
	[tilespmem:$0x1E800] =	vst v63  }
0xff: {  	_ =	swait.ge [sflag:s26], $0x3E80  }
0x100: {  	[sflag:s26] =	ssyncset.done $0x0  }
0x101: {  	[sflag:s26] =	ssyncadd.s32 $0xFFFFC180  }
0x102: {  	_ =	swait.ge [sflag:s28], $0x3E80  }
0x103: {  	s31 =	sadd.s32 $0x1, s31;
	[sflag:s28] =	ssyncset.done $0x0  }
0x104: {  	p0 =	sne.s32 s31, s14;
	[sflag:s28] =	ssyncadd.s32 $0xFFFFC180  }
.Ltmp4:
0x105: {  	[bflag:$0x0] =	sbarrier.arrive $0xFFFF;
	(pc) =	sbr.rel @p0 .LBB2_1-.Ltmp4, $4  }
0x106: {  	[hbm:s12], [sflag:s16] =	dma.local [spmem:s17], $0x2800  }
0x107: {  	_ =	swait.ge [sflag:s18], $0x2800  }
0x108: {  	[sflag:s18] =	ssyncset.done $0x0  }
0x109: {  	[sflag:s18] =	ssyncadd.s32 $0xFFFFD800  }
0x10a: {  	_ =	sfence.sel $0x180000  }
0x10b: {  	[bflag:$0x0] =	sbarrier.arrive $0xFFFF  }
0x10c: {  	_ =	strace $0x9000004D  }
0x10d: {  	s0 =	stileid.u32;
	[bflag:$0x2] =	sbarrier.arrive $0xFFFF  }
0x10e: {  	p0 =	sne.s32 s0, $0x0;
	s0 =	rddreg [dreg:$0x4]  }
0x10f: {  	s0 =	sadd.s32 @!p0 $0x100000, s0  }
0x110: {  	[sflag:s0] =	ssyncadd.tile.s32 @!p0 $0x1;
	_ =	shalt  }
.Lfunc_end2:
_tile_overlayer_lowered:
.L_overlay_start_2:
0x111: {  	(tag) =	ssettag $0x2  }
0x112: {  	s0 =	rddreg [dreg:$0x0];
	s2 =	stileid.u32  }
0x113: {  	s1 =	rddreg [dreg:$0x1];
	p0 =	sne.s32 s2, $0x0  }
0x114: {  	s3 =	rddreg [dreg:$0x2];
	[bflag:$0x3] =	sbarrier.arrive $0xFFFF;
	s2 =	simm.s32 @!p0 $0x1C05  }
0x115: {  	[timem:s3], [sflag:s2] =	dma.local @!p0 [hbm:s0], s1  }
0x116: {  	s0 =	simm.s32 @!p0 $0x5  }
0x117: {  	_ =	swait.ge @!p0 [sflag:s0], s1  }
0x118: {  	s1 =	ssub.s32 @!p0 $0x0, s1;
	[sflag:s0] =	ssyncset.done @!p0 $0x0  }
0x119: {  	[sflag:s0] =	ssyncadd.s32 @!p0 s1  }
0x11a: {  	[bflag:$0x3] =	sbarrier.arrive $0xFFFF  }
0x11b: {  	_ =	shalt  }

// kernel: kernel.8.cloned.1.call-start
scs
__scs_entry_jumppad:
0x0: {  	(pc) =	sbr.rel $0x88, $3  }
0x1: {  	(tag) =	ssettag $0x0;
	lr =	simm.s32 $0x1  }
0x2: {  	[smem:$0x3F99] =	sst lr;
	_ =	strace $0xD0000000  }
0x3: {  	_ = 	snop  }
0x4: {  	_ = 	snop  }
0x5: {  	_ = 	snop  }
0x6: {  	_ = 	snop  }
0x7: {  	_ = 	snop  }
__scs_overlays_trampoline_lowered:
0x8: {  	[smem:$0x3FA8] =	sst s0  }
0x9: {  	[smem:$0x3FA9] =	sst s1  }
0xa: {  	[smem:$0x3FAA] =	sst s2  }
0xb: {  	[smem:$0x3FAB] =	sst s3  }
0xc: {  	[smem:$0x3FAC] =	sst s4  }
0xd: {  	[smem:$0x3FAD] =	sst s5  }
0xe: {  	[smem:$0x3FAE] =	sst s6  }
0xf: {  	[smem:$0x3FAF] =	sst s7  }
0x10: {  	[smem:$0x3FB0] =	sst s8  }
0x11: {  	[smem:$0x3FB1] =	sst s9;
	s0 =	simm.s32 @!p0 $0x0  }
0x12: {  	s1 =	sld [smem:$0x3F97];
	s0 =	simm.s32 @p0 $0x1  }
0x13: {  	[smem:$0x3FB2] =	sst s0;
	s0 =	simm.s32 @!p1 $0x0  }
0x14: {  	s2 =	sld [smem:$0x3F96];
	s0 =	simm.s32 @p1 $0x1  }
0x15: {  	[smem:$0x3FB3] =	sst s0;
	s0 =	simm.s32 @!p2 $0x0  }
0x16: {  	s3 =	sld [smem:$0x3FDB];
	s0 =	simm.s32 @p2 $0x1  }
0x17: {  	s4 =	simm.s32 $0x1BF5;
	[smem:$0x3FB5] =	sst s0  }
0x18: {  	s0 =	sld [smem:$0x3F98];
	_ =	swait.ge [sflag:s4], $0x0  }
0x19: {  	s7 =	sld [smem:$0x3F99]  }
0x1a: {  	s8 =	sadd.s32 $0xFFFFE003, lr  }
0x1b: {  	s9 =	sadd.s32 $0xFFFFFEF7, lr;
	s5 =	simm.s32 $0xFFFFFFFF;
	p2 =	slt.u32 s8, $0xFFFFF086  }
0x1c: {  	p1 =	slt.u32 s9, $0xF7A;
	s5 =	simm.s32 @!p2 $0x0  }
0x1d: {  	s5 =	simm.s32 @p1 $0x1;
	p0 =	seq.s32 s7, s2  }
0x1e: {  	s7 =	smul.u32 @!p0 $0xF7A, s2;
	p2 =	seq.s32 @!p0 s5, $0x0  }
0x1f: {  	s9 =	smul.u32 $0xF7A, s1;
	s8 =	simm.s32 @!p0 $0x1BF5;
	p2 =	por !p2, p0  }
0x20: {  	[sflag:s8] =	ssyncset.s32 @!p0 $0xFFFFF086;
	s6 =	sadd.s32 @!p0 s3, s7;
	s7 =	simm.s32 @!p0 $0x108  }
0x21: {  	s3 =	sadd.s32 s3, s9;
	s6 =	sadd.s32 @!p0 $0x88, s6;
	s7 =	simm.s32 @p2 $0x1082  }
0x22: {  	[simem:s7], [sflag:s8] =	dma.local @!p0 [hbm:s6], $0xF7A  }
0x23: {  	s9 =	sor.u32 $0xD0000000, s2;
	s6 =	simm.s32 $0x108;
	_ =	swait.ge @!p0 [sflag:s8], $0x0  }
0x24: {  	s3 =	sadd.s32 $0x88, s3;
	s6 =	simm.s32 @!p1 $0x1082;
	[sflag:s4] =	ssyncset.s32 $0xFFFFF086  }
0x25: {  	[simem:s6], [sflag:s4] =	dma.local [hbm:s3], $0xF7A  }
0x26: {  	[smem:$0x3F99] =	sst s1;
	(tag) =	ssettag s2;
	_ =	strace s9  }
0x27: {  	s1 =	sld [smem:$0x3FA9]  }
0x28: {  	s2 =	sld [smem:$0x3FAA]  }
0x29: {  	s4 =	sld [smem:$0x3FAC]  }
0x2a: {  	p0 =	seq.s32 s5, $0x0;
	s5 =	sld [smem:$0x3FAD]  }
0x2b: {  	s6 =	sld [smem:$0x3FAE]  }
0x2c: {  	s7 =	sld [smem:$0x3FAF]  }
0x2d: {  	s3 =	simm.s32 $0x108;
	s8 =	sld [smem:$0x3FB0]  }
0x2e: {  	s3 =	simm.s32 @!p0 $0x1082;
	s9 =	sld [smem:$0x3FB1]  }
0x2f: {  	lr =	sadd.s32 s0, s3;
	s0 =	sld [smem:$0x3FA8]  }
0x30: {  	s3 =	sld [smem:$0x3FAB]  }
0x31: {  	[smem:$0x3FB4] =	sst s10  }
0x32: {  	s10 =	sld [smem:$0x3FB2];
	_ =	sdelay $0x3  }
0x33: {  	p0 =	seq.s32 s10, $0x1;
	s10 =	sld [smem:$0x3FB4];
	_ =	sdelay $0x3  }
0x34: {  	[smem:$0x3FB4] =	sst s10  }
0x35: {  	s10 =	sld [smem:$0x3FB3];
	_ =	sdelay $0x3  }
0x36: {  	p1 =	seq.s32 s10, $0x1;
	s10 =	sld [smem:$0x3FB4];
	_ =	sdelay $0x3  }
0x37: {  	[smem:$0x3FB4] =	sst s10  }
0x38: {  	s10 =	sld [smem:$0x3FB5]  }
0x39: {  	_ = 	snop;
	(pc) =	sbr.ind lr, $3  }
0x3a: {  	_ = 	snop  }
0x3b: {  	_ = 	snop  }
0x3c: {  	p2 =	seq.s32 s10, $0x1;
	s10 =	sld [smem:$0x3FB4]  }
0x3d: {  	_ =	shalt  }
0x3e: {  	_ =	shalt  }
0x3f: {  	_ =	shalt  }
0x40: {  	_ =	shalt  }
0x41: {  	_ =	shalt  }
0x42: {  	_ =	shalt  }
0x43: {  	_ =	shalt  }
0x44: {  	_ =	shalt  }
0x45: {  	_ =	shalt  }
0x46: {  	_ =	shalt  }
0x47: {  	_ =	shalt  }
0x48: {  	_ =	shalt  }
0x49: {  	_ =	shalt  }
0x4a: {  	_ =	shalt  }
0x4b: {  	_ =	shalt  }
0x4c: {  	_ =	shalt  }
0x4d: {  	_ =	shalt  }
0x4e: {  	_ =	shalt  }
0x4f: {  	_ =	shalt  }
0x50: {  	_ =	shalt  }
0x51: {  	_ =	shalt  }
0x52: {  	_ =	shalt  }
0x53: {  	_ =	shalt  }
0x54: {  	_ =	shalt  }
0x55: {  	_ =	shalt  }
0x56: {  	_ =	shalt  }
0x57: {  	_ =	shalt  }
0x58: {  	_ =	shalt  }
0x59: {  	_ =	shalt  }
0x5a: {  	_ =	shalt  }
0x5b: {  	_ =	shalt  }
0x5c: {  	_ =	shalt  }
0x5d: {  	_ =	shalt  }
0x5e: {  	_ =	shalt  }
0x5f: {  	_ =	shalt  }
0x60: {  	_ =	shalt  }
0x61: {  	_ =	shalt  }
0x62: {  	_ =	shalt  }
0x63: {  	_ =	shalt  }
0x64: {  	_ =	shalt  }
0x65: {  	_ =	shalt  }
0x66: {  	_ =	shalt  }
0x67: {  	_ =	shalt  }
0x68: {  	_ =	shalt  }
0x69: {  	_ =	shalt  }
0x6a: {  	_ =	shalt  }
0x6b: {  	_ =	shalt  }
0x6c: {  	_ =	shalt  }
0x6d: {  	_ =	shalt  }
0x6e: {  	_ =	shalt  }
0x6f: {  	_ =	shalt  }
0x70: {  	_ =	shalt  }
0x71: {  	_ =	shalt  }
0x72: {  	_ =	shalt  }
0x73: {  	_ =	shalt  }
0x74: {  	_ =	shalt  }
0x75: {  	_ =	shalt  }
0x76: {  	_ =	shalt  }
0x77: {  	_ =	shalt  }
0x78: {  	_ =	shalt  }
0x79: {  	_ =	shalt  }
0x7a: {  	_ =	shalt  }
0x7b: {  	_ =	shalt  }
0x7c: {  	_ =	shalt  }
0x7d: {  	_ =	shalt  }
0x7e: {  	_ =	shalt  }
0x7f: {  	_ =	shalt  }
0x80: {  	_ =	shalt  }
0x81: {  	_ =	shalt  }
0x82: {  	_ =	shalt  }
0x83: {  	_ =	shalt  }
0x84: {  	_ =	shalt  }
0x85: {  	_ =	shalt  }
0x86: {  	_ =	shalt  }
0x87: {  	_ =	shalt  }
.Lfunc_end0:
.L_simem_size_0:
called_computation_lowered:
.L_overlay_start_0:
0x88: {  	s2 =	sld [smem:$0x3FD9]  }
0x89: {  	s3 =	sld [smem:$0x3FFE];
	_ =	sdelay $0x1  }
0x8a: {  	s1 =	srdreg.scid  }
0x8b: {  	s0 =	sand.u32 $0x1, s1  }
0x8c: {  	s14 =	sshll.u32 s0, $0xA;
	s2 =	sadd.s32 s3, s2  }
0x8d: {  	s2 =	sadd.s32 s2, s14  }
0x8e: {  	[smem:$0x3FC0] =	sst s2  }
0x8f: {  	_ = 	snop  }
0x90: {  	s2 =	sld [smem:$0x3FD0];
	_ =	sdelay $0x2  }
0x91: {  	s15 =	simm.s32 $0xA;
	s4 =	simm.s32 $0x10  }
0x92: {  	[smem:s4], [sflag:s15] =	dma.local [hbm:s2], $0x1  }
0x93: {  	_ =	swait.eq [sflag:s15], $0x1  }
0x94: {  	[sflag:s15] =	ssyncset.done $0x0  }
0x95: {  	[sflag:s15] =	ssyncadd.s32 $0xFFFFFFFF  }
0x96: {  	s16 =	sld [smem:$0x11];
	(tm) =	ssettm $0x1  }
0x97: {  	s17 =	sld [smem:$0x3FFB];
	_ =	sdelay $0x3  }
0x98: {  	_ =	strace s17  }
0x99: {  	s3 =	sld [smem:$0x3FFC];
	_ =	sdelay $0x3  }
0x9a: {  	_ =	strace s3  }
0x9b: {  	s3 =	sld [smem:$0x3FFD];
	_ =	sdelay $0x3  }
0x9c: {  	_ =	strace s3  }
0x9d: {  	_ =	strace $0x8FFFFFFF  }
0x9e: {  	s18 =	sld [smem:$0x3FDB];
	_ =	sdelay $0x1  }
0x9f: {  	s19 =	simm.s32 $_scs_section_size  }
0xa0: {  	s5 =	simm.s32 $_size__tile_overlayer_lowered;
	s6 =	simm.s32 $_tile_overlayer_lowered  }
0xa1: {  	s22 =	simm.s32 $0x1BFF;
	s21 =	sshll.u32 s6, $0x1;
	s3 =	sadd.s32 s19, s18  }
0xa2: {  	s7 =	simm.s32 $0x0;
	s20 =	sshll.u32 s5, $0x1;
	s5 =	sadd.s32 s21, s3  }
0xa3: {  	[timem:s7], [sflag:s22] =	dma.local [hbm:s5], s20  }
0xa4: {  	_ =	swait.ge [sflag:s22], s20  }
0xa5: {  	s4 =	ssub.s32 $0x0, s20;
	[sflag:s22] =	ssyncset.done $0x0  }
0xa6: {  	[sflag:s22] =	ssyncadd.s32 s4;
	_ =	sdelay $0x1  }
0xa7: {  	s23 =	simm.s32 $0x1B8B  }
0xa8: {  	_ =	swait.ge [sflag:s23], $0x1  }
0xa9: {  	[sflag:s23] =	ssyncset.done $0x0  }
0xaa: {  	s25 =	simm.s32 $0x1B8E;
	s24 =	sld [smem:$0x3FFE];
	[sflag:s23] =	ssyncadd.s32 $0xFFFFFFFF  }
0xab: {  	s26 =	simm.s32 $execute0_lowered;
	[smem:$0x3FD2] =	sst s25  }
0xac: {  	s5 =	sshll.u32 s26, $0x1;
	_ =	strace $0x80000046;
	[dreg:$0x1] =	wrdreg $0xFFFFFFFF  }
0xad: {  	s28 =	simm.s32 $_size_execute0_lowered;
	s3 =	sadd.s32 s3, s5;
	[dreg:$0x0] =	wrdreg $0x0  }
0xae: {  	s5 =	sshll.u32 s28, $0x1;
	[dreg:$0x2] =	wrdreg s3  }
0xaf: {  	[dreg:$0x3] =	wrdreg s5  }
0xb0: {  	[dreg:$0x4] =	wrdreg $0xC0  }
0xb1: {  	_ =	task [dreg:s7], $0x5FFFF  }
0xb2: {  	[dreg:$0x1] =	wrdreg $0xFFFFFFFF  }
0xb3: {  	[dreg:$0x0] =	wrdreg $0x60  }
0xb4: {  	[dreg:$0x2] =	wrdreg s16  }
0xb5: {  	[dreg:$0x3] =	wrdreg s24  }
0xb6: {  	[dreg:$0x4] =	wrdreg $0x68000  }
0xb7: {  	[dreg:$0x5] =	wrdreg $0x9  }
0xb8: {  	_ =	task.clear_ibuf [dreg:s7], $0x6FFFF;
	_ =	strace $0x90000046  }
0xb9: {  	s29 =	simm.s32 $0x9;
	_ =	strace $0x80000048  }
0xba: {  	_ =	swait.ge [sflag:s29], $0x1  }
0xbb: {  	[sflag:s29] =	ssyncadd.s32 $0xFFFFFFFF  }
0xbc: {  	_ =	strace $0x90000048  }
0xbd: {  	_ =	sfence  }
0xbe: {  	s30 =	sld [smem:$0x0];
	_ =	sdelay $0x2  }
0xbf: {  	s31 =	sshll.u32 s1, $0xD;
	s1 =	sshrl.u32 s1, $0x2  }
0xc0: {  	s3 =	sand.u32 $0x4000, s31;
	s1 =	sadd.s32 s1, s30  }
0xc1: {  	s0 =	sor.u32 s3, s0;
	s1 =	sshll.u32 s1, $0x11  }
0xc2: {  	s0 =	sor.u32 s1, s0  }
0xc3: {  	s0 =	sadd.s32 $0x8F2B, s0  }
0xc4: {  	[sflag:s0] =	ssyncadd.remote.s32 $0x1  }
0xc5: {  	_ =	sfence.sel $0xFFFF  }
0xc6: {  	[dreg:$0x0] =	wrdreg $0xFFFFFFFF;
	(pc) =	sbr.abs _section_cstart, $3  }
0xc7: {  	[dreg:$0x1] =	wrdreg $0xFFFFFFFF  }
0xc8: {  	_ =	task.clear_ibuf [dreg:s7], $0x2FFFF;
	_ =	strace $0x9FFFFFFF  }
0xc9: {  	(tm) =	ssettm $0x7FFFFFFF  }
tec
execute0_lowered:
.L_overlay_start_1:
0x0: {  	(tag) =	ssettag $0x1  }
0x1: {  	s5 =	rddreg [dreg:$0x0]  }
0x2: {  	s6 =	rddreg [dreg:$0x1];
	s1 =	srdreg.scid  }
0x3: {  	s0 =	stileid.u32;
	s2 =	rddreg [dreg:$0x2];
	s3 =	simm.s32 $0x0  }
0x4: {  	s13 =	simm.s32 $0x7D;
	s14 =	simm.s32 $0x80;
	s15 =	simm.s32 $0x100  }
0x5: {  	s16 =	simm.s32 $0x180;
	s17 =	simm.s32 $0x1;
	s8 =	smul.u32 $0x2800, s0  }
0x6: {  	s7 =	sand.u32 $0x1, s1;
	s1 =	rddreg [dreg:$0x3];
	s11 =	smul.u32 $0x500, s0  }
0x7: {  	s18 =	simm.s32 $0x0;
	[smem:$0x7FF] =	sst s3;
	s12 =	smul.u32 $0x50000, s0  }
0x8: {  	s4 =	sadd.s32 $0x2600, s6;
	s31 =	sshll.u32 s0, $0x6;
	s9 =	smul.u32 $0x28000, s7  }
0x9: {  	s10 =	smul.u32 $0x5000, s7;
	_ =	strace $0x80000047;
	s7 =	ssub.s32 $0x2, s7  }
0xa: {  	s28 =	sshrl.u32 s7, $0x1;
	s30 =	sshrl.u32 s12, $0x2;
	s9 =	sadd.s32 s8, s9  }
0xb: {  	s10 =	sadd.s32 s11, s10;
	s29 =	ssub.s32 s7, s28;
	s12 =	sadd.s32 s30, s2  }
0xc: {  	s11 =	sor.u32 $0x1C02, s31;
	s9 =	sadd.s32 s9, s6;
	s5 =	sadd.s32 s5, s10  }
0xd: {  	s6 =	sadd.s32 s4, s8;
	s8 =	smax.u32 s29, $0x1;
	s10 =	simm.s32 $0x2800  }
0xe: {  	s12 =	sshrl.u32 s12, $0x3;
	s7 =	sadd.s32 $0x2A600, s9;
	s9 =	simm.s32 $0x2  }
.LBB2_1:
0xf: {  	[tilespmem:s3], [sflag:$0x2] =	stream.linear.gather [hbm4b:s5+s3], $0x2800, $0x38;
	[tilespmem:$0x9000] =	vst v63  }
0x10: {  	_ =	swait.ge [sflag:s9], $0x2800  }
0x11: {  	[sflag:s9] =	ssyncset.done $0x0  }
0x12: {  	[sflag:s9] =	ssyncadd.s32 $0xFFFFD800  }
0x13: {  	[tilespmem:s10], [sflag:$0x2] =	stream.linear.gather [hbm4b:s4+s3], $0x4000, $0x38;
	[tilespmem:$0x9000] =	vst v63  }
0x14: {  	_ =	swait.ge [sflag:s9], $0x4000  }
0x15: {  	[sflag:s9] =	ssyncset.done $0x0  }
0x16: {  	[sflag:s9] =	ssyncadd.s32 $0xFFFFC000  }
0x17: {  	[spmem:s12], [sflag:s11] =	dma.local [hbm:s6], $0x2800  }
0x18: {  	_ =	swait.ge [sflag:s9], $0x2800  }
0x19: {  	[sflag:s9] =	ssyncset.done $0x0  }
0x1a: {  	[sflag:s9] =	ssyncadd.s32 $0xFFFFD800  }
0x1b: {  	[bflag:$0x0] =	sbarrier.arrive $0xFFFF  }
0x1c: {  	[spmem:s2] =	stream.indirect.scatter.add.f32 [tilespmem:s10], [sflag:$0x1], $0x10, s3, s13, $0xb8;
	[tilespmem:$0x9000] =	vst v63  }
0x1d: {  	_ = 	snop  }
0x1e: {  	[spmem:s2] =	stream.indirect.scatter.add.f32 [tilespmem:s10], [sflag:$0x1], $0x10, s14, s13, $0xb8;
	[tilespmem:$0x9000] =	vst v63  }
0x1f: {  	_ = 	snop  }
0x20: {  	[spmem:s2] =	stream.indirect.scatter.add.f32 [tilespmem:s10], [sflag:$0x1], $0x10, s15, s13, $0xb8;
	[tilespmem:$0x9000] =	vst v63  }
0x21: {  	_ = 	snop  }
0x22: {  	[spmem:s2] =	stream.indirect.scatter.add.f32 [tilespmem:s10], [sflag:$0x1], $0x10, s16, s13, $0xb8;
	[tilespmem:$0x9000] =	vst v63  }
0x23: {  	_ =	swait.ge [sflag:s17], $0x7D0  }
0x24: {  	[sflag:s17] =	ssyncset.done $0x0  }
0x25: {  	s19 =	simm.s32 $0xA00;
	s20 =	simm.s32 $0x200;
	[sflag:s17] =	ssyncadd.s32 $0xFFFFF830  }
.LBB2_2:
0x26: {  	[spmem:s2] =	stream.indirect.scatter.add.f32 [tilespmem:s10], [sflag:$0x1], $0x10, s20, s13, $0xb8;
	[tilespmem:$0x9000] =	vst v63  }
0x27: {  	s20 =	smov.u32 s19;
	p0 =	sne.s32 s19, $0x9E00  }
.Ltmp0:
0x28: {  	s19 =	sadd.s32 $0x200, s19;
	(pc) =	sbr.rel @p0 .LBB2_2-.Ltmp0, $4  }
0x29: {  	_ = 	snop  }
0x2a: {  	_ =	swait.ge [sflag:s17], $0x7D0  }
0x2b: {  	[sflag:s17] =	ssyncset.done $0x0  }
0x2c: {  	s20 =	sshra.s32 s20, $0x2;
	[sflag:s17] =	ssyncadd.s32 $0xFFFFF830  }
0x2d: {  	[spmem:s2] =	stream.indirect.scatter.add.f32 [tilespmem:s10], [sflag:$0x1], $0x10, s20, s13, $0xb8;
	[tilespmem:$0x9000] =	vst v63  }
0x2e: {  	_ =	swait.ge [sflag:s17], $0x7D0  }
0x2f: {  	[sflag:s17] =	ssyncset.done $0x0  }
0x30: {  	[sflag:s17] =	ssyncadd.s32 $0xFFFFF830  }
0x31: {  	_ =	swait.ge [sflag:s17], $0x7D0  }
0x32: {  	[sflag:s17] =	ssyncset.done $0x0  }
0x33: {  	[sflag:s17] =	ssyncadd.s32 $0xFFFFF830  }
0x34: {  	_ =	swait.ge [sflag:s17], $0x7D0  }
0x35: {  	[sflag:s17] =	ssyncset.done $0x0  }
0x36: {  	[sflag:s17] =	ssyncadd.s32 $0xFFFFF830  }
0x37: {  	_ =	swait.ge [sflag:s17], $0x7D0  }
0x38: {  	s18 =	sadd.s32 $0x1, s18;
	[sflag:s17] =	ssyncset.done $0x0  }
0x39: {  	p0 =	sne.s32 s18, s8;
	[sflag:s17] =	ssyncadd.s32 $0xFFFFF830  }
.Ltmp1:
0x3a: {  	[bflag:$0x0] =	sbarrier.arrive $0xFFFF;
	(pc) =	sbr.rel @p0 .LBB2_1-.Ltmp1, $4  }
0x3b: {  	[hbm:s7], [sflag:s11] =	dma.local [spmem:s12], $0x2800  }
0x3c: {  	_ =	swait.ge [sflag:s9], $0x2800  }
0x3d: {  	[sflag:s9] =	ssyncset.done $0x0  }
0x3e: {  	[sflag:s9] =	ssyncadd.s32 $0xFFFFD800  }
0x3f: {  	_ =	sfence.sel $0x180000  }
0x40: {  	[bflag:$0x0] =	sbarrier.arrive $0xFFFF  }
0x41: {  	p0 =	sne.s32 s0, $0x0;
	_ =	strace $0x90000047  }
0x42: {  	s0 =	sadd.s32 @!p0 $0x100000, s1;
	[bflag:$0x2] =	sbarrier.arrive $0xFFFF  }
0x43: {  	[sflag:s0] =	ssyncadd.tile.s32 @!p0 $0x1;
	_ =	shalt  }
.Lfunc_end2:
_tile_overlayer_lowered:
.L_overlay_start_2:
0x44: {  	(tag) =	ssettag $0x2  }
0x45: {  	s0 =	rddreg [dreg:$0x0];
	s2 =	stileid.u32  }
0x46: {  	s1 =	rddreg [dreg:$0x1];
	p0 =	sne.s32 s2, $0x0  }
0x47: {  	s3 =	rddreg [dreg:$0x2];
	[bflag:$0x3] =	sbarrier.arrive $0xFFFF;
	s2 =	simm.s32 @!p0 $0x1C02  }
0x48: {  	[timem:s3], [sflag:s2] =	dma.local @!p0 [hbm:s0], s1  }
0x49: {  	s0 =	simm.s32 @!p0 $0x2  }
0x4a: {  	_ =	swait.ge @!p0 [sflag:s0], s1  }
0x4b: {  	s1 =	ssub.s32 @!p0 $0x0, s1;
	[sflag:s0] =	ssyncset.done @!p0 $0x0  }
0x4c: {  	[sflag:s0] =	ssyncadd.s32 @!p0 s1  }
0x4d: {  	[bflag:$0x3] =	sbarrier.arrive $0xFFFF  }
0x4e: {  	_ =	shalt  }

</sc_bundles>
